<compile_context>
chip_gen: v7x
topology: tpu7x:2x2x1
jax: 0.10.2.dev20260603
libtpu: 0.0.44.dev20260713+nightly
codegen_flags: <defaults>
</compile_context>

<pallas_src>
import functools

import jax
import jax.numpy as jnp
from jax import lax
from jax.experimental import pallas as pl
from jax.experimental.pallas import tpu as pltpu
from jax.experimental.pallas import tpu_sc as plsc

N_NODES = 10000
N_PAD = 10240
N_EDGES = 320000
D_FEAT = 128
D_EDGE = 16
H = 128

NC = 2
NS = 16
NW = NC * NS
E_PER_W = N_EDGES // NW
GC = 80
N_CH = E_PER_W // GC
ROWS_PER_TILE = N_PAD // NS

f32 = jnp.float32


@functools.lru_cache(maxsize=None)
def _sc_mesh():
    return plsc.VectorSubcoreMesh(core_axis_name="c", subcore_axis_name="s")


bf16 = jnp.bfloat16


def _gather_body(n_edges, gc, p_hbm, q_hbm, src_hbm, dst_hbm, outp_hbm,
                 outq_hbm,
                 idx_s0, idx_d0, idx_s1, idx_d1,
                 rows_p0, rows_q0, rows_p1, rows_q1,
                 sem_p0, sem_q0, sem_p1, sem_q1):
    e_per_w = n_edges // NW
    n_ch = e_per_w // gc
    GC = gc
    N_CH = n_ch
    wid = lax.axis_index("s") * NC + lax.axis_index("c")
    base0 = wid * e_per_w
    idx = ((idx_s0, idx_d0), (idx_s1, idx_d1))
    rows = ((rows_p0, rows_q0), (rows_p1, rows_q1))
    sems = ((sem_p0, sem_q0), (sem_p1, sem_q1))

    def fire(ci, b):
        base = base0 + ci * GC
        pltpu.sync_copy(src_hbm.at[pl.ds(base, GC)], idx[b][0])
        pltpu.sync_copy(dst_hbm.at[pl.ds(base, GC)], idx[b][1])
        pltpu.async_copy(p_hbm.at[idx[b][0]], rows[b][0], sems[b][0])
        pltpu.async_copy(q_hbm.at[idx[b][1]], rows[b][1], sems[b][1])

    def drain_store(ci, b):
        pltpu.make_async_copy(p_hbm.at[idx[b][0]], rows[b][0],
                              sems[b][0]).wait()
        pltpu.make_async_copy(q_hbm.at[idx[b][1]], rows[b][1],
                              sems[b][1]).wait()
        base = base0 + ci * GC
        pltpu.sync_copy(rows[b][0], outp_hbm.at[pl.ds(base, GC)])
        pltpu.sync_copy(rows[b][1], outq_hbm.at[pl.ds(base, GC)])

    fire(0, 0)

    def body(j, carry):
        c0 = j * 2
        fire(c0 + 1, 1)
        drain_store(c0, 0)

        @pl.when(c0 + 2 < N_CH)
        def _():
            fire(c0 + 2, 0)

        drain_store(c0 + 1, 1)
        return carry

    lax.fori_loop(0, N_CH // 2, body, 0)
    if N_CH % 2 == 1:
        drain_store(N_CH - 1, 0)


@functools.lru_cache(maxsize=None)
def _gather_pq_fn(n_edges=N_EDGES, gc=GC):
    return pl.kernel(
        functools.partial(_gather_body, n_edges, gc),
        out_type=(jax.ShapeDtypeStruct((n_edges, H), f32),
                  jax.ShapeDtypeStruct((n_edges, H), f32)),
        mesh=_sc_mesh(),
        scratch_types=[
            pltpu.VMEM((gc,), jnp.int32),
            pltpu.VMEM((gc,), jnp.int32),
            pltpu.VMEM((gc,), jnp.int32),
            pltpu.VMEM((gc,), jnp.int32),
            pltpu.VMEM((gc, H), f32),
            pltpu.VMEM((gc, H), f32),
            pltpu.VMEM((gc, H), f32),
            pltpu.VMEM((gc, H), f32),
            pltpu.SemaphoreType.DMA,
            pltpu.SemaphoreType.DMA,
            pltpu.SemaphoreType.DMA,
            pltpu.SemaphoreType.DMA,
        ],
    )


def _scatter_body(n_edges, gc, vals_hbm, dst_hbm, zeros_hbm, out_hbm,
                  idx0, idx1, val0, val1,
                  semi0, semv0, semi1, semv1, acc_sh):
    e_per_w = n_edges // NW
    GC = gc
    N_CH = e_per_w // gc
    cid = lax.axis_index("c")
    sid = lax.axis_index("s")
    wid = sid * NC + cid
    row0 = sid * ROWS_PER_TILE
    base0 = wid * e_per_w
    idx = (idx0, idx1)
    val = (val0, val1)
    semi = (semi0, semi1)
    semv = (semv0, semv1)

    pltpu.sync_copy(zeros_hbm.at[pl.ds(row0, ROWS_PER_TILE)],
                    acc_sh.at[pl.ds(row0, ROWS_PER_TILE)])
    plsc.subcore_barrier()

    def fire(ci, b):
        base = base0 + ci * GC
        pltpu.async_copy(dst_hbm.at[pl.ds(base, GC)], idx[b], semi[b])
        pltpu.async_copy(vals_hbm.at[pl.ds(base, GC)], val[b], semv[b])

    def scat(ci, b):
        base = base0 + ci * GC
        pltpu.make_async_copy(dst_hbm.at[pl.ds(base, GC)], idx[b],
                              semi[b]).wait()
        pltpu.make_async_copy(vals_hbm.at[pl.ds(base, GC)], val[b],
                              semv[b]).wait()
        pltpu.sync_copy(val[b], acc_sh.at[idx[b]], add=True)

    fire(0, 0)

    def body(j, carry):
        c0 = j * 2
        fire(c0 + 1, 1)
        scat(c0, 0)

        @pl.when(c0 + 2 < N_CH)
        def _():
            fire(c0 + 2, 0)

        scat(c0 + 1, 1)
        return carry

    lax.fori_loop(0, N_CH // 2, body, 0)
    if N_CH % 2 == 1:
        scat(N_CH - 1, 0)
    plsc.subcore_barrier()

    pltpu.sync_copy(acc_sh.at[pl.ds(row0, ROWS_PER_TILE)],
                    out_hbm.at[cid, pl.ds(row0, ROWS_PER_TILE)])


@functools.lru_cache(maxsize=None)
def _scatter_add_fn(n_edges=N_EDGES, gc=GC):
    return pl.kernel(
        functools.partial(_scatter_body, n_edges, gc),
        out_type=jax.ShapeDtypeStruct((NC, N_PAD, H), f32),
        mesh=_sc_mesh(),
        scratch_types=[
            pltpu.VMEM((gc,), jnp.int32),
            pltpu.VMEM((gc,), jnp.int32),
            pltpu.VMEM((gc, H), f32),
            pltpu.VMEM((gc, H), f32),
            pltpu.SemaphoreType.DMA,
            pltpu.SemaphoreType.DMA,
            pltpu.SemaphoreType.DMA,
            pltpu.SemaphoreType.DMA,
            pltpu.VMEM_SHARED((N_PAD, H), f32),
        ],
    )


def _pq_body(x_ref, wa_ref, wb_ref, p_ref, q_ref):
    xv = x_ref[...]
    p_ref[...] = jnp.dot(xv, wa_ref[...], preferred_element_type=f32)
    q_ref[...] = jnp.dot(xv, wb_ref[...], preferred_element_type=f32)


BN1 = 2000


def _compute_pq(x, wa, wb):
    return pl.pallas_call(
        _pq_body,
        grid=(N_NODES // BN1,),
        in_specs=[
            pl.BlockSpec((BN1, D_FEAT), lambda i: (i, 0)),
            pl.BlockSpec((D_FEAT, H), lambda i: (0, 0)),
            pl.BlockSpec((D_FEAT, H), lambda i: (0, 0)),
        ],
        out_specs=[
            pl.BlockSpec((BN1, H), lambda i: (i, 0)),
            pl.BlockSpec((BN1, H), lambda i: (i, 0)),
        ],
        out_shape=[
            jax.ShapeDtypeStruct((N_NODES, H), f32),
            jax.ShapeDtypeStruct((N_NODES, H), f32),
        ],
    )(x, wa, wb)


BE = 2560


def _edge_body(ps_ref, qd_ref, ea_ref, we1e_ref, be1_ref, we2_ref, be2_ref,
               wn1b_ref, out_ref, msg_ref):
    r = jnp.dot(ea_ref[...], we1e_ref[...], preferred_element_type=f32)
    h = jnp.maximum(ps_ref[...] + qd_ref[...] + r + be1_ref[...], 0.0)
    new_e = jnp.dot(h, we2_ref[...], preferred_element_type=f32) \
        + be2_ref[...]
    out_ref[...] = new_e
    msg_ref[...] = jnp.dot(new_e, wn1b_ref[...], preferred_element_type=f32)


def _edge_mlp(psrc, qdst, ea, we1e, be1, we2, be2, wn1b):
    n_edges = psrc.shape[0]
    return pl.pallas_call(
        _edge_body,
        grid=(n_edges // BE,),
        in_specs=[
            pl.BlockSpec((BE, H), lambda i: (i, 0)),
            pl.BlockSpec((BE, H), lambda i: (i, 0)),
            pl.BlockSpec((BE, D_EDGE), lambda i: (i, 0)),
            pl.BlockSpec((D_EDGE, H), lambda i: (0, 0)),
            pl.BlockSpec((1, H), lambda i: (0, 0)),
            pl.BlockSpec((H, D_EDGE), lambda i: (0, 0)),
            pl.BlockSpec((1, D_EDGE), lambda i: (0, 0)),
            pl.BlockSpec((D_EDGE, H), lambda i: (0, 0)),
        ],
        out_specs=[
            pl.BlockSpec((BE, D_EDGE), lambda i: (i, 0)),
            pl.BlockSpec((BE, H), lambda i: (i, 0)),
        ],
        out_shape=[
            jax.ShapeDtypeStruct((n_edges, D_EDGE), f32),
            jax.ShapeDtypeStruct((n_edges, H), f32),
        ],
    )(psrc, qdst, ea, we1e, be1, we2, be2, wn1b)


BN2 = 2000


def _node_body(x_ref, *refs):
    out_ref = refs[-1]
    wn1a_ref, bn1_ref, wn2_ref, bn2_ref = refs[-5:-1]
    agg = refs[0][0]
    for r in refs[1:-5]:
        agg = agg + r[0]
    hn = jnp.maximum(
        jnp.dot(x_ref[...], wn1a_ref[...], preferred_element_type=f32)
        + agg + bn1_ref[...], 0.0)
    out_ref[...] = jnp.dot(hn, wn2_ref[...], preferred_element_type=f32) \
        + bn2_ref[...]


def _node_mlp(x, agg_parts, wn1a, bn1, wn2, bn2):
    part_specs = []
    part_args = []
    for part in agg_parts:
        for c in range(NC):
            part_specs.append(
                pl.BlockSpec((1, BN2, H), lambda i, c=c: (c, i, 0)))
            part_args.append(part)
    return pl.pallas_call(
        _node_body,
        grid=(N_NODES // BN2,),
        in_specs=[
            pl.BlockSpec((BN2, D_FEAT), lambda i: (i, 0)),
            *part_specs,
            pl.BlockSpec((D_FEAT, H), lambda i: (0, 0)),
            pl.BlockSpec((1, H), lambda i: (0, 0)),
            pl.BlockSpec((H, D_FEAT), lambda i: (0, 0)),
            pl.BlockSpec((1, D_FEAT), lambda i: (0, 0)),
        ],
        out_specs=pl.BlockSpec((BN2, D_FEAT), lambda i: (i, 0)),
        out_shape=jax.ShapeDtypeStruct((N_NODES, D_FEAT), f32),
    )(x, *part_args, wn1a, bn1, wn2, bn2)


def kernel(x, edge_index, edge_attr, We1, be1, We2, be2, Wn1, bn1, Wn2, bn2):
    src = edge_index[0].astype(jnp.int32)
    dst = edge_index[1].astype(jnp.int32)
    we1a = We1[:D_FEAT]
    we1b = We1[D_FEAT:2 * D_FEAT]
    we1e = We1[2 * D_FEAT:]
    wn1a = Wn1[:D_FEAT]
    wn1b = Wn1[D_FEAT:]

    p, q = _compute_pq(x, we1a, we1b)
    zeros = jnp.zeros((N_PAD, H), f32)
    splits = [(0, 163840, 80), (163840, 156160, 80)]
    gc = 80
    parts = []
    new_es = []
    for off, eh, ggc in splits:
        src_s = src[off:off + eh]
        dst_s = dst[off:off + eh]
        ea_s = edge_attr[off:off + eh]
        psrc, qdst = _gather_pq_fn(eh, ggc)(p, q, src_s, dst_s)
        new_e, msgs = _edge_mlp(psrc, qdst, ea_s, we1e,
                                be1.reshape(1, H), We2,
                                be2.reshape(1, D_EDGE), wn1b)
        parts.append(_scatter_add_fn(eh, gc)(msgs, dst_s, zeros))
        new_es.append(new_e)
    new_edge_attr = jnp.concatenate(new_es, axis=0)
    new_x = _node_mlp(x, parts, wn1a, bn1.reshape(1, H), Wn2,
                      bn2.reshape(1, D_FEAT))
    return (new_x, new_edge_attr)

# --- scband reference (transcript-rebuilt; emitter-appended) ---
"""Pipeline reference for scband-meta-layer-17910013624370 (READ-ONLY COPY).

The authoritative reference and input builder live on the scoring server;
editing this copy changes nothing except your own understanding.
"""

import jax, jax.numpy as jnp
import numpy as np

N_NODES = 10000
N_EDGES = 320000
D_FEAT = 128
D_EDGE = 16
H = 128


def setup_inputs(seed: int = 0) -> dict:
    key = jax.random.key(seed)
    ks = jax.random.split(key, 12)
    x = jax.random.normal(ks[0], (N_NODES, D_FEAT), dtype=jnp.float32)
    edge_index = jax.random.randint(ks[1], (2, N_EDGES), 0, N_NODES, dtype=jnp.int64)
    edge_attr = jax.random.normal(ks[2], (N_EDGES, D_EDGE), dtype=jnp.float32)
    # Edge model MLP: concat([x_src, x_dest, edge_attr]) (2*D_FEAT+D_EDGE) -> H -> D_EDGE
    e_in = 2 * D_FEAT + D_EDGE
    We1 = jax.random.normal(ks[3], (e_in, H), dtype=jnp.float32) * (1.0 / np.sqrt(e_in))
    be1 = jnp.zeros((H,), dtype=jnp.float32)
    We2 = jax.random.normal(ks[4], (H, D_EDGE), dtype=jnp.float32) * (1.0 / np.sqrt(H))
    be2 = jnp.zeros((D_EDGE,), dtype=jnp.float32)
    # Node model MLP: concat([x, agg_edge]) (D_FEAT+D_EDGE) -> H -> D_FEAT
    n_in = D_FEAT + D_EDGE
    Wn1 = jax.random.normal(ks[5], (n_in, H), dtype=jnp.float32) * (1.0 / np.sqrt(n_in))
    bn1 = jnp.zeros((H,), dtype=jnp.float32)
    Wn2 = jax.random.normal(ks[6], (H, D_FEAT), dtype=jnp.float32) * (1.0 / np.sqrt(H))
    bn2 = jnp.zeros((D_FEAT,), dtype=jnp.float32)
    return {"x": x, "edge_index": edge_index, "edge_attr": edge_attr,
            "We1": We1, "be1": be1, "We2": We2, "be2": be2,
            "Wn1": Wn1, "bn1": bn1, "Wn2": Wn2, "bn2": bn2}


def reference(x, edge_index, edge_attr, We1, be1, We2, be2, Wn1, bn1, Wn2, bn2):
    src = edge_index[0]
    dest = edge_index[1]
    # edge_model(x[src], x[dest], edge_attr, u=None, batch=None)
    e_feat = jnp.concatenate([jnp.take(x, src, axis=0), jnp.take(x, dest, axis=0), edge_attr], axis=-1)
    h = jnp.maximum(e_feat @ We1 + be1, 0.0)
    new_edge_attr = h @ We2 + be2
    # node_model(x, edge_index, edge_attr, f=None, u=None, batch=None)
    agg = jax.ops.segment_sum(new_edge_attr, dest, num_segments=x.shape[0])
    n_feat = jnp.concatenate([x, agg], axis=-1)
    hn = jnp.maximum(n_feat @ Wn1 + bn1, 0.0)
    new_x = hn @ Wn2 + bn2
    return (new_x, new_edge_attr)

if __name__ == "__main__":
    import jax
    _d = setup_inputs()
    print(jax.jit(kernel)(*tuple(_d.values())))

</pallas_src>

<mosaic_0001>
#map = affine_map<(d0, d1) -> (0, 0)>
#map1 = affine_map<(d0, d1) -> (0)>
module attributes {stable_mosaic.version = 14 : i64} {
  func.func @_gather_body(%arg0: i32, %arg1: i32, %arg2: memref<10000x128xf32, #tpu.memory_space<hbm>>, %arg3: memref<10000x128xf32, #tpu.memory_space<hbm>>, %arg4: memref<156160xi32, #tpu.memory_space<hbm>>, %arg5: memref<156160xi32, #tpu.memory_space<hbm>>, %arg6: memref<156160x128xf32, #tpu.memory_space<hbm>>, %arg7: memref<156160x128xf32, #tpu.memory_space<hbm>>, %arg8: memref<80xi32, #tpu.memory_space<vmem>>, %arg9: memref<80xi32, #tpu.memory_space<vmem>>, %arg10: memref<80xi32, #tpu.memory_space<vmem>>, %arg11: memref<80xi32, #tpu.memory_space<vmem>>, %arg12: memref<80x128xf32, #tpu.memory_space<vmem>>, %arg13: memref<80x128xf32, #tpu.memory_space<vmem>>, %arg14: memref<80x128xf32, #tpu.memory_space<vmem>>, %arg15: memref<80x128xf32, #tpu.memory_space<vmem>>, %arg16: memref<!tpu.dma_semaphore, #tpu.memory_space<semaphore_mem>>, %arg17: memref<!tpu.dma_semaphore, #tpu.memory_space<semaphore_mem>>, %arg18: memref<!tpu.dma_semaphore, #tpu.memory_space<semaphore_mem>>, %arg19: memref<!tpu.dma_semaphore, #tpu.memory_space<semaphore_mem>>) attributes {dimension_semantics = [#tpu.dimension_semantics<core_parallel>, #tpu.dimension_semantics<subcore_parallel>], iteration_bounds = array<i64: 2, 16>, scalar_prefetch = 0 : i64, scratch_operands = 12 : i64, tpu.core_type = #tpu.core_type<sc_vector_subcore>, window_params = [{transform_indices = #map}, {transform_indices = #map}, {transform_indices = #map1}, {transform_indices = #map1}, {transform_indices = #map}, {transform_indices = #map}]} {
    %mul3A = arith.constant 2 : i32
    %mul3A_0 = arith.muli %arg1, %mul3A : i32
    %add3A = arith.addi %mul3A_0, %arg0 : i32
    %mul3A_1 = arith.constant 4880 : i32
    %mul3A_2 = arith.muli %add3A, %mul3A_1 : i32
    %add3A_3 = arith.constant 0 : i32
    %add3A_4 = arith.addi %mul3A_2, %add3A_3 : i32
    "tpu.region"() ({
      %run_scoped3A = tpu.sem_alloc : memref<!tpu.dma_semaphore, #tpu.memory_space<semaphore_mem>>
      %dma_start3A_22 = tpu.memref_slice %arg4[%add3A_4] : memref<156160xi32, #tpu.memory_space<hbm>> -> memref<80xi32, #tpu.memory_space<hbm>>
      %dma_start3A_23 = tpu.memref_slice %arg4[%add3A_4] : memref<156160xi32, #tpu.memory_space<hbm>> -> memref<80xi32, #tpu.memory_space<hbm>>
      tpu.enqueue_dma source(%dma_start3A_23 : memref<80xi32, #tpu.memory_space<hbm>>) target(%arg8 : memref<80xi32, #tpu.memory_space<vmem>>) target_semaphore(%run_scoped3A : memref<!tpu.dma_semaphore, #tpu.memory_space<semaphore_mem>>)
      %dma_wait3A_24 = tpu.memref_slice %arg4[%add3A_4] : memref<156160xi32, #tpu.memory_space<hbm>> -> memref<80xi32, #tpu.memory_space<hbm>>
      %dma_wait3A_25 = tpu.memref_slice %arg4[%add3A_4] : memref<156160xi32, #tpu.memory_space<hbm>> -> memref<80xi32, #tpu.memory_space<hbm>>
      tpu.wait_dma2 semaphore(%run_scoped3A : memref<!tpu.dma_semaphore, #tpu.memory_space<semaphore_mem>>) src(%dma_wait3A_25 : memref<80xi32, #tpu.memory_space<hbm>>) dst(%arg8 : memref<80xi32, #tpu.memory_space<vmem>>)
      tpu.yield
    }) : () -> ()
    "tpu.region"() ({
      %run_scoped3A = tpu.sem_alloc : memref<!tpu.dma_semaphore, #tpu.memory_space<semaphore_mem>>
      %dma_start3A_22 = tpu.memref_slice %arg5[%add3A_4] : memref<156160xi32, #tpu.memory_space<hbm>> -> memref<80xi32, #tpu.memory_space<hbm>>
      %dma_start3A_23 = tpu.memref_slice %arg5[%add3A_4] : memref<156160xi32, #tpu.memory_space<hbm>> -> memref<80xi32, #tpu.memory_space<hbm>>
      tpu.enqueue_dma source(%dma_start3A_23 : memref<80xi32, #tpu.memory_space<hbm>>) target(%arg9 : memref<80xi32, #tpu.memory_space<vmem>>) target_semaphore(%run_scoped3A : memref<!tpu.dma_semaphore, #tpu.memory_space<semaphore_mem>>)
      %dma_wait3A_24 = tpu.memref_slice %arg5[%add3A_4] : memref<156160xi32, #tpu.memory_space<hbm>> -> memref<80xi32, #tpu.memory_space<hbm>>
      %dma_wait3A_25 = tpu.memref_slice %arg5[%add3A_4] : memref<156160xi32, #tpu.memory_space<hbm>> -> memref<80xi32, #tpu.memory_space<hbm>>
      tpu.wait_dma2 semaphore(%run_scoped3A : memref<!tpu.dma_semaphore, #tpu.memory_space<semaphore_mem>>) src(%dma_wait3A_25 : memref<80xi32, #tpu.memory_space<hbm>>) dst(%arg9 : memref<80xi32, #tpu.memory_space<vmem>>)
      tpu.yield
    }) : () -> ()
    %dma_start3A = arith.constant 0 : i32
    %dma_start3A_5 = arith.constant 0 : i32
    %dma_start3A_6 = tpu.memref_slice %arg2[%dma_start3A, %dma_start3A_5] : memref<10000x128xf32, #tpu.memory_space<hbm>> -> memref<10000x128xf32, #tpu.memory_space<hbm>>
    tpu.enqueue_indirect_dma source(%dma_start3A_6 : memref<10000x128xf32, #tpu.memory_space<hbm>>) target(%arg12 : memref<80x128xf32, #tpu.memory_space<vmem>>) offsets(%arg8 : memref<80xi32, #tpu.memory_space<vmem>>) semaphore(%arg16 : memref<!tpu.dma_semaphore, #tpu.memory_space<semaphore_mem>>)
    %dma_start3A_7 = arith.constant 0 : i32
    %dma_start3A_8 = arith.constant 0 : i32
    %dma_start3A_9 = tpu.memref_slice %arg3[%dma_start3A_7, %dma_start3A_8] : memref<10000x128xf32, #tpu.memory_space<hbm>> -> memref<10000x128xf32, #tpu.memory_space<hbm>>
    tpu.enqueue_indirect_dma source(%dma_start3A_9 : memref<10000x128xf32, #tpu.memory_space<hbm>>) target(%arg13 : memref<80x128xf32, #tpu.memory_space<vmem>>) offsets(%arg9 : memref<80xi32, #tpu.memory_space<vmem>>) semaphore(%arg17 : memref<!tpu.dma_semaphore, #tpu.memory_space<semaphore_mem>>)
    %scan3A = arith.constant 0 : i32
    %scan3A_10 = arith.constant 0 : i32
    %scan3A_11 = arith.constant 30 : i32
    %scan3A_12 = arith.addi %scan3A_10, %scan3A_11 : i32
    %scan3A_13 = arith.constant 1 : i32
    scf.for %scan3A_22 = %scan3A_10 to %scan3A_12 step %scan3A_13  : i32 {
      %mul3A_23 = arith.constant 2 : i32
      %mul3A_24 = arith.muli %scan3A_22, %mul3A_23 : i32
      %add3A_25 = arith.constant 1 : i32
      %add3A_26 = arith.addi %mul3A_24, %add3A_25 : i32
      %mul3A_27 = arith.constant 80 : i32
      %mul3A_28 = arith.muli %add3A_26, %mul3A_27 : i32
      %add3A_29 = arith.addi %mul3A_2, %mul3A_28 : i32
      "tpu.region"() ({
        %run_scoped3A = tpu.sem_alloc : memref<!tpu.dma_semaphore, #tpu.memory_space<semaphore_mem>>
        %dma_start3A_60 = tpu.memref_slice %arg4[%add3A_29] : memref<156160xi32, #tpu.memory_space<hbm>> -> memref<80xi32, #tpu.memory_space<hbm>>
        %dma_start3A_61 = tpu.memref_slice %arg4[%add3A_29] : memref<156160xi32, #tpu.memory_space<hbm>> -> memref<80xi32, #tpu.memory_space<hbm>>
        tpu.enqueue_dma source(%dma_start3A_61 : memref<80xi32, #tpu.memory_space<hbm>>) target(%arg10 : memref<80xi32, #tpu.memory_space<vmem>>) target_semaphore(%run_scoped3A : memref<!tpu.dma_semaphore, #tpu.memory_space<semaphore_mem>>)
        %dma_wait3A_62 = tpu.memref_slice %arg4[%add3A_29] : memref<156160xi32, #tpu.memory_space<hbm>> -> memref<80xi32, #tpu.memory_space<hbm>>
        %dma_wait3A_63 = tpu.memref_slice %arg4[%add3A_29] : memref<156160xi32, #tpu.memory_space<hbm>> -> memref<80xi32, #tpu.memory_space<hbm>>
        tpu.wait_dma2 semaphore(%run_scoped3A : memref<!tpu.dma_semaphore, #tpu.memory_space<semaphore_mem>>) src(%dma_wait3A_63 : memref<80xi32, #tpu.memory_space<hbm>>) dst(%arg10 : memref<80xi32, #tpu.memory_space<vmem>>)
        tpu.yield
      }) : () -> ()
      "tpu.region"() ({
        %run_scoped3A = tpu.sem_alloc : memref<!tpu.dma_semaphore, #tpu.memory_space<semaphore_mem>>
        %dma_start3A_60 = tpu.memref_slice %arg5[%add3A_29] : memref<156160xi32, #tpu.memory_space<hbm>> -> memref<80xi32, #tpu.memory_space<hbm>>
        %dma_start3A_61 = tpu.memref_slice %arg5[%add3A_29] : memref<156160xi32, #tpu.memory_space<hbm>> -> memref<80xi32, #tpu.memory_space<hbm>>
        tpu.enqueue_dma source(%dma_start3A_61 : memref<80xi32, #tpu.memory_space<hbm>>) target(%arg11 : memref<80xi32, #tpu.memory_space<vmem>>) target_semaphore(%run_scoped3A : memref<!tpu.dma_semaphore, #tpu.memory_space<semaphore_mem>>)
        %dma_wait3A_62 = tpu.memref_slice %arg5[%add3A_29] : memref<156160xi32, #tpu.memory_space<hbm>> -> memref<80xi32, #tpu.memory_space<hbm>>
        %dma_wait3A_63 = tpu.memref_slice %arg5[%add3A_29] : memref<156160xi32, #tpu.memory_space<hbm>> -> memref<80xi32, #tpu.memory_space<hbm>>
        tpu.wait_dma2 semaphore(%run_scoped3A : memref<!tpu.dma_semaphore, #tpu.memory_space<semaphore_mem>>) src(%dma_wait3A_63 : memref<80xi32, #tpu.memory_space<hbm>>) dst(%arg11 : memref<80xi32, #tpu.memory_space<vmem>>)
        tpu.yield
      }) : () -> ()
      %dma_start3A_30 = arith.constant 0 : i32
      %dma_start3A_31 = arith.constant 0 : i32
      %dma_start3A_32 = tpu.memref_slice %arg2[%dma_start3A_30, %dma_start3A_31] : memref<10000x128xf32, #tpu.memory_space<hbm>> -> memref<10000x128xf32, #tpu.memory_space<hbm>>
      tpu.enqueue_indirect_dma source(%dma_start3A_32 : memref<10000x128xf32, #tpu.memory_space<hbm>>) target(%arg14 : memref<80x128xf32, #tpu.memory_space<vmem>>) offsets(%arg10 : memref<80xi32, #tpu.memory_space<vmem>>) semaphore(%arg18 : memref<!tpu.dma_semaphore, #tpu.memory_space<semaphore_mem>>)
      %dma_start3A_33 = arith.constant 0 : i32
      %dma_start3A_34 = arith.constant 0 : i32
      %dma_start3A_35 = tpu.memref_slice %arg3[%dma_start3A_33, %dma_start3A_34] : memref<10000x128xf32, #tpu.memory_space<hbm>> -> memref<10000x128xf32, #tpu.memory_space<hbm>>
      tpu.enqueue_indirect_dma source(%dma_start3A_35 : memref<10000x128xf32, #tpu.memory_space<hbm>>) target(%arg15 : memref<80x128xf32, #tpu.memory_space<vmem>>) offsets(%arg11 : memref<80xi32, #tpu.memory_space<vmem>>) semaphore(%arg19 : memref<!tpu.dma_semaphore, #tpu.memory_space<semaphore_mem>>)
      %dma_wait3A_36 = arith.constant 0 : i32
      %dma_wait3A_37 = arith.constant 0 : i32
      %dma_wait3A_38 = tpu.memref_slice %arg2[%dma_wait3A_36, %dma_wait3A_37] : memref<10000x128xf32, #tpu.memory_space<hbm>> -> memref<10000x128xf32, #tpu.memory_space<hbm>>
      tpu.wait_indirect_dma semaphore(%arg16 : memref<!tpu.dma_semaphore, #tpu.memory_space<semaphore_mem>>) src(%dma_wait3A_38 : memref<10000x128xf32, #tpu.memory_space<hbm>>) dst(%arg12 : memref<80x128xf32, #tpu.memory_space<vmem>>)
      %dma_wait3A_39 = arith.constant 0 : i32
      %dma_wait3A_40 = arith.constant 0 : i32
      %dma_wait3A_41 = tpu.memref_slice %arg3[%dma_wait3A_39, %dma_wait3A_40] : memref<10000x128xf32, #tpu.memory_space<hbm>> -> memref<10000x128xf32, #tpu.memory_space<hbm>>
      tpu.wait_indirect_dma semaphore(%arg17 : memref<!tpu.dma_semaphore, #tpu.memory_space<semaphore_mem>>) src(%dma_wait3A_41 : memref<10000x128xf32, #tpu.memory_space<hbm>>) dst(%arg13 : memref<80x128xf32, #tpu.memory_space<vmem>>)
      %mul3A_42 = arith.constant 80 : i32
      %mul3A_43 = arith.muli %mul3A_24, %mul3A_42 : i32
      %add3A_44 = arith.addi %mul3A_2, %mul3A_43 : i32
      "tpu.region"() ({
        %run_scoped3A = tpu.sem_alloc : memref<!tpu.dma_semaphore, #tpu.memory_space<semaphore_mem>>
        %dma_start3A_60 = arith.constant 0 : i32
        %dma_start3A_61 = tpu.memref_slice %arg6[%add3A_44, %dma_start3A_60] : memref<156160x128xf32, #tpu.memory_space<hbm>> -> memref<80x128xf32, #tpu.memory_space<hbm>>
        %dma_start3A_62 = arith.constant 0 : i32
        %dma_start3A_63 = tpu.memref_slice %arg6[%add3A_44, %dma_start3A_62] : memref<156160x128xf32, #tpu.memory_space<hbm>> -> memref<80x128xf32, #tpu.memory_space<hbm>>
        tpu.enqueue_dma source(%arg12 : memref<80x128xf32, #tpu.memory_space<vmem>>) target(%dma_start3A_63 : memref<80x128xf32, #tpu.memory_space<hbm>>) target_semaphore(%run_scoped3A : memref<!tpu.dma_semaphore, #tpu.memory_space<semaphore_mem>>)
        %dma_wait3A_64 = arith.constant 0 : i32
        %dma_wait3A_65 = tpu.memref_slice %arg6[%add3A_44, %dma_wait3A_64] : memref<156160x128xf32, #tpu.memory_space<hbm>> -> memref<80x128xf32, #tpu.memory_space<hbm>>
        %dma_wait3A_66 = arith.constant 0 : i32
        %dma_wait3A_67 = tpu.memref_slice %arg6[%add3A_44, %dma_wait3A_66] : memref<156160x128xf32, #tpu.memory_space<hbm>> -> memref<80x128xf32, #tpu.memory_space<hbm>>
        tpu.wait_dma2 semaphore(%run_scoped3A : memref<!tpu.dma_semaphore, #tpu.memory_space<semaphore_mem>>) src(%arg12 : memref<80x128xf32, #tpu.memory_space<vmem>>) dst(%dma_wait3A_67 : memref<80x128xf32, #tpu.memory_space<hbm>>)
        tpu.yield
      }) : () -> ()
      "tpu.region"() ({
        %run_scoped3A = tpu.sem_alloc : memref<!tpu.dma_semaphore, #tpu.memory_space<semaphore_mem>>
        %dma_start3A_60 = arith.constant 0 : i32
        %dma_start3A_61 = tpu.memref_slice %arg7[%add3A_44, %dma_start3A_60] : memref<156160x128xf32, #tpu.memory_space<hbm>> -> memref<80x128xf32, #tpu.memory_space<hbm>>
        %dma_start3A_62 = arith.constant 0 : i32
        %dma_start3A_63 = tpu.memref_slice %arg7[%add3A_44, %dma_start3A_62] : memref<156160x128xf32, #tpu.memory_space<hbm>> -> memref<80x128xf32, #tpu.memory_space<hbm>>
        tpu.enqueue_dma source(%arg13 : memref<80x128xf32, #tpu.memory_space<vmem>>) target(%dma_start3A_63 : memref<80x128xf32, #tpu.memory_space<hbm>>) target_semaphore(%run_scoped3A : memref<!tpu.dma_semaphore, #tpu.memory_space<semaphore_mem>>)
        %dma_wait3A_64 = arith.constant 0 : i32
        %dma_wait3A_65 = tpu.memref_slice %arg7[%add3A_44, %dma_wait3A_64] : memref<156160x128xf32, #tpu.memory_space<hbm>> -> memref<80x128xf32, #tpu.memory_space<hbm>>
        %dma_wait3A_66 = arith.constant 0 : i32
        %dma_wait3A_67 = tpu.memref_slice %arg7[%add3A_44, %dma_wait3A_66] : memref<156160x128xf32, #tpu.memory_space<hbm>> -> memref<80x128xf32, #tpu.memory_space<hbm>>
        tpu.wait_dma2 semaphore(%run_scoped3A : memref<!tpu.dma_semaphore, #tpu.memory_space<semaphore_mem>>) src(%arg13 : memref<80x128xf32, #tpu.memory_space<vmem>>) dst(%dma_wait3A_67 : memref<80x128xf32, #tpu.memory_space<hbm>>)
        tpu.yield
      }) : () -> ()
      %add3A_45 = arith.constant 2 : i32
      %add3A_46 = arith.addi %mul3A_24, %add3A_45 : i32
      %lt3A = arith.constant 61 : i32
      %lt3A_47 = arith.cmpi slt, %add3A_46, %lt3A : i32
      %convert_element_type3A = arith.extui %lt3A_47 : i1 to i32
      %cond3A = arith.constant 0 : i32
      %cond3A_48 = arith.cmpi ne, %convert_element_type3A, %cond3A : i32
      scf.if %cond3A_48 {
        %add3A_60 = arith.constant 2 : i32
        %add3A_61 = arith.addi %mul3A_24, %add3A_60 : i32
        %mul3A_62 = arith.constant 80 : i32
        %mul3A_63 = arith.muli %add3A_61, %mul3A_62 : i32
        %add3A_64 = arith.addi %mul3A_2, %mul3A_63 : i32
        "tpu.region"() ({
          %run_scoped3A = tpu.sem_alloc : memref<!tpu.dma_semaphore, #tpu.memory_space<semaphore_mem>>
          %dma_start3A_71 = tpu.memref_slice %arg4[%add3A_64] : memref<156160xi32, #tpu.memory_space<hbm>> -> memref<80xi32, #tpu.memory_space<hbm>>
          %dma_start3A_72 = tpu.memref_slice %arg4[%add3A_64] : memref<156160xi32, #tpu.memory_space<hbm>> -> memref<80xi32, #tpu.memory_space<hbm>>
          tpu.enqueue_dma source(%dma_start3A_72 : memref<80xi32, #tpu.memory_space<hbm>>) target(%arg8 : memref<80xi32, #tpu.memory_space<vmem>>) target_semaphore(%run_scoped3A : memref<!tpu.dma_semaphore, #tpu.memory_space<semaphore_mem>>)
          %dma_wait3A_73 = tpu.memref_slice %arg4[%add3A_64] : memref<156160xi32, #tpu.memory_space<hbm>> -> memref<80xi32, #tpu.memory_space<hbm>>
          %dma_wait3A_74 = tpu.memref_slice %arg4[%add3A_64] : memref<156160xi32, #tpu.memory_space<hbm>> -> memref<80xi32, #tpu.memory_space<hbm>>
          tpu.wait_dma2 semaphore(%run_scoped3A : memref<!tpu.dma_semaphore, #tpu.memory_space<semaphore_mem>>) src(%dma_wait3A_74 : memref<80xi32, #tpu.memory_space<hbm>>) dst(%arg8 : memref<80xi32, #tpu.memory_space<vmem>>)
          tpu.yield
        }) : () -> ()
        "tpu.region"() ({
          %run_scoped3A = tpu.sem_alloc : memref<!tpu.dma_semaphore, #tpu.memory_space<semaphore_mem>>
          %dma_start3A_71 = tpu.memref_slice %arg5[%add3A_64] : memref<156160xi32, #tpu.memory_space<hbm>> -> memref<80xi32, #tpu.memory_space<hbm>>
          %dma_start3A_72 = tpu.memref_slice %arg5[%add3A_64] : memref<156160xi32, #tpu.memory_space<hbm>> -> memref<80xi32, #tpu.memory_space<hbm>>
          tpu.enqueue_dma source(%dma_start3A_72 : memref<80xi32, #tpu.memory_space<hbm>>) target(%arg9 : memref<80xi32, #tpu.memory_space<vmem>>) target_semaphore(%run_scoped3A : memref<!tpu.dma_semaphore, #tpu.memory_space<semaphore_mem>>)
          %dma_wait3A_73 = tpu.memref_slice %arg5[%add3A_64] : memref<156160xi32, #tpu.memory_space<hbm>> -> memref<80xi32, #tpu.memory_space<hbm>>
          %dma_wait3A_74 = tpu.memref_slice %arg5[%add3A_64] : memref<156160xi32, #tpu.memory_space<hbm>> -> memref<80xi32, #tpu.memory_space<hbm>>
          tpu.wait_dma2 semaphore(%run_scoped3A : memref<!tpu.dma_semaphore, #tpu.memory_space<semaphore_mem>>) src(%dma_wait3A_74 : memref<80xi32, #tpu.memory_space<hbm>>) dst(%arg9 : memref<80xi32, #tpu.memory_space<vmem>>)
          tpu.yield
        }) : () -> ()
        %dma_start3A_65 = arith.constant 0 : i32
        %dma_start3A_66 = arith.constant 0 : i32
        %dma_start3A_67 = tpu.memref_slice %arg2[%dma_start3A_65, %dma_start3A_66] : memref<10000x128xf32, #tpu.memory_space<hbm>> -> memref<10000x128xf32, #tpu.memory_space<hbm>>
        tpu.enqueue_indirect_dma source(%dma_start3A_67 : memref<10000x128xf32, #tpu.memory_space<hbm>>) target(%arg12 : memref<80x128xf32, #tpu.memory_space<vmem>>) offsets(%arg8 : memref<80xi32, #tpu.memory_space<vmem>>) semaphore(%arg16 : memref<!tpu.dma_semaphore, #tpu.memory_space<semaphore_mem>>)
        %dma_start3A_68 = arith.constant 0 : i32
        %dma_start3A_69 = arith.constant 0 : i32
        %dma_start3A_70 = tpu.memref_slice %arg3[%dma_start3A_68, %dma_start3A_69] : memref<10000x128xf32, #tpu.memory_space<hbm>> -> memref<10000x128xf32, #tpu.memory_space<hbm>>
        tpu.enqueue_indirect_dma source(%dma_start3A_70 : memref<10000x128xf32, #tpu.memory_space<hbm>>) target(%arg13 : memref<80x128xf32, #tpu.memory_space<vmem>>) offsets(%arg9 : memref<80xi32, #tpu.memory_space<vmem>>) semaphore(%arg17 : memref<!tpu.dma_semaphore, #tpu.memory_space<semaphore_mem>>)
      } else {
      }
      %add3A_49 = arith.constant 1 : i32
      %add3A_50 = arith.addi %mul3A_24, %add3A_49 : i32
      %dma_wait3A_51 = arith.constant 0 : i32
      %dma_wait3A_52 = arith.constant 0 : i32
      %dma_wait3A_53 = tpu.memref_slice %arg2[%dma_wait3A_51, %dma_wait3A_52] : memref<10000x128xf32, #tpu.memory_space<hbm>> -> memref<10000x128xf32, #tpu.memory_space<hbm>>
      tpu.wait_indirect_dma semaphore(%arg18 : memref<!tpu.dma_semaphore, #tpu.memory_space<semaphore_mem>>) src(%dma_wait3A_53 : memref<10000x128xf32, #tpu.memory_space<hbm>>) dst(%arg14 : memref<80x128xf32, #tpu.memory_space<vmem>>)
      %dma_wait3A_54 = arith.constant 0 : i32
      %dma_wait3A_55 = arith.constant 0 : i32
      %dma_wait3A_56 = tpu.memref_slice %arg3[%dma_wait3A_54, %dma_wait3A_55] : memref<10000x128xf32, #tpu.memory_space<hbm>> -> memref<10000x128xf32, #tpu.memory_space<hbm>>
      tpu.wait_indirect_dma semaphore(%arg19 : memref<!tpu.dma_semaphore, #tpu.memory_space<semaphore_mem>>) src(%dma_wait3A_56 : memref<10000x128xf32, #tpu.memory_space<hbm>>) dst(%arg15 : memref<80x128xf32, #tpu.memory_space<vmem>>)
      %mul3A_57 = arith.constant 80 : i32
      %mul3A_58 = arith.muli %add3A_50, %mul3A_57 : i32
      %add3A_59 = arith.addi %mul3A_2, %mul3A_58 : i32
      "tpu.region"() ({
        %run_scoped3A = tpu.sem_alloc : memref<!tpu.dma_semaphore, #tpu.memory_space<semaphore_mem>>
        %dma_start3A_60 = arith.constant 0 : i32
        %dma_start3A_61 = tpu.memref_slice %arg6[%add3A_59, %dma_start3A_60] : memref<156160x128xf32, #tpu.memory_space<hbm>> -> memref<80x128xf32, #tpu.memory_space<hbm>>
        %dma_start3A_62 = arith.constant 0 : i32
        %dma_start3A_63 = tpu.memref_slice %arg6[%add3A_59, %dma_start3A_62] : memref<156160x128xf32, #tpu.memory_space<hbm>> -> memref<80x128xf32, #tpu.memory_space<hbm>>
        tpu.enqueue_dma source(%arg14 : memref<80x128xf32, #tpu.memory_space<vmem>>) target(%dma_start3A_63 : memref<80x128xf32, #tpu.memory_space<hbm>>) target_semaphore(%run_scoped3A : memref<!tpu.dma_semaphore, #tpu.memory_space<semaphore_mem>>)
        %dma_wait3A_64 = arith.constant 0 : i32
        %dma_wait3A_65 = tpu.memref_slice %arg6[%add3A_59, %dma_wait3A_64] : memref<156160x128xf32, #tpu.memory_space<hbm>> -> memref<80x128xf32, #tpu.memory_space<hbm>>
        %dma_wait3A_66 = arith.constant 0 : i32
        %dma_wait3A_67 = tpu.memref_slice %arg6[%add3A_59, %dma_wait3A_66] : memref<156160x128xf32, #tpu.memory_space<hbm>> -> memref<80x128xf32, #tpu.memory_space<hbm>>
        tpu.wait_dma2 semaphore(%run_scoped3A : memref<!tpu.dma_semaphore, #tpu.memory_space<semaphore_mem>>) src(%arg14 : memref<80x128xf32, #tpu.memory_space<vmem>>) dst(%dma_wait3A_67 : memref<80x128xf32, #tpu.memory_space<hbm>>)
        tpu.yield
      }) : () -> ()
      "tpu.region"() ({
        %run_scoped3A = tpu.sem_alloc : memref<!tpu.dma_semaphore, #tpu.memory_space<semaphore_mem>>
        %dma_start3A_60 = arith.constant 0 : i32
        %dma_start3A_61 = tpu.memref_slice %arg7[%add3A_59, %dma_start3A_60] : memref<156160x128xf32, #tpu.memory_space<hbm>> -> memref<80x128xf32, #tpu.memory_space<hbm>>
        %dma_start3A_62 = arith.constant 0 : i32
        %dma_start3A_63 = tpu.memref_slice %arg7[%add3A_59, %dma_start3A_62] : memref<156160x128xf32, #tpu.memory_space<hbm>> -> memref<80x128xf32, #tpu.memory_space<hbm>>
        tpu.enqueue_dma source(%arg15 : memref<80x128xf32, #tpu.memory_space<vmem>>) target(%dma_start3A_63 : memref<80x128xf32, #tpu.memory_space<hbm>>) target_semaphore(%run_scoped3A : memref<!tpu.dma_semaphore, #tpu.memory_space<semaphore_mem>>)
        %dma_wait3A_64 = arith.constant 0 : i32
        %dma_wait3A_65 = tpu.memref_slice %arg7[%add3A_59, %dma_wait3A_64] : memref<156160x128xf32, #tpu.memory_space<hbm>> -> memref<80x128xf32, #tpu.memory_space<hbm>>
        %dma_wait3A_66 = arith.constant 0 : i32
        %dma_wait3A_67 = tpu.memref_slice %arg7[%add3A_59, %dma_wait3A_66] : memref<156160x128xf32, #tpu.memory_space<hbm>> -> memref<80x128xf32, #tpu.memory_space<hbm>>
        tpu.wait_dma2 semaphore(%run_scoped3A : memref<!tpu.dma_semaphore, #tpu.memory_space<semaphore_mem>>) src(%arg15 : memref<80x128xf32, #tpu.memory_space<vmem>>) dst(%dma_wait3A_67 : memref<80x128xf32, #tpu.memory_space<hbm>>)
        tpu.yield
      }) : () -> ()
    }
    %scan3A_14 = arith.constant 30 : i32
    %dma_wait3A = arith.constant 0 : i32
    %dma_wait3A_15 = arith.constant 0 : i32
    %dma_wait3A_16 = tpu.memref_slice %arg2[%dma_wait3A, %dma_wait3A_15] : memref<10000x128xf32, #tpu.memory_space<hbm>> -> memref<10000x128xf32, #tpu.memory_space<hbm>>
    tpu.wait_indirect_dma semaphore(%arg16 : memref<!tpu.dma_semaphore, #tpu.memory_space<semaphore_mem>>) src(%dma_wait3A_16 : memref<10000x128xf32, #tpu.memory_space<hbm>>) dst(%arg12 : memref<80x128xf32, #tpu.memory_space<vmem>>)
    %dma_wait3A_17 = arith.constant 0 : i32
    %dma_wait3A_18 = arith.constant 0 : i32
    %dma_wait3A_19 = tpu.memref_slice %arg3[%dma_wait3A_17, %dma_wait3A_18] : memref<10000x128xf32, #tpu.memory_space<hbm>> -> memref<10000x128xf32, #tpu.memory_space<hbm>>
    tpu.wait_indirect_dma semaphore(%arg17 : memref<!tpu.dma_semaphore, #tpu.memory_space<semaphore_mem>>) src(%dma_wait3A_19 : memref<10000x128xf32, #tpu.memory_space<hbm>>) dst(%arg13 : memref<80x128xf32, #tpu.memory_space<vmem>>)
    %add3A_20 = arith.constant 4800 : i32
    %add3A_21 = arith.addi %mul3A_2, %add3A_20 : i32
    "tpu.region"() ({
      %run_scoped3A = tpu.sem_alloc : memref<!tpu.dma_semaphore, #tpu.memory_space<semaphore_mem>>
      %dma_start3A_22 = arith.constant 0 : i32
      %dma_start3A_23 = tpu.memref_slice %arg6[%add3A_21, %dma_start3A_22] : memref<156160x128xf32, #tpu.memory_space<hbm>> -> memref<80x128xf32, #tpu.memory_space<hbm>>
      %dma_start3A_24 = arith.constant 0 : i32
      %dma_start3A_25 = tpu.memref_slice %arg6[%add3A_21, %dma_start3A_24] : memref<156160x128xf32, #tpu.memory_space<hbm>> -> memref<80x128xf32, #tpu.memory_space<hbm>>
      tpu.enqueue_dma source(%arg12 : memref<80x128xf32, #tpu.memory_space<vmem>>) target(%dma_start3A_25 : memref<80x128xf32, #tpu.memory_space<hbm>>) target_semaphore(%run_scoped3A : memref<!tpu.dma_semaphore, #tpu.memory_space<semaphore_mem>>)
      %dma_wait3A_26 = arith.constant 0 : i32
      %dma_wait3A_27 = tpu.memref_slice %arg6[%add3A_21, %dma_wait3A_26] : memref<156160x128xf32, #tpu.memory_space<hbm>> -> memref<80x128xf32, #tpu.memory_space<hbm>>
      %dma_wait3A_28 = arith.constant 0 : i32
      %dma_wait3A_29 = tpu.memref_slice %arg6[%add3A_21, %dma_wait3A_28] : memref<156160x128xf32, #tpu.memory_space<hbm>> -> memref<80x128xf32, #tpu.memory_space<hbm>>
      tpu.wait_dma2 semaphore(%run_scoped3A : memref<!tpu.dma_semaphore, #tpu.memory_space<semaphore_mem>>) src(%arg12 : memref<80x128xf32, #tpu.memory_space<vmem>>) dst(%dma_wait3A_29 : memref<80x128xf32, #tpu.memory_space<hbm>>)
      tpu.yield
    }) : () -> ()
    "tpu.region"() ({
      %run_scoped3A = tpu.sem_alloc : memref<!tpu.dma_semaphore, #tpu.memory_space<semaphore_mem>>
      %dma_start3A_22 = arith.constant 0 : i32
      %dma_start3A_23 = tpu.memref_slice %arg7[%add3A_21, %dma_start3A_22] : memref<156160x128xf32, #tpu.memory_space<hbm>> -> memref<80x128xf32, #tpu.memory_space<hbm>>
      %dma_start3A_24 = arith.constant 0 : i32
      %dma_start3A_25 = tpu.memref_slice %arg7[%add3A_21, %dma_start3A_24] : memref<156160x128xf32, #tpu.memory_space<hbm>> -> memref<80x128xf32, #tpu.memory_space<hbm>>
      tpu.enqueue_dma source(%arg13 : memref<80x128xf32, #tpu.memory_space<vmem>>) target(%dma_start3A_25 : memref<80x128xf32, #tpu.memory_space<hbm>>) target_semaphore(%run_scoped3A : memref<!tpu.dma_semaphore, #tpu.memory_space<semaphore_mem>>)
      %dma_wait3A_26 = arith.constant 0 : i32
      %dma_wait3A_27 = tpu.memref_slice %arg7[%add3A_21, %dma_wait3A_26] : memref<156160x128xf32, #tpu.memory_space<hbm>> -> memref<80x128xf32, #tpu.memory_space<hbm>>
      %dma_wait3A_28 = arith.constant 0 : i32
      %dma_wait3A_29 = tpu.memref_slice %arg7[%add3A_21, %dma_wait3A_28] : memref<156160x128xf32, #tpu.memory_space<hbm>> -> memref<80x128xf32, #tpu.memory_space<hbm>>
      tpu.wait_dma2 semaphore(%run_scoped3A : memref<!tpu.dma_semaphore, #tpu.memory_space<semaphore_mem>>) src(%arg13 : memref<80x128xf32, #tpu.memory_space<vmem>>) dst(%dma_wait3A_29 : memref<80x128xf32, #tpu.memory_space<hbm>>)
      tpu.yield
    }) : () -> ()
    return
  }
}

#map = affine_map<(d0, d1) -> (0, 0)>
#map1 = affine_map<(d0, d1) -> (0)>
#map2 = affine_map<(d0, d1) -> (0, 0, 0)>
module attributes {stable_mosaic.version = 14 : i64} {
  func.func @_scatter_body(%arg0: i32, %arg1: i32, %arg2: memref<156160x128xf32, #tpu.memory_space<hbm>>, %arg3: memref<156160xi32, #tpu.memory_space<hbm>>, %arg4: memref<10240x128xf32, #tpu.memory_space<hbm>>, %arg5: memref<2x10240x128xf32, #tpu.memory_space<hbm>>, %arg6: memref<80xi32, #tpu.memory_space<vmem>>, %arg7: memref<80xi32, #tpu.memory_space<vmem>>, %arg8: memref<80x128xf32, #tpu.memory_space<vmem>>, %arg9: memref<80x128xf32, #tpu.memory_space<vmem>>, %arg10: memref<!tpu.dma_semaphore, #tpu.memory_space<semaphore_mem>>, %arg11: memref<!tpu.dma_semaphore, #tpu.memory_space<semaphore_mem>>, %arg12: memref<!tpu.dma_semaphore, #tpu.memory_space<semaphore_mem>>, %arg13: memref<!tpu.dma_semaphore, #tpu.memory_space<semaphore_mem>>, %arg14: memref<10240x128xf32, #tpu.memory_space<vmem_shared>>) attributes {dimension_semantics = [#tpu.dimension_semantics<core_parallel>, #tpu.dimension_semantics<subcore_parallel>], iteration_bounds = array<i64: 2, 16>, scalar_prefetch = 0 : i64, scratch_operands = 9 : i64, tpu.core_type = #tpu.core_type<sc_vector_subcore>, window_params = [{transform_indices = #map}, {transform_indices = #map1}, {transform_indices = #map}, {transform_indices = #map2}]} {
    %mul3A = arith.constant 2 : i32
    %mul3A_0 = arith.muli %arg1, %mul3A : i32
    %add3A = arith.addi %mul3A_0, %arg0 : i32
    %mul3A_1 = arith.constant 640 : i32
    %mul3A_2 = arith.muli %arg1, %mul3A_1 : i32
    %mul3A_3 = arith.constant 4880 : i32
    %mul3A_4 = arith.muli %add3A, %mul3A_3 : i32
    "tpu.region"() ({
      %run_scoped3A = tpu.sem_alloc : memref<!tpu.dma_semaphore, #tpu.memory_space<semaphore_mem>>
      %dma_start3A_25 = arith.constant 0 : i32
      %dma_start3A_26 = tpu.memref_slice %arg14[%mul3A_2, %dma_start3A_25] : memref<10240x128xf32, #tpu.memory_space<vmem_shared>> -> memref<640x128xf32, #tpu.memory_space<vmem_shared>>
      %dma_start3A_27 = arith.constant 0 : i32
      %dma_start3A_28 = tpu.memref_slice %arg4[%mul3A_2, %dma_start3A_27] : memref<10240x128xf32, #tpu.memory_space<hbm>> -> memref<640x128xf32, #tpu.memory_space<hbm>>
      tpu.enqueue_dma source(%dma_start3A_28 : memref<640x128xf32, #tpu.memory_space<hbm>>) target(%dma_start3A_26 : memref<640x128xf32, #tpu.memory_space<vmem_shared>>) target_semaphore(%run_scoped3A : memref<!tpu.dma_semaphore, #tpu.memory_space<semaphore_mem>>)
      %dma_wait3A_29 = arith.constant 0 : i32
      %dma_wait3A_30 = tpu.memref_slice %arg14[%mul3A_2, %dma_wait3A_29] : memref<10240x128xf32, #tpu.memory_space<vmem_shared>> -> memref<640x128xf32, #tpu.memory_space<vmem_shared>>
      %dma_wait3A_31 = arith.constant 0 : i32
      %dma_wait3A_32 = tpu.memref_slice %arg4[%mul3A_2, %dma_wait3A_31] : memref<10240x128xf32, #tpu.memory_space<hbm>> -> memref<640x128xf32, #tpu.memory_space<hbm>>
      tpu.wait_dma2 semaphore(%run_scoped3A : memref<!tpu.dma_semaphore, #tpu.memory_space<semaphore_mem>>) src(%dma_wait3A_32 : memref<640x128xf32, #tpu.memory_space<hbm>>) dst(%dma_wait3A_30 : memref<640x128xf32, #tpu.memory_space<vmem_shared>>)
      tpu.yield
    }) : () -> ()
    %barrier3A = arith.constant 0 : index
    tpu.barrier barrier_id(%barrier3A)
    %add3A_5 = arith.constant 0 : i32
    %add3A_6 = arith.addi %mul3A_4, %add3A_5 : i32
    %dma_start3A = tpu.memref_slice %arg3[%add3A_6] : memref<156160xi32, #tpu.memory_space<hbm>> -> memref<80xi32, #tpu.memory_space<hbm>>
    %dma_start3A_7 = tpu.memref_slice %arg3[%add3A_6] : memref<156160xi32, #tpu.memory_space<hbm>> -> memref<80xi32, #tpu.memory_space<hbm>>
    tpu.enqueue_dma source(%dma_start3A_7 : memref<80xi32, #tpu.memory_space<hbm>>) target(%arg6 : memref<80xi32, #tpu.memory_space<vmem>>) target_semaphore(%arg10 : memref<!tpu.dma_semaphore, #tpu.memory_space<semaphore_mem>>)
    %dma_start3A_8 = arith.constant 0 : i32
    %dma_start3A_9 = tpu.memref_slice %arg2[%add3A_6, %dma_start3A_8] : memref<156160x128xf32, #tpu.memory_space<hbm>> -> memref<80x128xf32, #tpu.memory_space<hbm>>
    %dma_start3A_10 = arith.constant 0 : i32
    %dma_start3A_11 = tpu.memref_slice %arg2[%add3A_6, %dma_start3A_10] : memref<156160x128xf32, #tpu.memory_space<hbm>> -> memref<80x128xf32, #tpu.memory_space<hbm>>
    tpu.enqueue_dma source(%dma_start3A_11 : memref<80x128xf32, #tpu.memory_space<hbm>>) target(%arg8 : memref<80x128xf32, #tpu.memory_space<vmem>>) target_semaphore(%arg11 : memref<!tpu.dma_semaphore, #tpu.memory_space<semaphore_mem>>)
    %scan3A = arith.constant 0 : i32
    %scan3A_12 = arith.constant 0 : i32
    %scan3A_13 = arith.constant 30 : i32
    %scan3A_14 = arith.addi %scan3A_12, %scan3A_13 : i32
    %scan3A_15 = arith.constant 1 : i32
    scf.for %scan3A_25 = %scan3A_12 to %scan3A_14 step %scan3A_15  : i32 {
      %mul3A_26 = arith.constant 2 : i32
      %mul3A_27 = arith.muli %scan3A_25, %mul3A_26 : i32
      %add3A_28 = arith.constant 1 : i32
      %add3A_29 = arith.addi %mul3A_27, %add3A_28 : i32
      %mul3A_30 = arith.constant 80 : i32
      %mul3A_31 = arith.muli %add3A_29, %mul3A_30 : i32
      %add3A_32 = arith.addi %mul3A_4, %mul3A_31 : i32
      %dma_start3A_33 = tpu.memref_slice %arg3[%add3A_32] : memref<156160xi32, #tpu.memory_space<hbm>> -> memref<80xi32, #tpu.memory_space<hbm>>
      %dma_start3A_34 = tpu.memref_slice %arg3[%add3A_32] : memref<156160xi32, #tpu.memory_space<hbm>> -> memref<80xi32, #tpu.memory_space<hbm>>
      tpu.enqueue_dma source(%dma_start3A_34 : memref<80xi32, #tpu.memory_space<hbm>>) target(%arg7 : memref<80xi32, #tpu.memory_space<vmem>>) target_semaphore(%arg12 : memref<!tpu.dma_semaphore, #tpu.memory_space<semaphore_mem>>)
      %dma_start3A_35 = arith.constant 0 : i32
      %dma_start3A_36 = tpu.memref_slice %arg2[%add3A_32, %dma_start3A_35] : memref<156160x128xf32, #tpu.memory_space<hbm>> -> memref<80x128xf32, #tpu.memory_space<hbm>>
      %dma_start3A_37 = arith.constant 0 : i32
      %dma_start3A_38 = tpu.memref_slice %arg2[%add3A_32, %dma_start3A_37] : memref<156160x128xf32, #tpu.memory_space<hbm>> -> memref<80x128xf32, #tpu.memory_space<hbm>>
      tpu.enqueue_dma source(%dma_start3A_38 : memref<80x128xf32, #tpu.memory_space<hbm>>) target(%arg9 : memref<80x128xf32, #tpu.memory_space<vmem>>) target_semaphore(%arg13 : memref<!tpu.dma_semaphore, #tpu.memory_space<semaphore_mem>>)
      %mul3A_39 = arith.constant 80 : i32
      %mul3A_40 = arith.muli %mul3A_27, %mul3A_39 : i32
      %add3A_41 = arith.addi %mul3A_4, %mul3A_40 : i32
      %dma_wait3A_42 = tpu.memref_slice %arg3[%add3A_41] : memref<156160xi32, #tpu.memory_space<hbm>> -> memref<80xi32, #tpu.memory_space<hbm>>
      %dma_wait3A_43 = tpu.memref_slice %arg3[%add3A_41] : memref<156160xi32, #tpu.memory_space<hbm>> -> memref<80xi32, #tpu.memory_space<hbm>>
      tpu.wait_dma2 semaphore(%arg10 : memref<!tpu.dma_semaphore, #tpu.memory_space<semaphore_mem>>) src(%dma_wait3A_43 : memref<80xi32, #tpu.memory_space<hbm>>) dst(%arg6 : memref<80xi32, #tpu.memory_space<vmem>>)
      %dma_wait3A_44 = arith.constant 0 : i32
      %dma_wait3A_45 = tpu.memref_slice %arg2[%add3A_41, %dma_wait3A_44] : memref<156160x128xf32, #tpu.memory_space<hbm>> -> memref<80x128xf32, #tpu.memory_space<hbm>>
      %dma_wait3A_46 = arith.constant 0 : i32
      %dma_wait3A_47 = tpu.memref_slice %arg2[%add3A_41, %dma_wait3A_46] : memref<156160x128xf32, #tpu.memory_space<hbm>> -> memref<80x128xf32, #tpu.memory_space<hbm>>
      tpu.wait_dma2 semaphore(%arg11 : memref<!tpu.dma_semaphore, #tpu.memory_space<semaphore_mem>>) src(%dma_wait3A_47 : memref<80x128xf32, #tpu.memory_space<hbm>>) dst(%arg8 : memref<80x128xf32, #tpu.memory_space<vmem>>)
      "tpu.region"() ({
        %run_scoped3A = tpu.sem_alloc : memref<!tpu.dma_semaphore, #tpu.memory_space<semaphore_mem>>
        %dma_start3A_63 = arith.constant 0 : i32
        %dma_start3A_64 = arith.constant 0 : i32
        %dma_start3A_65 = tpu.memref_slice %arg14[%dma_start3A_63, %dma_start3A_64] : memref<10240x128xf32, #tpu.memory_space<vmem_shared>> -> memref<10240x128xf32, #tpu.memory_space<vmem_shared>>
        tpu.enqueue_indirect_dma source(%arg8 : memref<80x128xf32, #tpu.memory_space<vmem>>) target(%dma_start3A_65 : memref<10240x128xf32, #tpu.memory_space<vmem_shared>>) offsets(%arg6 : memref<80xi32, #tpu.memory_space<vmem>>) semaphore(%run_scoped3A : memref<!tpu.dma_semaphore, #tpu.memory_space<semaphore_mem>>) {add = true}
        %dma_wait3A_66 = arith.constant 0 : i32
        %dma_wait3A_67 = arith.constant 0 : i32
        %dma_wait3A_68 = tpu.memref_slice %arg14[%dma_wait3A_66, %dma_wait3A_67] : memref<10240x128xf32, #tpu.memory_space<vmem_shared>> -> memref<10240x128xf32, #tpu.memory_space<vmem_shared>>
        tpu.wait_indirect_dma semaphore(%run_scoped3A : memref<!tpu.dma_semaphore, #tpu.memory_space<semaphore_mem>>) src(%arg8 : memref<80x128xf32, #tpu.memory_space<vmem>>) dst(%dma_wait3A_68 : memref<10240x128xf32, #tpu.memory_space<vmem_shared>>)
        tpu.yield
      }) : () -> ()
      %add3A_48 = arith.constant 2 : i32
      %add3A_49 = arith.addi %mul3A_27, %add3A_48 : i32
      %lt3A = arith.constant 61 : i32
      %lt3A_50 = arith.cmpi slt, %add3A_49, %lt3A : i32
      %convert_element_type3A = arith.extui %lt3A_50 : i1 to i32
      %cond3A = arith.constant 0 : i32
      %cond3A_51 = arith.cmpi ne, %convert_element_type3A, %cond3A : i32
      scf.if %cond3A_51 {
        %add3A_63 = arith.constant 2 : i32
        %add3A_64 = arith.addi %mul3A_27, %add3A_63 : i32
        %mul3A_65 = arith.constant 80 : i32
        %mul3A_66 = arith.muli %add3A_64, %mul3A_65 : i32
        %add3A_67 = arith.addi %mul3A_4, %mul3A_66 : i32
        %dma_start3A_68 = tpu.memref_slice %arg3[%add3A_67] : memref<156160xi32, #tpu.memory_space<hbm>> -> memref<80xi32, #tpu.memory_space<hbm>>
        %dma_start3A_69 = tpu.memref_slice %arg3[%add3A_67] : memref<156160xi32, #tpu.memory_space<hbm>> -> memref<80xi32, #tpu.memory_space<hbm>>
        tpu.enqueue_dma source(%dma_start3A_69 : memref<80xi32, #tpu.memory_space<hbm>>) target(%arg6 : memref<80xi32, #tpu.memory_space<vmem>>) target_semaphore(%arg10 : memref<!tpu.dma_semaphore, #tpu.memory_space<semaphore_mem>>)
        %dma_start3A_70 = arith.constant 0 : i32
        %dma_start3A_71 = tpu.memref_slice %arg2[%add3A_67, %dma_start3A_70] : memref<156160x128xf32, #tpu.memory_space<hbm>> -> memref<80x128xf32, #tpu.memory_space<hbm>>
        %dma_start3A_72 = arith.constant 0 : i32
        %dma_start3A_73 = tpu.memref_slice %arg2[%add3A_67, %dma_start3A_72] : memref<156160x128xf32, #tpu.memory_space<hbm>> -> memref<80x128xf32, #tpu.memory_space<hbm>>
        tpu.enqueue_dma source(%dma_start3A_73 : memref<80x128xf32, #tpu.memory_space<hbm>>) target(%arg8 : memref<80x128xf32, #tpu.memory_space<vmem>>) target_semaphore(%arg11 : memref<!tpu.dma_semaphore, #tpu.memory_space<semaphore_mem>>)
      } else {
      }
      %add3A_52 = arith.constant 1 : i32
      %add3A_53 = arith.addi %mul3A_27, %add3A_52 : i32
      %mul3A_54 = arith.constant 80 : i32
      %mul3A_55 = arith.muli %add3A_53, %mul3A_54 : i32
      %add3A_56 = arith.addi %mul3A_4, %mul3A_55 : i32
      %dma_wait3A_57 = tpu.memref_slice %arg3[%add3A_56] : memref<156160xi32, #tpu.memory_space<hbm>> -> memref<80xi32, #tpu.memory_space<hbm>>
      %dma_wait3A_58 = tpu.memref_slice %arg3[%add3A_56] : memref<156160xi32, #tpu.memory_space<hbm>> -> memref<80xi32, #tpu.memory_space<hbm>>
      tpu.wait_dma2 semaphore(%arg12 : memref<!tpu.dma_semaphore, #tpu.memory_space<semaphore_mem>>) src(%dma_wait3A_58 : memref<80xi32, #tpu.memory_space<hbm>>) dst(%arg7 : memref<80xi32, #tpu.memory_space<vmem>>)
      %dma_wait3A_59 = arith.constant 0 : i32
      %dma_wait3A_60 = tpu.memref_slice %arg2[%add3A_56, %dma_wait3A_59] : memref<156160x128xf32, #tpu.memory_space<hbm>> -> memref<80x128xf32, #tpu.memory_space<hbm>>
      %dma_wait3A_61 = arith.constant 0 : i32
      %dma_wait3A_62 = tpu.memref_slice %arg2[%add3A_56, %dma_wait3A_61] : memref<156160x128xf32, #tpu.memory_space<hbm>> -> memref<80x128xf32, #tpu.memory_space<hbm>>
      tpu.wait_dma2 semaphore(%arg13 : memref<!tpu.dma_semaphore, #tpu.memory_space<semaphore_mem>>) src(%dma_wait3A_62 : memref<80x128xf32, #tpu.memory_space<hbm>>) dst(%arg9 : memref<80x128xf32, #tpu.memory_space<vmem>>)
      "tpu.region"() ({
        %run_scoped3A = tpu.sem_alloc : memref<!tpu.dma_semaphore, #tpu.memory_space<semaphore_mem>>
        %dma_start3A_63 = arith.constant 0 : i32
        %dma_start3A_64 = arith.constant 0 : i32
        %dma_start3A_65 = tpu.memref_slice %arg14[%dma_start3A_63, %dma_start3A_64] : memref<10240x128xf32, #tpu.memory_space<vmem_shared>> -> memref<10240x128xf32, #tpu.memory_space<vmem_shared>>
        tpu.enqueue_indirect_dma source(%arg9 : memref<80x128xf32, #tpu.memory_space<vmem>>) target(%dma_start3A_65 : memref<10240x128xf32, #tpu.memory_space<vmem_shared>>) offsets(%arg7 : memref<80xi32, #tpu.memory_space<vmem>>) semaphore(%run_scoped3A : memref<!tpu.dma_semaphore, #tpu.memory_space<semaphore_mem>>) {add = true}
        %dma_wait3A_66 = arith.constant 0 : i32
        %dma_wait3A_67 = arith.constant 0 : i32
        %dma_wait3A_68 = tpu.memref_slice %arg14[%dma_wait3A_66, %dma_wait3A_67] : memref<10240x128xf32, #tpu.memory_space<vmem_shared>> -> memref<10240x128xf32, #tpu.memory_space<vmem_shared>>
        tpu.wait_indirect_dma semaphore(%run_scoped3A : memref<!tpu.dma_semaphore, #tpu.memory_space<semaphore_mem>>) src(%arg9 : memref<80x128xf32, #tpu.memory_space<vmem>>) dst(%dma_wait3A_68 : memref<10240x128xf32, #tpu.memory_space<vmem_shared>>)
        tpu.yield
      }) : () -> ()
    }
    %scan3A_16 = arith.constant 30 : i32
    %add3A_17 = arith.constant 4800 : i32
    %add3A_18 = arith.addi %mul3A_4, %add3A_17 : i32
    %dma_wait3A = tpu.memref_slice %arg3[%add3A_18] : memref<156160xi32, #tpu.memory_space<hbm>> -> memref<80xi32, #tpu.memory_space<hbm>>
    %dma_wait3A_19 = tpu.memref_slice %arg3[%add3A_18] : memref<156160xi32, #tpu.memory_space<hbm>> -> memref<80xi32, #tpu.memory_space<hbm>>
    tpu.wait_dma2 semaphore(%arg10 : memref<!tpu.dma_semaphore, #tpu.memory_space<semaphore_mem>>) src(%dma_wait3A_19 : memref<80xi32, #tpu.memory_space<hbm>>) dst(%arg6 : memref<80xi32, #tpu.memory_space<vmem>>)
    %dma_wait3A_20 = arith.constant 0 : i32
    %dma_wait3A_21 = tpu.memref_slice %arg2[%add3A_18, %dma_wait3A_20] : memref<156160x128xf32, #tpu.memory_space<hbm>> -> memref<80x128xf32, #tpu.memory_space<hbm>>
    %dma_wait3A_22 = arith.constant 0 : i32
    %dma_wait3A_23 = tpu.memref_slice %arg2[%add3A_18, %dma_wait3A_22] : memref<156160x128xf32, #tpu.memory_space<hbm>> -> memref<80x128xf32, #tpu.memory_space<hbm>>
    tpu.wait_dma2 semaphore(%arg11 : memref<!tpu.dma_semaphore, #tpu.memory_space<semaphore_mem>>) src(%dma_wait3A_23 : memref<80x128xf32, #tpu.memory_space<hbm>>) dst(%arg8 : memref<80x128xf32, #tpu.memory_space<vmem>>)
    "tpu.region"() ({
      %run_scoped3A = tpu.sem_alloc : memref<!tpu.dma_semaphore, #tpu.memory_space<semaphore_mem>>
      %dma_start3A_25 = arith.constant 0 : i32
      %dma_start3A_26 = arith.constant 0 : i32
      %dma_start3A_27 = tpu.memref_slice %arg14[%dma_start3A_25, %dma_start3A_26] : memref<10240x128xf32, #tpu.memory_space<vmem_shared>> -> memref<10240x128xf32, #tpu.memory_space<vmem_shared>>
      tpu.enqueue_indirect_dma source(%arg8 : memref<80x128xf32, #tpu.memory_space<vmem>>) target(%dma_start3A_27 : memref<10240x128xf32, #tpu.memory_space<vmem_shared>>) offsets(%arg6 : memref<80xi32, #tpu.memory_space<vmem>>) semaphore(%run_scoped3A : memref<!tpu.dma_semaphore, #tpu.memory_space<semaphore_mem>>) {add = true}
      %dma_wait3A_28 = arith.constant 0 : i32
      %dma_wait3A_29 = arith.constant 0 : i32
      %dma_wait3A_30 = tpu.memref_slice %arg14[%dma_wait3A_28, %dma_wait3A_29] : memref<10240x128xf32, #tpu.memory_space<vmem_shared>> -> memref<10240x128xf32, #tpu.memory_space<vmem_shared>>
      tpu.wait_indirect_dma semaphore(%run_scoped3A : memref<!tpu.dma_semaphore, #tpu.memory_space<semaphore_mem>>) src(%arg8 : memref<80x128xf32, #tpu.memory_space<vmem>>) dst(%dma_wait3A_30 : memref<10240x128xf32, #tpu.memory_space<vmem_shared>>)
      tpu.yield
    }) : () -> ()
    %barrier3A_24 = arith.constant 0 : index
    tpu.barrier barrier_id(%barrier3A_24)
    "tpu.region"() ({
      %run_scoped3A = tpu.sem_alloc : memref<!tpu.dma_semaphore, #tpu.memory_space<semaphore_mem>>
      %dma_start3A_25 = arith.constant 0 : i32
      %dma_start3A_26 = tpu.memref_slice %arg5[%arg0, %mul3A_2, %dma_start3A_25] : memref<2x10240x128xf32, #tpu.memory_space<hbm>> -> memref<1x640x128xf32, #tpu.memory_space<hbm>>
      %dma_start3A_27 = tpu.memref_squeeze %dma_start3A_26 : memref<1x640x128xf32, #tpu.memory_space<hbm>> -> memref<640x128xf32, #tpu.memory_space<hbm>>
      %dma_start3A_28 = arith.constant 0 : i32
      %dma_start3A_29 = tpu.memref_slice %arg14[%mul3A_2, %dma_start3A_28] : memref<10240x128xf32, #tpu.memory_space<vmem_shared>> -> memref<640x128xf32, #tpu.memory_space<vmem_shared>>
      tpu.enqueue_dma source(%dma_start3A_29 : memref<640x128xf32, #tpu.memory_space<vmem_shared>>) target(%dma_start3A_27 : memref<640x128xf32, #tpu.memory_space<hbm>>) target_semaphore(%run_scoped3A : memref<!tpu.dma_semaphore, #tpu.memory_space<semaphore_mem>>)
      %dma_wait3A_30 = arith.constant 0 : i32
      %dma_wait3A_31 = tpu.memref_slice %arg5[%arg0, %mul3A_2, %dma_wait3A_30] : memref<2x10240x128xf32, #tpu.memory_space<hbm>> -> memref<1x640x128xf32, #tpu.memory_space<hbm>>
      %dma_wait3A_32 = tpu.memref_squeeze %dma_wait3A_31 : memref<1x640x128xf32, #tpu.memory_space<hbm>> -> memref<640x128xf32, #tpu.memory_space<hbm>>
      %dma_wait3A_33 = arith.constant 0 : i32
      %dma_wait3A_34 = tpu.memref_slice %arg14[%mul3A_2, %dma_wait3A_33] : memref<10240x128xf32, #tpu.memory_space<vmem_shared>> -> memref<640x128xf32, #tpu.memory_space<vmem_shared>>
      tpu.wait_dma2 semaphore(%run_scoped3A : memref<!tpu.dma_semaphore, #tpu.memory_space<semaphore_mem>>) src(%dma_wait3A_34 : memref<640x128xf32, #tpu.memory_space<vmem_shared>>) dst(%dma_wait3A_32 : memref<640x128xf32, #tpu.memory_space<hbm>>)
      tpu.yield
    }) : () -> ()
    return
  }
}

#map = affine_map<(d0, d1) -> (0, 0)>
#map1 = affine_map<(d0, d1) -> (0)>
module attributes {stable_mosaic.version = 14 : i64} {
  func.func @_gather_body(%arg0: i32, %arg1: i32, %arg2: memref<10000x128xf32, #tpu.memory_space<hbm>>, %arg3: memref<10000x128xf32, #tpu.memory_space<hbm>>, %arg4: memref<163840xi32, #tpu.memory_space<hbm>>, %arg5: memref<163840xi32, #tpu.memory_space<hbm>>, %arg6: memref<163840x128xf32, #tpu.memory_space<hbm>>, %arg7: memref<163840x128xf32, #tpu.memory_space<hbm>>, %arg8: memref<80xi32, #tpu.memory_space<vmem>>, %arg9: memref<80xi32, #tpu.memory_space<vmem>>, %arg10: memref<80xi32, #tpu.memory_space<vmem>>, %arg11: memref<80xi32, #tpu.memory_space<vmem>>, %arg12: memref<80x128xf32, #tpu.memory_space<vmem>>, %arg13: memref<80x128xf32, #tpu.memory_space<vmem>>, %arg14: memref<80x128xf32, #tpu.memory_space<vmem>>, %arg15: memref<80x128xf32, #tpu.memory_space<vmem>>, %arg16: memref<!tpu.dma_semaphore, #tpu.memory_space<semaphore_mem>>, %arg17: memref<!tpu.dma_semaphore, #tpu.memory_space<semaphore_mem>>, %arg18: memref<!tpu.dma_semaphore, #tpu.memory_space<semaphore_mem>>, %arg19: memref<!tpu.dma_semaphore, #tpu.memory_space<semaphore_mem>>) attributes {dimension_semantics = [#tpu.dimension_semantics<core_parallel>, #tpu.dimension_semantics<subcore_parallel>], iteration_bounds = array<i64: 2, 16>, scalar_prefetch = 0 : i64, scratch_operands = 12 : i64, tpu.core_type = #tpu.core_type<sc_vector_subcore>, window_params = [{transform_indices = #map}, {transform_indices = #map}, {transform_indices = #map1}, {transform_indices = #map1}, {transform_indices = #map}, {transform_indices = #map}]} {
    %mul3A = arith.constant 2 : i32
    %mul3A_0 = arith.muli %arg1, %mul3A : i32
    %add3A = arith.addi %mul3A_0, %arg0 : i32
    %mul3A_1 = arith.constant 5120 : i32
    %mul3A_2 = arith.muli %add3A, %mul3A_1 : i32
    %add3A_3 = arith.constant 0 : i32
    %add3A_4 = arith.addi %mul3A_2, %add3A_3 : i32
    "tpu.region"() ({
      %run_scoped3A = tpu.sem_alloc : memref<!tpu.dma_semaphore, #tpu.memory_space<semaphore_mem>>
      %dma_start3A_15 = tpu.memref_slice %arg4[%add3A_4] : memref<163840xi32, #tpu.memory_space<hbm>> -> memref<80xi32, #tpu.memory_space<hbm>>
      %dma_start3A_16 = tpu.memref_slice %arg4[%add3A_4] : memref<163840xi32, #tpu.memory_space<hbm>> -> memref<80xi32, #tpu.memory_space<hbm>>
      tpu.enqueue_dma source(%dma_start3A_16 : memref<80xi32, #tpu.memory_space<hbm>>) target(%arg8 : memref<80xi32, #tpu.memory_space<vmem>>) target_semaphore(%run_scoped3A : memref<!tpu.dma_semaphore, #tpu.memory_space<semaphore_mem>>)
      %dma_wait3A = tpu.memref_slice %arg4[%add3A_4] : memref<163840xi32, #tpu.memory_space<hbm>> -> memref<80xi32, #tpu.memory_space<hbm>>
      %dma_wait3A_17 = tpu.memref_slice %arg4[%add3A_4] : memref<163840xi32, #tpu.memory_space<hbm>> -> memref<80xi32, #tpu.memory_space<hbm>>
      tpu.wait_dma2 semaphore(%run_scoped3A : memref<!tpu.dma_semaphore, #tpu.memory_space<semaphore_mem>>) src(%dma_wait3A_17 : memref<80xi32, #tpu.memory_space<hbm>>) dst(%arg8 : memref<80xi32, #tpu.memory_space<vmem>>)
      tpu.yield
    }) : () -> ()
    "tpu.region"() ({
      %run_scoped3A = tpu.sem_alloc : memref<!tpu.dma_semaphore, #tpu.memory_space<semaphore_mem>>
      %dma_start3A_15 = tpu.memref_slice %arg5[%add3A_4] : memref<163840xi32, #tpu.memory_space<hbm>> -> memref<80xi32, #tpu.memory_space<hbm>>
      %dma_start3A_16 = tpu.memref_slice %arg5[%add3A_4] : memref<163840xi32, #tpu.memory_space<hbm>> -> memref<80xi32, #tpu.memory_space<hbm>>
      tpu.enqueue_dma source(%dma_start3A_16 : memref<80xi32, #tpu.memory_space<hbm>>) target(%arg9 : memref<80xi32, #tpu.memory_space<vmem>>) target_semaphore(%run_scoped3A : memref<!tpu.dma_semaphore, #tpu.memory_space<semaphore_mem>>)
      %dma_wait3A = tpu.memref_slice %arg5[%add3A_4] : memref<163840xi32, #tpu.memory_space<hbm>> -> memref<80xi32, #tpu.memory_space<hbm>>
      %dma_wait3A_17 = tpu.memref_slice %arg5[%add3A_4] : memref<163840xi32, #tpu.memory_space<hbm>> -> memref<80xi32, #tpu.memory_space<hbm>>
      tpu.wait_dma2 semaphore(%run_scoped3A : memref<!tpu.dma_semaphore, #tpu.memory_space<semaphore_mem>>) src(%dma_wait3A_17 : memref<80xi32, #tpu.memory_space<hbm>>) dst(%arg9 : memref<80xi32, #tpu.memory_space<vmem>>)
      tpu.yield
    }) : () -> ()
    %dma_start3A = arith.constant 0 : i32
    %dma_start3A_5 = arith.constant 0 : i32
    %dma_start3A_6 = tpu.memref_slice %arg2[%dma_start3A, %dma_start3A_5] : memref<10000x128xf32, #tpu.memory_space<hbm>> -> memref<10000x128xf32, #tpu.memory_space<hbm>>
    tpu.enqueue_indirect_dma source(%dma_start3A_6 : memref<10000x128xf32, #tpu.memory_space<hbm>>) target(%arg12 : memref<80x128xf32, #tpu.memory_space<vmem>>) offsets(%arg8 : memref<80xi32, #tpu.memory_space<vmem>>) semaphore(%arg16 : memref<!tpu.dma_semaphore, #tpu.memory_space<semaphore_mem>>)
    %dma_start3A_7 = arith.constant 0 : i32
    %dma_start3A_8 = arith.constant 0 : i32
    %dma_start3A_9 = tpu.memref_slice %arg3[%dma_start3A_7, %dma_start3A_8] : memref<10000x128xf32, #tpu.memory_space<hbm>> -> memref<10000x128xf32, #tpu.memory_space<hbm>>
    tpu.enqueue_indirect_dma source(%dma_start3A_9 : memref<10000x128xf32, #tpu.memory_space<hbm>>) target(%arg13 : memref<80x128xf32, #tpu.memory_space<vmem>>) offsets(%arg9 : memref<80xi32, #tpu.memory_space<vmem>>) semaphore(%arg17 : memref<!tpu.dma_semaphore, #tpu.memory_space<semaphore_mem>>)
    %scan3A = arith.constant 0 : i32
    %scan3A_10 = arith.constant 0 : i32
    %scan3A_11 = arith.constant 32 : i32
    %scan3A_12 = arith.addi %scan3A_10, %scan3A_11 : i32
    %scan3A_13 = arith.constant 1 : i32
    scf.for %scan3A_15 = %scan3A_10 to %scan3A_12 step %scan3A_13  : i32 {
      %mul3A_16 = arith.constant 2 : i32
      %mul3A_17 = arith.muli %scan3A_15, %mul3A_16 : i32
      %add3A_18 = arith.constant 1 : i32
      %add3A_19 = arith.addi %mul3A_17, %add3A_18 : i32
      %mul3A_20 = arith.constant 80 : i32
      %mul3A_21 = arith.muli %add3A_19, %mul3A_20 : i32
      %add3A_22 = arith.addi %mul3A_2, %mul3A_21 : i32
      "tpu.region"() ({
        %run_scoped3A = tpu.sem_alloc : memref<!tpu.dma_semaphore, #tpu.memory_space<semaphore_mem>>
        %dma_start3A_52 = tpu.memref_slice %arg4[%add3A_22] : memref<163840xi32, #tpu.memory_space<hbm>> -> memref<80xi32, #tpu.memory_space<hbm>>
        %dma_start3A_53 = tpu.memref_slice %arg4[%add3A_22] : memref<163840xi32, #tpu.memory_space<hbm>> -> memref<80xi32, #tpu.memory_space<hbm>>
        tpu.enqueue_dma source(%dma_start3A_53 : memref<80xi32, #tpu.memory_space<hbm>>) target(%arg10 : memref<80xi32, #tpu.memory_space<vmem>>) target_semaphore(%run_scoped3A : memref<!tpu.dma_semaphore, #tpu.memory_space<semaphore_mem>>)
        %dma_wait3A_54 = tpu.memref_slice %arg4[%add3A_22] : memref<163840xi32, #tpu.memory_space<hbm>> -> memref<80xi32, #tpu.memory_space<hbm>>
        %dma_wait3A_55 = tpu.memref_slice %arg4[%add3A_22] : memref<163840xi32, #tpu.memory_space<hbm>> -> memref<80xi32, #tpu.memory_space<hbm>>
        tpu.wait_dma2 semaphore(%run_scoped3A : memref<!tpu.dma_semaphore, #tpu.memory_space<semaphore_mem>>) src(%dma_wait3A_55 : memref<80xi32, #tpu.memory_space<hbm>>) dst(%arg10 : memref<80xi32, #tpu.memory_space<vmem>>)
        tpu.yield
      }) : () -> ()
      "tpu.region"() ({
        %run_scoped3A = tpu.sem_alloc : memref<!tpu.dma_semaphore, #tpu.memory_space<semaphore_mem>>
        %dma_start3A_52 = tpu.memref_slice %arg5[%add3A_22] : memref<163840xi32, #tpu.memory_space<hbm>> -> memref<80xi32, #tpu.memory_space<hbm>>
        %dma_start3A_53 = tpu.memref_slice %arg5[%add3A_22] : memref<163840xi32, #tpu.memory_space<hbm>> -> memref<80xi32, #tpu.memory_space<hbm>>
        tpu.enqueue_dma source(%dma_start3A_53 : memref<80xi32, #tpu.memory_space<hbm>>) target(%arg11 : memref<80xi32, #tpu.memory_space<vmem>>) target_semaphore(%run_scoped3A : memref<!tpu.dma_semaphore, #tpu.memory_space<semaphore_mem>>)
        %dma_wait3A_54 = tpu.memref_slice %arg5[%add3A_22] : memref<163840xi32, #tpu.memory_space<hbm>> -> memref<80xi32, #tpu.memory_space<hbm>>
        %dma_wait3A_55 = tpu.memref_slice %arg5[%add3A_22] : memref<163840xi32, #tpu.memory_space<hbm>> -> memref<80xi32, #tpu.memory_space<hbm>>
        tpu.wait_dma2 semaphore(%run_scoped3A : memref<!tpu.dma_semaphore, #tpu.memory_space<semaphore_mem>>) src(%dma_wait3A_55 : memref<80xi32, #tpu.memory_space<hbm>>) dst(%arg11 : memref<80xi32, #tpu.memory_space<vmem>>)
        tpu.yield
      }) : () -> ()
      %dma_start3A_23 = arith.constant 0 : i32
      %dma_start3A_24 = arith.constant 0 : i32
      %dma_start3A_25 = tpu.memref_slice %arg2[%dma_start3A_23, %dma_start3A_24] : memref<10000x128xf32, #tpu.memory_space<hbm>> -> memref<10000x128xf32, #tpu.memory_space<hbm>>
      tpu.enqueue_indirect_dma source(%dma_start3A_25 : memref<10000x128xf32, #tpu.memory_space<hbm>>) target(%arg14 : memref<80x128xf32, #tpu.memory_space<vmem>>) offsets(%arg10 : memref<80xi32, #tpu.memory_space<vmem>>) semaphore(%arg18 : memref<!tpu.dma_semaphore, #tpu.memory_space<semaphore_mem>>)
      %dma_start3A_26 = arith.constant 0 : i32
      %dma_start3A_27 = arith.constant 0 : i32
      %dma_start3A_28 = tpu.memref_slice %arg3[%dma_start3A_26, %dma_start3A_27] : memref<10000x128xf32, #tpu.memory_space<hbm>> -> memref<10000x128xf32, #tpu.memory_space<hbm>>
      tpu.enqueue_indirect_dma source(%dma_start3A_28 : memref<10000x128xf32, #tpu.memory_space<hbm>>) target(%arg15 : memref<80x128xf32, #tpu.memory_space<vmem>>) offsets(%arg11 : memref<80xi32, #tpu.memory_space<vmem>>) semaphore(%arg19 : memref<!tpu.dma_semaphore, #tpu.memory_space<semaphore_mem>>)
      %dma_wait3A = arith.constant 0 : i32
      %dma_wait3A_29 = arith.constant 0 : i32
      %dma_wait3A_30 = tpu.memref_slice %arg2[%dma_wait3A, %dma_wait3A_29] : memref<10000x128xf32, #tpu.memory_space<hbm>> -> memref<10000x128xf32, #tpu.memory_space<hbm>>
      tpu.wait_indirect_dma semaphore(%arg16 : memref<!tpu.dma_semaphore, #tpu.memory_space<semaphore_mem>>) src(%dma_wait3A_30 : memref<10000x128xf32, #tpu.memory_space<hbm>>) dst(%arg12 : memref<80x128xf32, #tpu.memory_space<vmem>>)
      %dma_wait3A_31 = arith.constant 0 : i32
      %dma_wait3A_32 = arith.constant 0 : i32
      %dma_wait3A_33 = tpu.memref_slice %arg3[%dma_wait3A_31, %dma_wait3A_32] : memref<10000x128xf32, #tpu.memory_space<hbm>> -> memref<10000x128xf32, #tpu.memory_space<hbm>>
      tpu.wait_indirect_dma semaphore(%arg17 : memref<!tpu.dma_semaphore, #tpu.memory_space<semaphore_mem>>) src(%dma_wait3A_33 : memref<10000x128xf32, #tpu.memory_space<hbm>>) dst(%arg13 : memref<80x128xf32, #tpu.memory_space<vmem>>)
      %mul3A_34 = arith.constant 80 : i32
      %mul3A_35 = arith.muli %mul3A_17, %mul3A_34 : i32
      %add3A_36 = arith.addi %mul3A_2, %mul3A_35 : i32
      "tpu.region"() ({
        %run_scoped3A = tpu.sem_alloc : memref<!tpu.dma_semaphore, #tpu.memory_space<semaphore_mem>>
        %dma_start3A_52 = arith.constant 0 : i32
        %dma_start3A_53 = tpu.memref_slice %arg6[%add3A_36, %dma_start3A_52] : memref<163840x128xf32, #tpu.memory_space<hbm>> -> memref<80x128xf32, #tpu.memory_space<hbm>>
        %dma_start3A_54 = arith.constant 0 : i32
        %dma_start3A_55 = tpu.memref_slice %arg6[%add3A_36, %dma_start3A_54] : memref<163840x128xf32, #tpu.memory_space<hbm>> -> memref<80x128xf32, #tpu.memory_space<hbm>>
        tpu.enqueue_dma source(%arg12 : memref<80x128xf32, #tpu.memory_space<vmem>>) target(%dma_start3A_55 : memref<80x128xf32, #tpu.memory_space<hbm>>) target_semaphore(%run_scoped3A : memref<!tpu.dma_semaphore, #tpu.memory_space<semaphore_mem>>)
        %dma_wait3A_56 = arith.constant 0 : i32
        %dma_wait3A_57 = tpu.memref_slice %arg6[%add3A_36, %dma_wait3A_56] : memref<163840x128xf32, #tpu.memory_space<hbm>> -> memref<80x128xf32, #tpu.memory_space<hbm>>
        %dma_wait3A_58 = arith.constant 0 : i32
        %dma_wait3A_59 = tpu.memref_slice %arg6[%add3A_36, %dma_wait3A_58] : memref<163840x128xf32, #tpu.memory_space<hbm>> -> memref<80x128xf32, #tpu.memory_space<hbm>>
        tpu.wait_dma2 semaphore(%run_scoped3A : memref<!tpu.dma_semaphore, #tpu.memory_space<semaphore_mem>>) src(%arg12 : memref<80x128xf32, #tpu.memory_space<vmem>>) dst(%dma_wait3A_59 : memref<80x128xf32, #tpu.memory_space<hbm>>)
        tpu.yield
      }) : () -> ()
      "tpu.region"() ({
        %run_scoped3A = tpu.sem_alloc : memref<!tpu.dma_semaphore, #tpu.memory_space<semaphore_mem>>
        %dma_start3A_52 = arith.constant 0 : i32
        %dma_start3A_53 = tpu.memref_slice %arg7[%add3A_36, %dma_start3A_52] : memref<163840x128xf32, #tpu.memory_space<hbm>> -> memref<80x128xf32, #tpu.memory_space<hbm>>
        %dma_start3A_54 = arith.constant 0 : i32
        %dma_start3A_55 = tpu.memref_slice %arg7[%add3A_36, %dma_start3A_54] : memref<163840x128xf32, #tpu.memory_space<hbm>> -> memref<80x128xf32, #tpu.memory_space<hbm>>
        tpu.enqueue_dma source(%arg13 : memref<80x128xf32, #tpu.memory_space<vmem>>) target(%dma_start3A_55 : memref<80x128xf32, #tpu.memory_space<hbm>>) target_semaphore(%run_scoped3A : memref<!tpu.dma_semaphore, #tpu.memory_space<semaphore_mem>>)
        %dma_wait3A_56 = arith.constant 0 : i32
        %dma_wait3A_57 = tpu.memref_slice %arg7[%add3A_36, %dma_wait3A_56] : memref<163840x128xf32, #tpu.memory_space<hbm>> -> memref<80x128xf32, #tpu.memory_space<hbm>>
        %dma_wait3A_58 = arith.constant 0 : i32
        %dma_wait3A_59 = tpu.memref_slice %arg7[%add3A_36, %dma_wait3A_58] : memref<163840x128xf32, #tpu.memory_space<hbm>> -> memref<80x128xf32, #tpu.memory_space<hbm>>
        tpu.wait_dma2 semaphore(%run_scoped3A : memref<!tpu.dma_semaphore, #tpu.memory_space<semaphore_mem>>) src(%arg13 : memref<80x128xf32, #tpu.memory_space<vmem>>) dst(%dma_wait3A_59 : memref<80x128xf32, #tpu.memory_space<hbm>>)
        tpu.yield
      }) : () -> ()
      %add3A_37 = arith.constant 2 : i32
      %add3A_38 = arith.addi %mul3A_17, %add3A_37 : i32
      %lt3A = arith.constant 64 : i32
      %lt3A_39 = arith.cmpi slt, %add3A_38, %lt3A : i32
      %convert_element_type3A = arith.extui %lt3A_39 : i1 to i32
      %cond3A = arith.constant 0 : i32
      %cond3A_40 = arith.cmpi ne, %convert_element_type3A, %cond3A : i32
      scf.if %cond3A_40 {
        %add3A_52 = arith.constant 2 : i32
        %add3A_53 = arith.addi %mul3A_17, %add3A_52 : i32
        %mul3A_54 = arith.constant 80 : i32
        %mul3A_55 = arith.muli %add3A_53, %mul3A_54 : i32
        %add3A_56 = arith.addi %mul3A_2, %mul3A_55 : i32
        "tpu.region"() ({
          %run_scoped3A = tpu.sem_alloc : memref<!tpu.dma_semaphore, #tpu.memory_space<semaphore_mem>>
          %dma_start3A_63 = tpu.memref_slice %arg4[%add3A_56] : memref<163840xi32, #tpu.memory_space<hbm>> -> memref<80xi32, #tpu.memory_space<hbm>>
          %dma_start3A_64 = tpu.memref_slice %arg4[%add3A_56] : memref<163840xi32, #tpu.memory_space<hbm>> -> memref<80xi32, #tpu.memory_space<hbm>>
          tpu.enqueue_dma source(%dma_start3A_64 : memref<80xi32, #tpu.memory_space<hbm>>) target(%arg8 : memref<80xi32, #tpu.memory_space<vmem>>) target_semaphore(%run_scoped3A : memref<!tpu.dma_semaphore, #tpu.memory_space<semaphore_mem>>)
          %dma_wait3A_65 = tpu.memref_slice %arg4[%add3A_56] : memref<163840xi32, #tpu.memory_space<hbm>> -> memref<80xi32, #tpu.memory_space<hbm>>
          %dma_wait3A_66 = tpu.memref_slice %arg4[%add3A_56] : memref<163840xi32, #tpu.memory_space<hbm>> -> memref<80xi32, #tpu.memory_space<hbm>>
          tpu.wait_dma2 semaphore(%run_scoped3A : memref<!tpu.dma_semaphore, #tpu.memory_space<semaphore_mem>>) src(%dma_wait3A_66 : memref<80xi32, #tpu.memory_space<hbm>>) dst(%arg8 : memref<80xi32, #tpu.memory_space<vmem>>)
          tpu.yield
        }) : () -> ()
        "tpu.region"() ({
          %run_scoped3A = tpu.sem_alloc : memref<!tpu.dma_semaphore, #tpu.memory_space<semaphore_mem>>
          %dma_start3A_63 = tpu.memref_slice %arg5[%add3A_56] : memref<163840xi32, #tpu.memory_space<hbm>> -> memref<80xi32, #tpu.memory_space<hbm>>
          %dma_start3A_64 = tpu.memref_slice %arg5[%add3A_56] : memref<163840xi32, #tpu.memory_space<hbm>> -> memref<80xi32, #tpu.memory_space<hbm>>
          tpu.enqueue_dma source(%dma_start3A_64 : memref<80xi32, #tpu.memory_space<hbm>>) target(%arg9 : memref<80xi32, #tpu.memory_space<vmem>>) target_semaphore(%run_scoped3A : memref<!tpu.dma_semaphore, #tpu.memory_space<semaphore_mem>>)
          %dma_wait3A_65 = tpu.memref_slice %arg5[%add3A_56] : memref<163840xi32, #tpu.memory_space<hbm>> -> memref<80xi32, #tpu.memory_space<hbm>>
          %dma_wait3A_66 = tpu.memref_slice %arg5[%add3A_56] : memref<163840xi32, #tpu.memory_space<hbm>> -> memref<80xi32, #tpu.memory_space<hbm>>
          tpu.wait_dma2 semaphore(%run_scoped3A : memref<!tpu.dma_semaphore, #tpu.memory_space<semaphore_mem>>) src(%dma_wait3A_66 : memref<80xi32, #tpu.memory_space<hbm>>) dst(%arg9 : memref<80xi32, #tpu.memory_space<vmem>>)
          tpu.yield
        }) : () -> ()
        %dma_start3A_57 = arith.constant 0 : i32
        %dma_start3A_58 = arith.constant 0 : i32
        %dma_start3A_59 = tpu.memref_slice %arg2[%dma_start3A_57, %dma_start3A_58] : memref<10000x128xf32, #tpu.memory_space<hbm>> -> memref<10000x128xf32, #tpu.memory_space<hbm>>
        tpu.enqueue_indirect_dma source(%dma_start3A_59 : memref<10000x128xf32, #tpu.memory_space<hbm>>) target(%arg12 : memref<80x128xf32, #tpu.memory_space<vmem>>) offsets(%arg8 : memref<80xi32, #tpu.memory_space<vmem>>) semaphore(%arg16 : memref<!tpu.dma_semaphore, #tpu.memory_space<semaphore_mem>>)
        %dma_start3A_60 = arith.constant 0 : i32
        %dma_start3A_61 = arith.constant 0 : i32
        %dma_start3A_62 = tpu.memref_slice %arg3[%dma_start3A_60, %dma_start3A_61] : memref<10000x128xf32, #tpu.memory_space<hbm>> -> memref<10000x128xf32, #tpu.memory_space<hbm>>
        tpu.enqueue_indirect_dma source(%dma_start3A_62 : memref<10000x128xf32, #tpu.memory_space<hbm>>) target(%arg13 : memref<80x128xf32, #tpu.memory_space<vmem>>) offsets(%arg9 : memref<80xi32, #tpu.memory_space<vmem>>) semaphore(%arg17 : memref<!tpu.dma_semaphore, #tpu.memory_space<semaphore_mem>>)
      } else {
      }
      %add3A_41 = arith.constant 1 : i32
      %add3A_42 = arith.addi %mul3A_17, %add3A_41 : i32
      %dma_wait3A_43 = arith.constant 0 : i32
      %dma_wait3A_44 = arith.constant 0 : i32
      %dma_wait3A_45 = tpu.memref_slice %arg2[%dma_wait3A_43, %dma_wait3A_44] : memref<10000x128xf32, #tpu.memory_space<hbm>> -> memref<10000x128xf32, #tpu.memory_space<hbm>>
      tpu.wait_indirect_dma semaphore(%arg18 : memref<!tpu.dma_semaphore, #tpu.memory_space<semaphore_mem>>) src(%dma_wait3A_45 : memref<10000x128xf32, #tpu.memory_space<hbm>>) dst(%arg14 : memref<80x128xf32, #tpu.memory_space<vmem>>)
      %dma_wait3A_46 = arith.constant 0 : i32
      %dma_wait3A_47 = arith.constant 0 : i32
      %dma_wait3A_48 = tpu.memref_slice %arg3[%dma_wait3A_46, %dma_wait3A_47] : memref<10000x128xf32, #tpu.memory_space<hbm>> -> memref<10000x128xf32, #tpu.memory_space<hbm>>
      tpu.wait_indirect_dma semaphore(%arg19 : memref<!tpu.dma_semaphore, #tpu.memory_space<semaphore_mem>>) src(%dma_wait3A_48 : memref<10000x128xf32, #tpu.memory_space<hbm>>) dst(%arg15 : memref<80x128xf32, #tpu.memory_space<vmem>>)
      %mul3A_49 = arith.constant 80 : i32
      %mul3A_50 = arith.muli %add3A_42, %mul3A_49 : i32
      %add3A_51 = arith.addi %mul3A_2, %mul3A_50 : i32
      "tpu.region"() ({
        %run_scoped3A = tpu.sem_alloc : memref<!tpu.dma_semaphore, #tpu.memory_space<semaphore_mem>>
        %dma_start3A_52 = arith.constant 0 : i32
        %dma_start3A_53 = tpu.memref_slice %arg6[%add3A_51, %dma_start3A_52] : memref<163840x128xf32, #tpu.memory_space<hbm>> -> memref<80x128xf32, #tpu.memory_space<hbm>>
        %dma_start3A_54 = arith.constant 0 : i32
        %dma_start3A_55 = tpu.memref_slice %arg6[%add3A_51, %dma_start3A_54] : memref<163840x128xf32, #tpu.memory_space<hbm>> -> memref<80x128xf32, #tpu.memory_space<hbm>>
        tpu.enqueue_dma source(%arg14 : memref<80x128xf32, #tpu.memory_space<vmem>>) target(%dma_start3A_55 : memref<80x128xf32, #tpu.memory_space<hbm>>) target_semaphore(%run_scoped3A : memref<!tpu.dma_semaphore, #tpu.memory_space<semaphore_mem>>)
        %dma_wait3A_56 = arith.constant 0 : i32
        %dma_wait3A_57 = tpu.memref_slice %arg6[%add3A_51, %dma_wait3A_56] : memref<163840x128xf32, #tpu.memory_space<hbm>> -> memref<80x128xf32, #tpu.memory_space<hbm>>
        %dma_wait3A_58 = arith.constant 0 : i32
        %dma_wait3A_59 = tpu.memref_slice %arg6[%add3A_51, %dma_wait3A_58] : memref<163840x128xf32, #tpu.memory_space<hbm>> -> memref<80x128xf32, #tpu.memory_space<hbm>>
        tpu.wait_dma2 semaphore(%run_scoped3A : memref<!tpu.dma_semaphore, #tpu.memory_space<semaphore_mem>>) src(%arg14 : memref<80x128xf32, #tpu.memory_space<vmem>>) dst(%dma_wait3A_59 : memref<80x128xf32, #tpu.memory_space<hbm>>)
        tpu.yield
      }) : () -> ()
      "tpu.region"() ({
        %run_scoped3A = tpu.sem_alloc : memref<!tpu.dma_semaphore, #tpu.memory_space<semaphore_mem>>
        %dma_start3A_52 = arith.constant 0 : i32
        %dma_start3A_53 = tpu.memref_slice %arg7[%add3A_51, %dma_start3A_52] : memref<163840x128xf32, #tpu.memory_space<hbm>> -> memref<80x128xf32, #tpu.memory_space<hbm>>
        %dma_start3A_54 = arith.constant 0 : i32
        %dma_start3A_55 = tpu.memref_slice %arg7[%add3A_51, %dma_start3A_54] : memref<163840x128xf32, #tpu.memory_space<hbm>> -> memref<80x128xf32, #tpu.memory_space<hbm>>
        tpu.enqueue_dma source(%arg15 : memref<80x128xf32, #tpu.memory_space<vmem>>) target(%dma_start3A_55 : memref<80x128xf32, #tpu.memory_space<hbm>>) target_semaphore(%run_scoped3A : memref<!tpu.dma_semaphore, #tpu.memory_space<semaphore_mem>>)
        %dma_wait3A_56 = arith.constant 0 : i32
        %dma_wait3A_57 = tpu.memref_slice %arg7[%add3A_51, %dma_wait3A_56] : memref<163840x128xf32, #tpu.memory_space<hbm>> -> memref<80x128xf32, #tpu.memory_space<hbm>>
        %dma_wait3A_58 = arith.constant 0 : i32
        %dma_wait3A_59 = tpu.memref_slice %arg7[%add3A_51, %dma_wait3A_58] : memref<163840x128xf32, #tpu.memory_space<hbm>> -> memref<80x128xf32, #tpu.memory_space<hbm>>
        tpu.wait_dma2 semaphore(%run_scoped3A : memref<!tpu.dma_semaphore, #tpu.memory_space<semaphore_mem>>) src(%arg15 : memref<80x128xf32, #tpu.memory_space<vmem>>) dst(%dma_wait3A_59 : memref<80x128xf32, #tpu.memory_space<hbm>>)
        tpu.yield
      }) : () -> ()
    }
    %scan3A_14 = arith.constant 32 : i32
    return
  }
}

#map = affine_map<(d0, d1) -> (0, 0)>
#map1 = affine_map<(d0, d1) -> (0)>
#map2 = affine_map<(d0, d1) -> (0, 0, 0)>
module attributes {stable_mosaic.version = 14 : i64} {
  func.func @_scatter_body(%arg0: i32, %arg1: i32, %arg2: memref<163840x128xf32, #tpu.memory_space<hbm>>, %arg3: memref<163840xi32, #tpu.memory_space<hbm>>, %arg4: memref<10240x128xf32, #tpu.memory_space<hbm>>, %arg5: memref<2x10240x128xf32, #tpu.memory_space<hbm>>, %arg6: memref<80xi32, #tpu.memory_space<vmem>>, %arg7: memref<80xi32, #tpu.memory_space<vmem>>, %arg8: memref<80x128xf32, #tpu.memory_space<vmem>>, %arg9: memref<80x128xf32, #tpu.memory_space<vmem>>, %arg10: memref<!tpu.dma_semaphore, #tpu.memory_space<semaphore_mem>>, %arg11: memref<!tpu.dma_semaphore, #tpu.memory_space<semaphore_mem>>, %arg12: memref<!tpu.dma_semaphore, #tpu.memory_space<semaphore_mem>>, %arg13: memref<!tpu.dma_semaphore, #tpu.memory_space<semaphore_mem>>, %arg14: memref<10240x128xf32, #tpu.memory_space<vmem_shared>>) attributes {dimension_semantics = [#tpu.dimension_semantics<core_parallel>, #tpu.dimension_semantics<subcore_parallel>], iteration_bounds = array<i64: 2, 16>, scalar_prefetch = 0 : i64, scratch_operands = 9 : i64, tpu.core_type = #tpu.core_type<sc_vector_subcore>, window_params = [{transform_indices = #map}, {transform_indices = #map1}, {transform_indices = #map}, {transform_indices = #map2}]} {
    %mul3A = arith.constant 2 : i32
    %mul3A_0 = arith.muli %arg1, %mul3A : i32
    %add3A = arith.addi %mul3A_0, %arg0 : i32
    %mul3A_1 = arith.constant 640 : i32
    %mul3A_2 = arith.muli %arg1, %mul3A_1 : i32
    %mul3A_3 = arith.constant 5120 : i32
    %mul3A_4 = arith.muli %add3A, %mul3A_3 : i32
    "tpu.region"() ({
      %run_scoped3A = tpu.sem_alloc : memref<!tpu.dma_semaphore, #tpu.memory_space<semaphore_mem>>
      %dma_start3A_18 = arith.constant 0 : i32
      %dma_start3A_19 = tpu.memref_slice %arg14[%mul3A_2, %dma_start3A_18] : memref<10240x128xf32, #tpu.memory_space<vmem_shared>> -> memref<640x128xf32, #tpu.memory_space<vmem_shared>>
      %dma_start3A_20 = arith.constant 0 : i32
      %dma_start3A_21 = tpu.memref_slice %arg4[%mul3A_2, %dma_start3A_20] : memref<10240x128xf32, #tpu.memory_space<hbm>> -> memref<640x128xf32, #tpu.memory_space<hbm>>
      tpu.enqueue_dma source(%dma_start3A_21 : memref<640x128xf32, #tpu.memory_space<hbm>>) target(%dma_start3A_19 : memref<640x128xf32, #tpu.memory_space<vmem_shared>>) target_semaphore(%run_scoped3A : memref<!tpu.dma_semaphore, #tpu.memory_space<semaphore_mem>>)
      %dma_wait3A = arith.constant 0 : i32
      %dma_wait3A_22 = tpu.memref_slice %arg14[%mul3A_2, %dma_wait3A] : memref<10240x128xf32, #tpu.memory_space<vmem_shared>> -> memref<640x128xf32, #tpu.memory_space<vmem_shared>>
      %dma_wait3A_23 = arith.constant 0 : i32
      %dma_wait3A_24 = tpu.memref_slice %arg4[%mul3A_2, %dma_wait3A_23] : memref<10240x128xf32, #tpu.memory_space<hbm>> -> memref<640x128xf32, #tpu.memory_space<hbm>>
      tpu.wait_dma2 semaphore(%run_scoped3A : memref<!tpu.dma_semaphore, #tpu.memory_space<semaphore_mem>>) src(%dma_wait3A_24 : memref<640x128xf32, #tpu.memory_space<hbm>>) dst(%dma_wait3A_22 : memref<640x128xf32, #tpu.memory_space<vmem_shared>>)
      tpu.yield
    }) : () -> ()
    %barrier3A = arith.constant 0 : index
    tpu.barrier barrier_id(%barrier3A)
    %add3A_5 = arith.constant 0 : i32
    %add3A_6 = arith.addi %mul3A_4, %add3A_5 : i32
    %dma_start3A = tpu.memref_slice %arg3[%add3A_6] : memref<163840xi32, #tpu.memory_space<hbm>> -> memref<80xi32, #tpu.memory_space<hbm>>
    %dma_start3A_7 = tpu.memref_slice %arg3[%add3A_6] : memref<163840xi32, #tpu.memory_space<hbm>> -> memref<80xi32, #tpu.memory_space<hbm>>
    tpu.enqueue_dma source(%dma_start3A_7 : memref<80xi32, #tpu.memory_space<hbm>>) target(%arg6 : memref<80xi32, #tpu.memory_space<vmem>>) target_semaphore(%arg10 : memref<!tpu.dma_semaphore, #tpu.memory_space<semaphore_mem>>)
    %dma_start3A_8 = arith.constant 0 : i32
    %dma_start3A_9 = tpu.memref_slice %arg2[%add3A_6, %dma_start3A_8] : memref<163840x128xf32, #tpu.memory_space<hbm>> -> memref<80x128xf32, #tpu.memory_space<hbm>>
    %dma_start3A_10 = arith.constant 0 : i32
    %dma_start3A_11 = tpu.memref_slice %arg2[%add3A_6, %dma_start3A_10] : memref<163840x128xf32, #tpu.memory_space<hbm>> -> memref<80x128xf32, #tpu.memory_space<hbm>>
    tpu.enqueue_dma source(%dma_start3A_11 : memref<80x128xf32, #tpu.memory_space<hbm>>) target(%arg8 : memref<80x128xf32, #tpu.memory_space<vmem>>) target_semaphore(%arg11 : memref<!tpu.dma_semaphore, #tpu.memory_space<semaphore_mem>>)
    %scan3A = arith.constant 0 : i32
    %scan3A_12 = arith.constant 0 : i32
    %scan3A_13 = arith.constant 32 : i32
    %scan3A_14 = arith.addi %scan3A_12, %scan3A_13 : i32
    %scan3A_15 = arith.constant 1 : i32
    scf.for %scan3A_18 = %scan3A_12 to %scan3A_14 step %scan3A_15  : i32 {
      %mul3A_19 = arith.constant 2 : i32
      %mul3A_20 = arith.muli %scan3A_18, %mul3A_19 : i32
      %add3A_21 = arith.constant 1 : i32
      %add3A_22 = arith.addi %mul3A_20, %add3A_21 : i32
      %mul3A_23 = arith.constant 80 : i32
      %mul3A_24 = arith.muli %add3A_22, %mul3A_23 : i32
      %add3A_25 = arith.addi %mul3A_4, %mul3A_24 : i32
      %dma_start3A_26 = tpu.memref_slice %arg3[%add3A_25] : memref<163840xi32, #tpu.memory_space<hbm>> -> memref<80xi32, #tpu.memory_space<hbm>>
      %dma_start3A_27 = tpu.memref_slice %arg3[%add3A_25] : memref<163840xi32, #tpu.memory_space<hbm>> -> memref<80xi32, #tpu.memory_space<hbm>>
      tpu.enqueue_dma source(%dma_start3A_27 : memref<80xi32, #tpu.memory_space<hbm>>) target(%arg7 : memref<80xi32, #tpu.memory_space<vmem>>) target_semaphore(%arg12 : memref<!tpu.dma_semaphore, #tpu.memory_space<semaphore_mem>>)
      %dma_start3A_28 = arith.constant 0 : i32
      %dma_start3A_29 = tpu.memref_slice %arg2[%add3A_25, %dma_start3A_28] : memref<163840x128xf32, #tpu.memory_space<hbm>> -> memref<80x128xf32, #tpu.memory_space<hbm>>
      %dma_start3A_30 = arith.constant 0 : i32
      %dma_start3A_31 = tpu.memref_slice %arg2[%add3A_25, %dma_start3A_30] : memref<163840x128xf32, #tpu.memory_space<hbm>> -> memref<80x128xf32, #tpu.memory_space<hbm>>
      tpu.enqueue_dma source(%dma_start3A_31 : memref<80x128xf32, #tpu.memory_space<hbm>>) target(%arg9 : memref<80x128xf32, #tpu.memory_space<vmem>>) target_semaphore(%arg13 : memref<!tpu.dma_semaphore, #tpu.memory_space<semaphore_mem>>)
      %mul3A_32 = arith.constant 80 : i32
      %mul3A_33 = arith.muli %mul3A_20, %mul3A_32 : i32
      %add3A_34 = arith.addi %mul3A_4, %mul3A_33 : i32
      %dma_wait3A = tpu.memref_slice %arg3[%add3A_34] : memref<163840xi32, #tpu.memory_space<hbm>> -> memref<80xi32, #tpu.memory_space<hbm>>
      %dma_wait3A_35 = tpu.memref_slice %arg3[%add3A_34] : memref<163840xi32, #tpu.memory_space<hbm>> -> memref<80xi32, #tpu.memory_space<hbm>>
      tpu.wait_dma2 semaphore(%arg10 : memref<!tpu.dma_semaphore, #tpu.memory_space<semaphore_mem>>) src(%dma_wait3A_35 : memref<80xi32, #tpu.memory_space<hbm>>) dst(%arg6 : memref<80xi32, #tpu.memory_space<vmem>>)
      %dma_wait3A_36 = arith.constant 0 : i32
      %dma_wait3A_37 = tpu.memref_slice %arg2[%add3A_34, %dma_wait3A_36] : memref<163840x128xf32, #tpu.memory_space<hbm>> -> memref<80x128xf32, #tpu.memory_space<hbm>>
      %dma_wait3A_38 = arith.constant 0 : i32
      %dma_wait3A_39 = tpu.memref_slice %arg2[%add3A_34, %dma_wait3A_38] : memref<163840x128xf32, #tpu.memory_space<hbm>> -> memref<80x128xf32, #tpu.memory_space<hbm>>
      tpu.wait_dma2 semaphore(%arg11 : memref<!tpu.dma_semaphore, #tpu.memory_space<semaphore_mem>>) src(%dma_wait3A_39 : memref<80x128xf32, #tpu.memory_space<hbm>>) dst(%arg8 : memref<80x128xf32, #tpu.memory_space<vmem>>)
      "tpu.region"() ({
        %run_scoped3A = tpu.sem_alloc : memref<!tpu.dma_semaphore, #tpu.memory_space<semaphore_mem>>
        %dma_start3A_55 = arith.constant 0 : i32
        %dma_start3A_56 = arith.constant 0 : i32
        %dma_start3A_57 = tpu.memref_slice %arg14[%dma_start3A_55, %dma_start3A_56] : memref<10240x128xf32, #tpu.memory_space<vmem_shared>> -> memref<10240x128xf32, #tpu.memory_space<vmem_shared>>
        tpu.enqueue_indirect_dma source(%arg8 : memref<80x128xf32, #tpu.memory_space<vmem>>) target(%dma_start3A_57 : memref<10240x128xf32, #tpu.memory_space<vmem_shared>>) offsets(%arg6 : memref<80xi32, #tpu.memory_space<vmem>>) semaphore(%run_scoped3A : memref<!tpu.dma_semaphore, #tpu.memory_space<semaphore_mem>>) {add = true}
        %dma_wait3A_58 = arith.constant 0 : i32
        %dma_wait3A_59 = arith.constant 0 : i32
        %dma_wait3A_60 = tpu.memref_slice %arg14[%dma_wait3A_58, %dma_wait3A_59] : memref<10240x128xf32, #tpu.memory_space<vmem_shared>> -> memref<10240x128xf32, #tpu.memory_space<vmem_shared>>
        tpu.wait_indirect_dma semaphore(%run_scoped3A : memref<!tpu.dma_semaphore, #tpu.memory_space<semaphore_mem>>) src(%arg8 : memref<80x128xf32, #tpu.memory_space<vmem>>) dst(%dma_wait3A_60 : memref<10240x128xf32, #tpu.memory_space<vmem_shared>>)
        tpu.yield
      }) : () -> ()
      %add3A_40 = arith.constant 2 : i32
      %add3A_41 = arith.addi %mul3A_20, %add3A_40 : i32
      %lt3A = arith.constant 64 : i32
      %lt3A_42 = arith.cmpi slt, %add3A_41, %lt3A : i32
      %convert_element_type3A = arith.extui %lt3A_42 : i1 to i32
      %cond3A = arith.constant 0 : i32
      %cond3A_43 = arith.cmpi ne, %convert_element_type3A, %cond3A : i32
      scf.if %cond3A_43 {
        %add3A_55 = arith.constant 2 : i32
        %add3A_56 = arith.addi %mul3A_20, %add3A_55 : i32
        %mul3A_57 = arith.constant 80 : i32
        %mul3A_58 = arith.muli %add3A_56, %mul3A_57 : i32
        %add3A_59 = arith.addi %mul3A_4, %mul3A_58 : i32
        %dma_start3A_60 = tpu.memref_slice %arg3[%add3A_59] : memref<163840xi32, #tpu.memory_space<hbm>> -> memref<80xi32, #tpu.memory_space<hbm>>
        %dma_start3A_61 = tpu.memref_slice %arg3[%add3A_59] : memref<163840xi32, #tpu.memory_space<hbm>> -> memref<80xi32, #tpu.memory_space<hbm>>
        tpu.enqueue_dma source(%dma_start3A_61 : memref<80xi32, #tpu.memory_space<hbm>>) target(%arg6 : memref<80xi32, #tpu.memory_space<vmem>>) target_semaphore(%arg10 : memref<!tpu.dma_semaphore, #tpu.memory_space<semaphore_mem>>)
        %dma_start3A_62 = arith.constant 0 : i32
        %dma_start3A_63 = tpu.memref_slice %arg2[%add3A_59, %dma_start3A_62] : memref<163840x128xf32, #tpu.memory_space<hbm>> -> memref<80x128xf32, #tpu.memory_space<hbm>>
        %dma_start3A_64 = arith.constant 0 : i32
        %dma_start3A_65 = tpu.memref_slice %arg2[%add3A_59, %dma_start3A_64] : memref<163840x128xf32, #tpu.memory_space<hbm>> -> memref<80x128xf32, #tpu.memory_space<hbm>>
        tpu.enqueue_dma source(%dma_start3A_65 : memref<80x128xf32, #tpu.memory_space<hbm>>) target(%arg8 : memref<80x128xf32, #tpu.memory_space<vmem>>) target_semaphore(%arg11 : memref<!tpu.dma_semaphore, #tpu.memory_space<semaphore_mem>>)
      } else {
      }
      %add3A_44 = arith.constant 1 : i32
      %add3A_45 = arith.addi %mul3A_20, %add3A_44 : i32
      %mul3A_46 = arith.constant 80 : i32
      %mul3A_47 = arith.muli %add3A_45, %mul3A_46 : i32
      %add3A_48 = arith.addi %mul3A_4, %mul3A_47 : i32
      %dma_wait3A_49 = tpu.memref_slice %arg3[%add3A_48] : memref<163840xi32, #tpu.memory_space<hbm>> -> memref<80xi32, #tpu.memory_space<hbm>>
      %dma_wait3A_50 = tpu.memref_slice %arg3[%add3A_48] : memref<163840xi32, #tpu.memory_space<hbm>> -> memref<80xi32, #tpu.memory_space<hbm>>
      tpu.wait_dma2 semaphore(%arg12 : memref<!tpu.dma_semaphore, #tpu.memory_space<semaphore_mem>>) src(%dma_wait3A_50 : memref<80xi32, #tpu.memory_space<hbm>>) dst(%arg7 : memref<80xi32, #tpu.memory_space<vmem>>)
      %dma_wait3A_51 = arith.constant 0 : i32
      %dma_wait3A_52 = tpu.memref_slice %arg2[%add3A_48, %dma_wait3A_51] : memref<163840x128xf32, #tpu.memory_space<hbm>> -> memref<80x128xf32, #tpu.memory_space<hbm>>
      %dma_wait3A_53 = arith.constant 0 : i32
      %dma_wait3A_54 = tpu.memref_slice %arg2[%add3A_48, %dma_wait3A_53] : memref<163840x128xf32, #tpu.memory_space<hbm>> -> memref<80x128xf32, #tpu.memory_space<hbm>>
      tpu.wait_dma2 semaphore(%arg13 : memref<!tpu.dma_semaphore, #tpu.memory_space<semaphore_mem>>) src(%dma_wait3A_54 : memref<80x128xf32, #tpu.memory_space<hbm>>) dst(%arg9 : memref<80x128xf32, #tpu.memory_space<vmem>>)
      "tpu.region"() ({
        %run_scoped3A = tpu.sem_alloc : memref<!tpu.dma_semaphore, #tpu.memory_space<semaphore_mem>>
        %dma_start3A_55 = arith.constant 0 : i32
        %dma_start3A_56 = arith.constant 0 : i32
        %dma_start3A_57 = tpu.memref_slice %arg14[%dma_start3A_55, %dma_start3A_56] : memref<10240x128xf32, #tpu.memory_space<vmem_shared>> -> memref<10240x128xf32, #tpu.memory_space<vmem_shared>>
        tpu.enqueue_indirect_dma source(%arg9 : memref<80x128xf32, #tpu.memory_space<vmem>>) target(%dma_start3A_57 : memref<10240x128xf32, #tpu.memory_space<vmem_shared>>) offsets(%arg7 : memref<80xi32, #tpu.memory_space<vmem>>) semaphore(%run_scoped3A : memref<!tpu.dma_semaphore, #tpu.memory_space<semaphore_mem>>) {add = true}
        %dma_wait3A_58 = arith.constant 0 : i32
        %dma_wait3A_59 = arith.constant 0 : i32
        %dma_wait3A_60 = tpu.memref_slice %arg14[%dma_wait3A_58, %dma_wait3A_59] : memref<10240x128xf32, #tpu.memory_space<vmem_shared>> -> memref<10240x128xf32, #tpu.memory_space<vmem_shared>>
        tpu.wait_indirect_dma semaphore(%run_scoped3A : memref<!tpu.dma_semaphore, #tpu.memory_space<semaphore_mem>>) src(%arg9 : memref<80x128xf32, #tpu.memory_space<vmem>>) dst(%dma_wait3A_60 : memref<10240x128xf32, #tpu.memory_space<vmem_shared>>)
        tpu.yield
      }) : () -> ()
    }
    %scan3A_16 = arith.constant 32 : i32
    %barrier3A_17 = arith.constant 0 : index
    tpu.barrier barrier_id(%barrier3A_17)
    "tpu.region"() ({
      %run_scoped3A = tpu.sem_alloc : memref<!tpu.dma_semaphore, #tpu.memory_space<semaphore_mem>>
      %dma_start3A_18 = arith.constant 0 : i32
      %dma_start3A_19 = tpu.memref_slice %arg5[%arg0, %mul3A_2, %dma_start3A_18] : memref<2x10240x128xf32, #tpu.memory_space<hbm>> -> memref<1x640x128xf32, #tpu.memory_space<hbm>>
      %dma_start3A_20 = tpu.memref_squeeze %dma_start3A_19 : memref<1x640x128xf32, #tpu.memory_space<hbm>> -> memref<640x128xf32, #tpu.memory_space<hbm>>
      %dma_start3A_21 = arith.constant 0 : i32
      %dma_start3A_22 = tpu.memref_slice %arg14[%mul3A_2, %dma_start3A_21] : memref<10240x128xf32, #tpu.memory_space<vmem_shared>> -> memref<640x128xf32, #tpu.memory_space<vmem_shared>>
      tpu.enqueue_dma source(%dma_start3A_22 : memref<640x128xf32, #tpu.memory_space<vmem_shared>>) target(%dma_start3A_20 : memref<640x128xf32, #tpu.memory_space<hbm>>) target_semaphore(%run_scoped3A : memref<!tpu.dma_semaphore, #tpu.memory_space<semaphore_mem>>)
      %dma_wait3A = arith.constant 0 : i32
      %dma_wait3A_23 = tpu.memref_slice %arg5[%arg0, %mul3A_2, %dma_wait3A] : memref<2x10240x128xf32, #tpu.memory_space<hbm>> -> memref<1x640x128xf32, #tpu.memory_space<hbm>>
      %dma_wait3A_24 = tpu.memref_squeeze %dma_wait3A_23 : memref<1x640x128xf32, #tpu.memory_space<hbm>> -> memref<640x128xf32, #tpu.memory_space<hbm>>
      %dma_wait3A_25 = arith.constant 0 : i32
      %dma_wait3A_26 = tpu.memref_slice %arg14[%mul3A_2, %dma_wait3A_25] : memref<10240x128xf32, #tpu.memory_space<vmem_shared>> -> memref<640x128xf32, #tpu.memory_space<vmem_shared>>
      tpu.wait_dma2 semaphore(%run_scoped3A : memref<!tpu.dma_semaphore, #tpu.memory_space<semaphore_mem>>) src(%dma_wait3A_26 : memref<640x128xf32, #tpu.memory_space<vmem_shared>>) dst(%dma_wait3A_24 : memref<640x128xf32, #tpu.memory_space<hbm>>)
      tpu.yield
    }) : () -> ()
    return
  }
}

module attributes {stable_mosaic.version = 14 : i64} {
  func.func @_pq_body(%arg0: i32, %arg1: memref<2000x128xf32, #tpu.memory_space<vmem>>, %arg2: memref<128x128xf32, #tpu.memory_space<vmem>>, %arg3: memref<128x128xf32, #tpu.memory_space<vmem>>, %arg4: memref<2000x128xf32, #tpu.memory_space<vmem>>, %arg5: memref<2000x128xf32, #tpu.memory_space<vmem>>) attributes {dimension_semantics = [#tpu.dimension_semantics<arbitrary>], iteration_bounds = array<i64: 5>, scalar_prefetch = 0 : i64, scratch_operands = 0 : i64, tpu.core_type = #tpu.core_type<tc>, window_params = [{transform_indices = @transform_0, window_bounds = array<i64: 2000, 128>}, {pipeline_mode = #tpu.pipeline_mode<synchronous>, transform_indices = @transform_1, window_bounds = array<i64: 128, 128>}, {pipeline_mode = #tpu.pipeline_mode<synchronous>, transform_indices = @transform_2, window_bounds = array<i64: 128, 128>}, {transform_indices = @transform_3, window_bounds = array<i64: 2000, 128>}, {transform_indices = @transform_4, window_bounds = array<i64: 2000, 128>}]} {
    %get3A = arith.constant 0 : index
    %get3A_0 = arith.constant 0 : index
    %get3A_1 = vector.load %arg1[%get3A, %get3A_0] : memref<2000x128xf32, #tpu.memory_space<vmem>>, vector<2000x128xf32>
    %get3A_2 = arith.constant 0 : index
    %get3A_3 = arith.constant 0 : index
    %get3A_4 = vector.load %arg2[%get3A_2, %get3A_3] : memref<128x128xf32, #tpu.memory_space<vmem>>, vector<128x128xf32>
    %dot_general3A = arith.constant dense<0.000000e+00> : vector<2000x128xf32>
    %dot_general3A_5 = tpu.matmul %get3A_1, %get3A_4, %dot_general3A {dimension_numbers = #tpu.dot_dimension_numbers<[1], [0], [0], [1], [0, 0, 1, 1], [], []>, transpose_lhs_hint = false} : vector<2000x128xf32>, vector<128x128xf32>, vector<2000x128xf32> -> vector<2000x128xf32>
    %swap3A = arith.constant 0 : index
    %swap3A_6 = arith.constant 0 : index
    %swap3A_7 = vector.load %arg4[%swap3A, %swap3A_6] : memref<2000x128xf32, #tpu.memory_space<vmem>>, vector<2000x128xf32>
    tpu.vector_store %arg4[%swap3A, %swap3A_6], %dot_general3A_5 {strides = array<i32>} : memref<2000x128xf32, #tpu.memory_space<vmem>>, vector<2000x128xf32>,
    %get3A_8 = arith.constant 0 : index
    %get3A_9 = arith.constant 0 : index
    %get3A_10 = vector.load %arg3[%get3A_8, %get3A_9] : memref<128x128xf32, #tpu.memory_space<vmem>>, vector<128x128xf32>
    %dot_general3A_11 = arith.constant dense<0.000000e+00> : vector<2000x128xf32>
    %dot_general3A_12 = tpu.matmul %get3A_1, %get3A_10, %dot_general3A_11 {dimension_numbers = #tpu.dot_dimension_numbers<[1], [0], [0], [1], [0, 0, 1, 1], [], []>, transpose_lhs_hint = false} : vector<2000x128xf32>, vector<128x128xf32>, vector<2000x128xf32> -> vector<2000x128xf32>
    %swap3A_13 = arith.constant 0 : index
    %swap3A_14 = arith.constant 0 : index
    %swap3A_15 = vector.load %arg5[%swap3A_13, %swap3A_14] : memref<2000x128xf32, #tpu.memory_space<vmem>>, vector<2000x128xf32>
    tpu.vector_store %arg5[%swap3A_13, %swap3A_14], %dot_general3A_12 {strides = array<i32>} : memref<2000x128xf32, #tpu.memory_space<vmem>>, vector<2000x128xf32>,
    return
  }
  func.func @transform_0(%arg0: i32) -> (i32, i32) {
    %c0_i32 = arith.constant 0 : i32
    %c0_i32_0 = arith.constant 0 : i32
    return %arg0, %c0_i32 : i32, i32
  }
  func.func @transform_1(%arg0: i32) -> (i32, i32) {
    %c0_i32 = arith.constant 0 : i32
    %c0_i32_0 = arith.constant 0 : i32
    %c0_i32_1 = arith.constant 0 : i32
    return %c0_i32, %c0_i32_0 : i32, i32
  }
  func.func @transform_2(%arg0: i32) -> (i32, i32) {
    %c0_i32 = arith.constant 0 : i32
    %c0_i32_0 = arith.constant 0 : i32
    %c0_i32_1 = arith.constant 0 : i32
    return %c0_i32, %c0_i32_0 : i32, i32
  }
  func.func @transform_3(%arg0: i32) -> (i32, i32) {
    %c0_i32 = arith.constant 0 : i32
    %c0_i32_0 = arith.constant 0 : i32
    return %arg0, %c0_i32 : i32, i32
  }
  func.func @transform_4(%arg0: i32) -> (i32, i32) {
    %c0_i32 = arith.constant 0 : i32
    %c0_i32_0 = arith.constant 0 : i32
    return %arg0, %c0_i32 : i32, i32
  }
}

module attributes {stable_mosaic.version = 14 : i64} {
  func.func @_edge_body(%arg0: i32, %arg1: memref<2560x128xf32, #tpu.memory_space<vmem>>, %arg2: memref<2560x128xf32, #tpu.memory_space<vmem>>, %arg3: memref<2560x16xf32, #tpu.memory_space<vmem>>, %arg4: memref<16x128xf32, #tpu.memory_space<vmem>>, %arg5: memref<1x128xf32, #tpu.memory_space<vmem>>, %arg6: memref<128x16xf32, #tpu.memory_space<vmem>>, %arg7: memref<1x16xf32, #tpu.memory_space<vmem>>, %arg8: memref<16x128xf32, #tpu.memory_space<vmem>>, %arg9: memref<2560x16xf32, #tpu.memory_space<vmem>>, %arg10: memref<2560x128xf32, #tpu.memory_space<vmem>>) attributes {dimension_semantics = [#tpu.dimension_semantics<arbitrary>], iteration_bounds = array<i64: 64>, scalar_prefetch = 0 : i64, scratch_operands = 0 : i64, tpu.core_type = #tpu.core_type<tc>, window_params = [{transform_indices = @transform_0, window_bounds = array<i64: 2560, 128>}, {transform_indices = @transform_1, window_bounds = array<i64: 2560, 128>}, {transform_indices = @transform_2, window_bounds = array<i64: 2560, 16>}, {pipeline_mode = #tpu.pipeline_mode<synchronous>, transform_indices = @transform_3, window_bounds = array<i64: 16, 128>}, {pipeline_mode = #tpu.pipeline_mode<synchronous>, transform_indices = @transform_4, window_bounds = array<i64: 1, 128>}, {pipeline_mode = #tpu.pipeline_mode<synchronous>, transform_indices = @transform_5, window_bounds = array<i64: 128, 16>}, {pipeline_mode = #tpu.pipeline_mode<synchronous>, transform_indices = @transform_6, window_bounds = array<i64: 1, 16>}, {pipeline_mode = #tpu.pipeline_mode<synchronous>, transform_indices = @transform_7, window_bounds = array<i64: 16, 128>}, {transform_indices = @transform_8, window_bounds = array<i64: 2560, 16>}, {transform_indices = @transform_9, window_bounds = array<i64: 2560, 128>}]} {
    %get3A = arith.constant 0 : index
    %get3A_0 = arith.constant 0 : index
    %get3A_1 = vector.load %arg3[%get3A, %get3A_0] : memref<2560x16xf32, #tpu.memory_space<vmem>>, vector<2560x16xf32>
    %get3A_2 = arith.constant 0 : index
    %get3A_3 = arith.constant 0 : index
    %get3A_4 = vector.load %arg4[%get3A_2, %get3A_3] : memref<16x128xf32, #tpu.memory_space<vmem>>, vector<16x128xf32>
    %dot_general3A = arith.constant dense<0.000000e+00> : vector<2560x128xf32>
    %dot_general3A_5 = tpu.matmul %get3A_1, %get3A_4, %dot_general3A {dimension_numbers = #tpu.dot_dimension_numbers<[1], [0], [0], [1], [0, 0, 1, 1], [], []>, transpose_lhs_hint = false} : vector<2560x16xf32>, vector<16x128xf32>, vector<2560x128xf32> -> vector<2560x128xf32>
    %get3A_6 = arith.constant 0 : index
    %get3A_7 = arith.constant 0 : index
    %get3A_8 = vector.load %arg1[%get3A_6, %get3A_7] : memref<2560x128xf32, #tpu.memory_space<vmem>>, vector<2560x128xf32>
    %get3A_9 = arith.constant 0 : index
    %get3A_10 = arith.constant 0 : index
    %get3A_11 = vector.load %arg2[%get3A_9, %get3A_10] : memref<2560x128xf32, #tpu.memory_space<vmem>>, vector<2560x128xf32>
    %add3A = arith.addf %get3A_8, %get3A_11 : vector<2560x128xf32>
    %add3A_12 = arith.addf %add3A, %dot_general3A_5 : vector<2560x128xf32>
    %get3A_13 = arith.constant 0 : index
    %get3A_14 = arith.constant 0 : index
    %get3A_15 = vector.load %arg5[%get3A_13, %get3A_14] : memref<1x128xf32, #tpu.memory_space<vmem>>, vector<1x128xf32>
    %add3A_16 = vector.broadcast %get3A_15 : vector<1x128xf32> to vector<2560x128xf32>
    %add3A_17 = arith.addf %add3A_12, %add3A_16 : vector<2560x128xf32>
    %max3A = arith.constant 0.000000e+00 : f32
    %max3A_18 = vector.broadcast %max3A : f32 to vector<2560x128xf32>
    %max3A_19 = arith.maximumf %add3A_17, %max3A_18 : vector<2560x128xf32>
    %get3A_20 = arith.constant 0 : index
    %get3A_21 = arith.constant 0 : index
    %get3A_22 = vector.load %arg6[%get3A_20, %get3A_21] : memref<128x16xf32, #tpu.memory_space<vmem>>, vector<128x16xf32>
    %dot_general3A_23 = arith.constant dense<0.000000e+00> : vector<2560x16xf32>
    %dot_general3A_24 = tpu.matmul %max3A_19, %get3A_22, %dot_general3A_23 {dimension_numbers = #tpu.dot_dimension_numbers<[1], [0], [0], [1], [0, 0, 1, 1], [], []>, transpose_lhs_hint = false} : vector<2560x128xf32>, vector<128x16xf32>, vector<2560x16xf32> -> vector<2560x16xf32>
    %get3A_25 = arith.constant 0 : index
    %get3A_26 = arith.constant 0 : index
    %get3A_27 = vector.load %arg7[%get3A_25, %get3A_26] : memref<1x16xf32, #tpu.memory_space<vmem>>, vector<1x16xf32>
    %add3A_28 = vector.broadcast %get3A_27 : vector<1x16xf32> to vector<2560x16xf32>
    %add3A_29 = arith.addf %dot_general3A_24, %add3A_28 : vector<2560x16xf32>
    %swap3A = arith.constant 0 : index
    %swap3A_30 = arith.constant 0 : index
    %swap3A_31 = vector.load %arg9[%swap3A, %swap3A_30] : memref<2560x16xf32, #tpu.memory_space<vmem>>, vector<2560x16xf32>
    tpu.vector_store %arg9[%swap3A, %swap3A_30], %add3A_29 {strides = array<i32>} : memref<2560x16xf32, #tpu.memory_space<vmem>>, vector<2560x16xf32>,
    %get3A_32 = arith.constant 0 : index
    %get3A_33 = arith.constant 0 : index
    %get3A_34 = vector.load %arg8[%get3A_32, %get3A_33] : memref<16x128xf32, #tpu.memory_space<vmem>>, vector<16x128xf32>
    %dot_general3A_35 = arith.constant dense<0.000000e+00> : vector<2560x128xf32>
    %dot_general3A_36 = tpu.matmul %add3A_29, %get3A_34, %dot_general3A_35 {dimension_numbers = #tpu.dot_dimension_numbers<[1], [0], [0], [1], [0, 0, 1, 1], [], []>, transpose_lhs_hint = false} : vector<2560x16xf32>, vector<16x128xf32>, vector<2560x128xf32> -> vector<2560x128xf32>
    %swap3A_37 = arith.constant 0 : index
    %swap3A_38 = arith.constant 0 : index
    %swap3A_39 = vector.load %arg10[%swap3A_37, %swap3A_38] : memref<2560x128xf32, #tpu.memory_space<vmem>>, vector<2560x128xf32>
    tpu.vector_store %arg10[%swap3A_37, %swap3A_38], %dot_general3A_36 {strides = array<i32>} : memref<2560x128xf32, #tpu.memory_space<vmem>>, vector<2560x128xf32>,
    return
  }
  func.func @transform_0(%arg0: i32) -> (i32, i32) {
    %c0_i32 = arith.constant 0 : i32
    %c0_i32_0 = arith.constant 0 : i32
    return %arg0, %c0_i32 : i32, i32
  }
  func.func @transform_1(%arg0: i32) -> (i32, i32) {
    %c0_i32 = arith.constant 0 : i32
    %c0_i32_0 = arith.constant 0 : i32
    return %arg0, %c0_i32 : i32, i32
  }
  func.func @transform_2(%arg0: i32) -> (i32, i32) {
    %c0_i32 = arith.constant 0 : i32
    %c0_i32_0 = arith.constant 0 : i32
    return %arg0, %c0_i32 : i32, i32
  }
  func.func @transform_3(%arg0: i32) -> (i32, i32) {
    %c0_i32 = arith.constant 0 : i32
    %c0_i32_0 = arith.constant 0 : i32
    %c0_i32_1 = arith.constant 0 : i32
    return %c0_i32, %c0_i32_0 : i32, i32
  }
  func.func @transform_4(%arg0: i32) -> (i32, i32) {
    %c0_i32 = arith.constant 0 : i32
    %c0_i32_0 = arith.constant 0 : i32
    %c0_i32_1 = arith.constant 0 : i32
    return %c0_i32, %c0_i32_0 : i32, i32
  }
  func.func @transform_5(%arg0: i32) -> (i32, i32) {
    %c0_i32 = arith.constant 0 : i32
    %c0_i32_0 = arith.constant 0 : i32
    %c0_i32_1 = arith.constant 0 : i32
    return %c0_i32, %c0_i32_0 : i32, i32
  }
  func.func @transform_6(%arg0: i32) -> (i32, i32) {
    %c0_i32 = arith.constant 0 : i32
    %c0_i32_0 = arith.constant 0 : i32
    %c0_i32_1 = arith.constant 0 : i32
    return %c0_i32, %c0_i32_0 : i32, i32
  }
  func.func @transform_7(%arg0: i32) -> (i32, i32) {
    %c0_i32 = arith.constant 0 : i32
    %c0_i32_0 = arith.constant 0 : i32
    %c0_i32_1 = arith.constant 0 : i32
    return %c0_i32, %c0_i32_0 : i32, i32
  }
  func.func @transform_8(%arg0: i32) -> (i32, i32) {
    %c0_i32 = arith.constant 0 : i32
    %c0_i32_0 = arith.constant 0 : i32
    return %arg0, %c0_i32 : i32, i32
  }
  func.func @transform_9(%arg0: i32) -> (i32, i32) {
    %c0_i32 = arith.constant 0 : i32
    %c0_i32_0 = arith.constant 0 : i32
    return %arg0, %c0_i32 : i32, i32
  }
}

module attributes {stable_mosaic.version = 14 : i64} {
  func.func @_edge_body(%arg0: i32, %arg1: memref<2560x128xf32, #tpu.memory_space<vmem>>, %arg2: memref<2560x128xf32, #tpu.memory_space<vmem>>, %arg3: memref<2560x16xf32, #tpu.memory_space<vmem>>, %arg4: memref<16x128xf32, #tpu.memory_space<vmem>>, %arg5: memref<1x128xf32, #tpu.memory_space<vmem>>, %arg6: memref<128x16xf32, #tpu.memory_space<vmem>>, %arg7: memref<1x16xf32, #tpu.memory_space<vmem>>, %arg8: memref<16x128xf32, #tpu.memory_space<vmem>>, %arg9: memref<2560x16xf32, #tpu.memory_space<vmem>>, %arg10: memref<2560x128xf32, #tpu.memory_space<vmem>>) attributes {dimension_semantics = [#tpu.dimension_semantics<arbitrary>], iteration_bounds = array<i64: 61>, scalar_prefetch = 0 : i64, scratch_operands = 0 : i64, tpu.core_type = #tpu.core_type<tc>, window_params = [{transform_indices = @transform_0, window_bounds = array<i64: 2560, 128>}, {transform_indices = @transform_1, window_bounds = array<i64: 2560, 128>}, {transform_indices = @transform_2, window_bounds = array<i64: 2560, 16>}, {pipeline_mode = #tpu.pipeline_mode<synchronous>, transform_indices = @transform_3, window_bounds = array<i64: 16, 128>}, {pipeline_mode = #tpu.pipeline_mode<synchronous>, transform_indices = @transform_4, window_bounds = array<i64: 1, 128>}, {pipeline_mode = #tpu.pipeline_mode<synchronous>, transform_indices = @transform_5, window_bounds = array<i64: 128, 16>}, {pipeline_mode = #tpu.pipeline_mode<synchronous>, transform_indices = @transform_6, window_bounds = array<i64: 1, 16>}, {pipeline_mode = #tpu.pipeline_mode<synchronous>, transform_indices = @transform_7, window_bounds = array<i64: 16, 128>}, {transform_indices = @transform_8, window_bounds = array<i64: 2560, 16>}, {transform_indices = @transform_9, window_bounds = array<i64: 2560, 128>}]} {
    %get3A = arith.constant 0 : index
    %get3A_0 = arith.constant 0 : index
    %get3A_1 = vector.load %arg3[%get3A, %get3A_0] : memref<2560x16xf32, #tpu.memory_space<vmem>>, vector<2560x16xf32>
    %get3A_2 = arith.constant 0 : index
    %get3A_3 = arith.constant 0 : index
    %get3A_4 = vector.load %arg4[%get3A_2, %get3A_3] : memref<16x128xf32, #tpu.memory_space<vmem>>, vector<16x128xf32>
    %dot_general3A = arith.constant dense<0.000000e+00> : vector<2560x128xf32>
    %dot_general3A_5 = tpu.matmul %get3A_1, %get3A_4, %dot_general3A {dimension_numbers = #tpu.dot_dimension_numbers<[1], [0], [0], [1], [0, 0, 1, 1], [], []>, transpose_lhs_hint = false} : vector<2560x16xf32>, vector<16x128xf32>, vector<2560x128xf32> -> vector<2560x128xf32>
    %get3A_6 = arith.constant 0 : index
    %get3A_7 = arith.constant 0 : index
    %get3A_8 = vector.load %arg1[%get3A_6, %get3A_7] : memref<2560x128xf32, #tpu.memory_space<vmem>>, vector<2560x128xf32>
    %get3A_9 = arith.constant 0 : index
    %get3A_10 = arith.constant 0 : index
    %get3A_11 = vector.load %arg2[%get3A_9, %get3A_10] : memref<2560x128xf32, #tpu.memory_space<vmem>>, vector<2560x128xf32>
    %add3A = arith.addf %get3A_8, %get3A_11 : vector<2560x128xf32>
    %add3A_12 = arith.addf %add3A, %dot_general3A_5 : vector<2560x128xf32>
    %get3A_13 = arith.constant 0 : index
    %get3A_14 = arith.constant 0 : index
    %get3A_15 = vector.load %arg5[%get3A_13, %get3A_14] : memref<1x128xf32, #tpu.memory_space<vmem>>, vector<1x128xf32>
    %add3A_16 = vector.broadcast %get3A_15 : vector<1x128xf32> to vector<2560x128xf32>
    %add3A_17 = arith.addf %add3A_12, %add3A_16 : vector<2560x128xf32>
    %max3A = arith.constant 0.000000e+00 : f32
    %max3A_18 = vector.broadcast %max3A : f32 to vector<2560x128xf32>
    %max3A_19 = arith.maximumf %add3A_17, %max3A_18 : vector<2560x128xf32>
    %get3A_20 = arith.constant 0 : index
    %get3A_21 = arith.constant 0 : index
    %get3A_22 = vector.load %arg6[%get3A_20, %get3A_21] : memref<128x16xf32, #tpu.memory_space<vmem>>, vector<128x16xf32>
    %dot_general3A_23 = arith.constant dense<0.000000e+00> : vector<2560x16xf32>
    %dot_general3A_24 = tpu.matmul %max3A_19, %get3A_22, %dot_general3A_23 {dimension_numbers = #tpu.dot_dimension_numbers<[1], [0], [0], [1], [0, 0, 1, 1], [], []>, transpose_lhs_hint = false} : vector<2560x128xf32>, vector<128x16xf32>, vector<2560x16xf32> -> vector<2560x16xf32>
    %get3A_25 = arith.constant 0 : index
    %get3A_26 = arith.constant 0 : index
    %get3A_27 = vector.load %arg7[%get3A_25, %get3A_26] : memref<1x16xf32, #tpu.memory_space<vmem>>, vector<1x16xf32>
    %add3A_28 = vector.broadcast %get3A_27 : vector<1x16xf32> to vector<2560x16xf32>
    %add3A_29 = arith.addf %dot_general3A_24, %add3A_28 : vector<2560x16xf32>
    %swap3A = arith.constant 0 : index
    %swap3A_30 = arith.constant 0 : index
    %swap3A_31 = vector.load %arg9[%swap3A, %swap3A_30] : memref<2560x16xf32, #tpu.memory_space<vmem>>, vector<2560x16xf32>
    tpu.vector_store %arg9[%swap3A, %swap3A_30], %add3A_29 {strides = array<i32>} : memref<2560x16xf32, #tpu.memory_space<vmem>>, vector<2560x16xf32>,
    %get3A_32 = arith.constant 0 : index
    %get3A_33 = arith.constant 0 : index
    %get3A_34 = vector.load %arg8[%get3A_32, %get3A_33] : memref<16x128xf32, #tpu.memory_space<vmem>>, vector<16x128xf32>
    %dot_general3A_35 = arith.constant dense<0.000000e+00> : vector<2560x128xf32>
    %dot_general3A_36 = tpu.matmul %add3A_29, %get3A_34, %dot_general3A_35 {dimension_numbers = #tpu.dot_dimension_numbers<[1], [0], [0], [1], [0, 0, 1, 1], [], []>, transpose_lhs_hint = false} : vector<2560x16xf32>, vector<16x128xf32>, vector<2560x128xf32> -> vector<2560x128xf32>
    %swap3A_37 = arith.constant 0 : index
    %swap3A_38 = arith.constant 0 : index
    %swap3A_39 = vector.load %arg10[%swap3A_37, %swap3A_38] : memref<2560x128xf32, #tpu.memory_space<vmem>>, vector<2560x128xf32>
    tpu.vector_store %arg10[%swap3A_37, %swap3A_38], %dot_general3A_36 {strides = array<i32>} : memref<2560x128xf32, #tpu.memory_space<vmem>>, vector<2560x128xf32>,
    return
  }
  func.func @transform_0(%arg0: i32) -> (i32, i32) {
    %c0_i32 = arith.constant 0 : i32
    %c0_i32_0 = arith.constant 0 : i32
    return %arg0, %c0_i32 : i32, i32
  }
  func.func @transform_1(%arg0: i32) -> (i32, i32) {
    %c0_i32 = arith.constant 0 : i32
    %c0_i32_0 = arith.constant 0 : i32
    return %arg0, %c0_i32 : i32, i32
  }
  func.func @transform_2(%arg0: i32) -> (i32, i32) {
    %c0_i32 = arith.constant 0 : i32
    %c0_i32_0 = arith.constant 0 : i32
    return %arg0, %c0_i32 : i32, i32
  }
  func.func @transform_3(%arg0: i32) -> (i32, i32) {
    %c0_i32 = arith.constant 0 : i32
    %c0_i32_0 = arith.constant 0 : i32
    %c0_i32_1 = arith.constant 0 : i32
    return %c0_i32, %c0_i32_0 : i32, i32
  }
  func.func @transform_4(%arg0: i32) -> (i32, i32) {
    %c0_i32 = arith.constant 0 : i32
    %c0_i32_0 = arith.constant 0 : i32
    %c0_i32_1 = arith.constant 0 : i32
    return %c0_i32, %c0_i32_0 : i32, i32
  }
  func.func @transform_5(%arg0: i32) -> (i32, i32) {
    %c0_i32 = arith.constant 0 : i32
    %c0_i32_0 = arith.constant 0 : i32
    %c0_i32_1 = arith.constant 0 : i32
    return %c0_i32, %c0_i32_0 : i32, i32
  }
  func.func @transform_6(%arg0: i32) -> (i32, i32) {
    %c0_i32 = arith.constant 0 : i32
    %c0_i32_0 = arith.constant 0 : i32
    %c0_i32_1 = arith.constant 0 : i32
    return %c0_i32, %c0_i32_0 : i32, i32
  }
  func.func @transform_7(%arg0: i32) -> (i32, i32) {
    %c0_i32 = arith.constant 0 : i32
    %c0_i32_0 = arith.constant 0 : i32
    %c0_i32_1 = arith.constant 0 : i32
    return %c0_i32, %c0_i32_0 : i32, i32
  }
  func.func @transform_8(%arg0: i32) -> (i32, i32) {
    %c0_i32 = arith.constant 0 : i32
    %c0_i32_0 = arith.constant 0 : i32
    return %arg0, %c0_i32 : i32, i32
  }
  func.func @transform_9(%arg0: i32) -> (i32, i32) {
    %c0_i32 = arith.constant 0 : i32
    %c0_i32_0 = arith.constant 0 : i32
    return %arg0, %c0_i32 : i32, i32
  }
}

module attributes {stable_mosaic.version = 14 : i64} {
  func.func @_node_body(%arg0: i32, %arg1: memref<2000x128xf32, #tpu.memory_space<vmem>>, %arg2: memref<1x2000x128xf32, #tpu.memory_space<vmem>>, %arg3: memref<1x2000x128xf32, #tpu.memory_space<vmem>>, %arg4: memref<1x2000x128xf32, #tpu.memory_space<vmem>>, %arg5: memref<1x2000x128xf32, #tpu.memory_space<vmem>>, %arg6: memref<128x128xf32, #tpu.memory_space<vmem>>, %arg7: memref<1x128xf32, #tpu.memory_space<vmem>>, %arg8: memref<128x128xf32, #tpu.memory_space<vmem>>, %arg9: memref<1x128xf32, #tpu.memory_space<vmem>>, %arg10: memref<2000x128xf32, #tpu.memory_space<vmem>>) attributes {dimension_semantics = [#tpu.dimension_semantics<arbitrary>], iteration_bounds = array<i64: 5>, scalar_prefetch = 0 : i64, scratch_operands = 0 : i64, tpu.core_type = #tpu.core_type<tc>, window_params = [{transform_indices = @transform_0, window_bounds = array<i64: 2000, 128>}, {transform_indices = @transform_1, window_bounds = array<i64: 1, 2000, 128>}, {transform_indices = @transform_2, window_bounds = array<i64: 1, 2000, 128>}, {transform_indices = @transform_3, window_bounds = array<i64: 1, 2000, 128>}, {transform_indices = @transform_4, window_bounds = array<i64: 1, 2000, 128>}, {pipeline_mode = #tpu.pipeline_mode<synchronous>, transform_indices = @transform_5, window_bounds = array<i64: 128, 128>}, {pipeline_mode = #tpu.pipeline_mode<synchronous>, transform_indices = @transform_6, window_bounds = array<i64: 1, 128>}, {pipeline_mode = #tpu.pipeline_mode<synchronous>, transform_indices = @transform_7, window_bounds = array<i64: 128, 128>}, {pipeline_mode = #tpu.pipeline_mode<synchronous>, transform_indices = @transform_8, window_bounds = array<i64: 1, 128>}, {transform_indices = @transform_9, window_bounds = array<i64: 2000, 128>}]} {
    %get3A = arith.constant 0 : index
    %get3A_0 = arith.constant 0 : index
    %get3A_1 = arith.constant 0 : index
    %get3A_2 = vector.load %arg2[%get3A, %get3A_0, %get3A_1] : memref<1x2000x128xf32, #tpu.memory_space<vmem>>, vector<1x2000x128xf32>
    %get3A_3 = vector.shape_cast %get3A_2 : vector<1x2000x128xf32> to vector<2000x128xf32>
    %get3A_4 = arith.constant 0 : index
    %get3A_5 = arith.constant 0 : index
    %get3A_6 = arith.constant 0 : index
    %get3A_7 = vector.load %arg3[%get3A_4, %get3A_5, %get3A_6] : memref<1x2000x128xf32, #tpu.memory_space<vmem>>, vector<1x2000x128xf32>
    %get3A_8 = vector.shape_cast %get3A_7 : vector<1x2000x128xf32> to vector<2000x128xf32>
    %add3A = arith.addf %get3A_3, %get3A_8 : vector<2000x128xf32>
    %get3A_9 = arith.constant 0 : index
    %get3A_10 = arith.constant 0 : index
    %get3A_11 = arith.constant 0 : index
    %get3A_12 = vector.load %arg4[%get3A_9, %get3A_10, %get3A_11] : memref<1x2000x128xf32, #tpu.memory_space<vmem>>, vector<1x2000x128xf32>
    %get3A_13 = vector.shape_cast %get3A_12 : vector<1x2000x128xf32> to vector<2000x128xf32>
    %add3A_14 = arith.addf %add3A, %get3A_13 : vector<2000x128xf32>
    %get3A_15 = arith.constant 0 : index
    %get3A_16 = arith.constant 0 : index
    %get3A_17 = arith.constant 0 : index
    %get3A_18 = vector.load %arg5[%get3A_15, %get3A_16, %get3A_17] : memref<1x2000x128xf32, #tpu.memory_space<vmem>>, vector<1x2000x128xf32>
    %get3A_19 = vector.shape_cast %get3A_18 : vector<1x2000x128xf32> to vector<2000x128xf32>
    %add3A_20 = arith.addf %add3A_14, %get3A_19 : vector<2000x128xf32>
    %get3A_21 = arith.constant 0 : index
    %get3A_22 = arith.constant 0 : index
    %get3A_23 = vector.load %arg1[%get3A_21, %get3A_22] : memref<2000x128xf32, #tpu.memory_space<vmem>>, vector<2000x128xf32>
    %get3A_24 = arith.constant 0 : index
    %get3A_25 = arith.constant 0 : index
    %get3A_26 = vector.load %arg6[%get3A_24, %get3A_25] : memref<128x128xf32, #tpu.memory_space<vmem>>, vector<128x128xf32>
    %dot_general3A = arith.constant dense<0.000000e+00> : vector<2000x128xf32>
    %dot_general3A_27 = tpu.matmul %get3A_23, %get3A_26, %dot_general3A {dimension_numbers = #tpu.dot_dimension_numbers<[1], [0], [0], [1], [0, 0, 1, 1], [], []>, transpose_lhs_hint = false} : vector<2000x128xf32>, vector<128x128xf32>, vector<2000x128xf32> -> vector<2000x128xf32>
    %add3A_28 = arith.addf %dot_general3A_27, %add3A_20 : vector<2000x128xf32>
    %get3A_29 = arith.constant 0 : index
    %get3A_30 = arith.constant 0 : index
    %get3A_31 = vector.load %arg7[%get3A_29, %get3A_30] : memref<1x128xf32, #tpu.memory_space<vmem>>, vector<1x128xf32>
    %add3A_32 = vector.broadcast %get3A_31 : vector<1x128xf32> to vector<2000x128xf32>
    %add3A_33 = arith.addf %add3A_28, %add3A_32 : vector<2000x128xf32>
    %max3A = arith.constant 0.000000e+00 : f32
    %max3A_34 = vector.broadcast %max3A : f32 to vector<2000x128xf32>
    %max3A_35 = arith.maximumf %add3A_33, %max3A_34 : vector<2000x128xf32>
    %get3A_36 = arith.constant 0 : index
    %get3A_37 = arith.constant 0 : index
    %get3A_38 = vector.load %arg8[%get3A_36, %get3A_37] : memref<128x128xf32, #tpu.memory_space<vmem>>, vector<128x128xf32>
    %dot_general3A_39 = arith.constant dense<0.000000e+00> : vector<2000x128xf32>
    %dot_general3A_40 = tpu.matmul %max3A_35, %get3A_38, %dot_general3A_39 {dimension_numbers = #tpu.dot_dimension_numbers<[1], [0], [0], [1], [0, 0, 1, 1], [], []>, transpose_lhs_hint = false} : vector<2000x128xf32>, vector<128x128xf32>, vector<2000x128xf32> -> vector<2000x128xf32>
    %get3A_41 = arith.constant 0 : index
    %get3A_42 = arith.constant 0 : index
    %get3A_43 = vector.load %arg9[%get3A_41, %get3A_42] : memref<1x128xf32, #tpu.memory_space<vmem>>, vector<1x128xf32>
    %add3A_44 = vector.broadcast %get3A_43 : vector<1x128xf32> to vector<2000x128xf32>
    %add3A_45 = arith.addf %dot_general3A_40, %add3A_44 : vector<2000x128xf32>
    %swap3A = arith.constant 0 : index
    %swap3A_46 = arith.constant 0 : index
    %swap3A_47 = vector.load %arg10[%swap3A, %swap3A_46] : memref<2000x128xf32, #tpu.memory_space<vmem>>, vector<2000x128xf32>
    tpu.vector_store %arg10[%swap3A, %swap3A_46], %add3A_45 {strides = array<i32>} : memref<2000x128xf32, #tpu.memory_space<vmem>>, vector<2000x128xf32>,
    return
  }
  func.func @transform_0(%arg0: i32) -> (i32, i32) {
    %c0_i32 = arith.constant 0 : i32
    %c0_i32_0 = arith.constant 0 : i32
    return %arg0, %c0_i32 : i32, i32
  }
  func.func @transform_1(%arg0: i32) -> (i32, i32, i32) {
    %c0_i32 = arith.constant 0 : i32
    %c0_i32_0 = arith.constant 0 : i32
    %c0_i32_1 = arith.constant 0 : i32
    return %c0_i32, %arg0, %c0_i32_0 : i32, i32, i32
  }
  func.func @transform_2(%arg0: i32) -> (i32, i32, i32) {
    %c1_i32 = arith.constant 1 : i32
    %c0_i32 = arith.constant 0 : i32
    %c0_i32_0 = arith.constant 0 : i32
    return %c1_i32, %arg0, %c0_i32 : i32, i32, i32
  }
  func.func @transform_3(%arg0: i32) -> (i32, i32, i32) {
    %c0_i32 = arith.constant 0 : i32
    %c0_i32_0 = arith.constant 0 : i32
    %c0_i32_1 = arith.constant 0 : i32
    return %c0_i32, %arg0, %c0_i32_0 : i32, i32, i32
  }
  func.func @transform_4(%arg0: i32) -> (i32, i32, i32) {
    %c1_i32 = arith.constant 1 : i32
    %c0_i32 = arith.constant 0 : i32
    %c0_i32_0 = arith.constant 0 : i32
    return %c1_i32, %arg0, %c0_i32 : i32, i32, i32
  }
  func.func @transform_5(%arg0: i32) -> (i32, i32) {
    %c0_i32 = arith.constant 0 : i32
    %c0_i32_0 = arith.constant 0 : i32
    %c0_i32_1 = arith.constant 0 : i32
    return %c0_i32, %c0_i32_0 : i32, i32
  }
  func.func @transform_6(%arg0: i32) -> (i32, i32) {
    %c0_i32 = arith.constant 0 : i32
    %c0_i32_0 = arith.constant 0 : i32
    %c0_i32_1 = arith.constant 0 : i32
    return %c0_i32, %c0_i32_0 : i32, i32
  }
  func.func @transform_7(%arg0: i32) -> (i32, i32) {
    %c0_i32 = arith.constant 0 : i32
    %c0_i32_0 = arith.constant 0 : i32
    %c0_i32_1 = arith.constant 0 : i32
    return %c0_i32, %c0_i32_0 : i32, i32
  }
  func.func @transform_8(%arg0: i32) -> (i32, i32) {
    %c0_i32 = arith.constant 0 : i32
    %c0_i32_0 = arith.constant 0 : i32
    %c0_i32_1 = arith.constant 0 : i32
    return %c0_i32, %c0_i32_0 : i32, i32
  }
  func.func @transform_9(%arg0: i32) -> (i32, i32) {
    %c0_i32 = arith.constant 0 : i32
    %c0_i32_0 = arith.constant 0 : i32
    return %arg0, %c0_i32 : i32, i32
  }
}

</mosaic_0001>

<sc_bundles>
// kernel: kernel.10.cloned.1.call-start
scs
__scs_entry_jumppad:
0x0: {  	(pc) =	sbr.rel $0x88, $3  }
0x1: {  	(tag) =	ssettag $0x0;
	lr =	simm.s32 $0x1  }
0x2: {  	[smem:$0x3F96] =	sst lr;
	_ =	strace $0xD0000000  }
0x3: {  	_ = 	snop  }
0x4: {  	_ = 	snop  }
0x5: {  	_ = 	snop  }
0x6: {  	_ = 	snop  }
0x7: {  	_ = 	snop  }
__scs_overlays_trampoline_lowered:
0x8: {  	[smem:$0x3FA5] =	sst s0  }
0x9: {  	[smem:$0x3FA6] =	sst s1  }
0xa: {  	[smem:$0x3FA7] =	sst s2  }
0xb: {  	[smem:$0x3FA8] =	sst s3  }
0xc: {  	[smem:$0x3FA9] =	sst s4  }
0xd: {  	[smem:$0x3FAA] =	sst s5  }
0xe: {  	[smem:$0x3FAB] =	sst s6  }
0xf: {  	[smem:$0x3FAC] =	sst s7  }
0x10: {  	[smem:$0x3FAD] =	sst s8  }
0x11: {  	[smem:$0x3FAE] =	sst s9;
	s0 =	simm.s32 @!p0 $0x0  }
0x12: {  	s1 =	sld [smem:$0x3F94];
	s0 =	simm.s32 @p0 $0x1  }
0x13: {  	[smem:$0x3FAF] =	sst s0;
	s0 =	simm.s32 @!p1 $0x0  }
0x14: {  	s2 =	sld [smem:$0x3F93];
	s0 =	simm.s32 @p1 $0x1  }
0x15: {  	[smem:$0x3FB0] =	sst s0;
	s0 =	simm.s32 @!p2 $0x0  }
0x16: {  	s3 =	sld [smem:$0x3FDB];
	s0 =	simm.s32 @p2 $0x1  }
0x17: {  	s4 =	simm.s32 $0x1BF5;
	[smem:$0x3FB2] =	sst s0  }
0x18: {  	s0 =	sld [smem:$0x3F95];
	_ =	swait.ge [sflag:s4], $0x0  }
0x19: {  	s7 =	sld [smem:$0x3F96]  }
0x1a: {  	s8 =	sadd.s32 $0xFFFFE003, lr  }
0x1b: {  	s9 =	sadd.s32 $0xFFFFFEF7, lr;
	s5 =	simm.s32 $0xFFFFFFFF;
	p2 =	slt.u32 s8, $0xFFFFF086  }
0x1c: {  	p1 =	slt.u32 s9, $0xF7A;
	s5 =	simm.s32 @!p2 $0x0  }
0x1d: {  	s5 =	simm.s32 @p1 $0x1;
	p0 =	seq.s32 s7, s2  }
0x1e: {  	s7 =	smul.u32 @!p0 $0xF7A, s2;
	p2 =	seq.s32 @!p0 s5, $0x0  }
0x1f: {  	s9 =	smul.u32 $0xF7A, s1;
	s8 =	simm.s32 @!p0 $0x1BF5;
	p2 =	por !p2, p0  }
0x20: {  	[sflag:s8] =	ssyncset.s32 @!p0 $0xFFFFF086;
	s6 =	sadd.s32 @!p0 s3, s7;
	s7 =	simm.s32 @!p0 $0x108  }
0x21: {  	s3 =	sadd.s32 s3, s9;
	s6 =	sadd.s32 @!p0 $0x88, s6;
	s7 =	simm.s32 @p2 $0x1082  }
0x22: {  	[simem:s7], [sflag:s8] =	dma.local @!p0 [hbm:s6], $0xF7A  }
0x23: {  	s9 =	sor.u32 $0xD0000000, s2;
	s6 =	simm.s32 $0x108;
	_ =	swait.ge @!p0 [sflag:s8], $0x0  }
0x24: {  	s3 =	sadd.s32 $0x88, s3;
	s6 =	simm.s32 @!p1 $0x1082;
	[sflag:s4] =	ssyncset.s32 $0xFFFFF086  }
0x25: {  	[simem:s6], [sflag:s4] =	dma.local [hbm:s3], $0xF7A  }
0x26: {  	[smem:$0x3F96] =	sst s1;
	(tag) =	ssettag s2;
	_ =	strace s9  }
0x27: {  	s1 =	sld [smem:$0x3FA6]  }
0x28: {  	s2 =	sld [smem:$0x3FA7]  }
0x29: {  	s4 =	sld [smem:$0x3FA9]  }
0x2a: {  	p0 =	seq.s32 s5, $0x0;
	s5 =	sld [smem:$0x3FAA]  }
0x2b: {  	s6 =	sld [smem:$0x3FAB]  }
0x2c: {  	s7 =	sld [smem:$0x3FAC]  }
0x2d: {  	s3 =	simm.s32 $0x108;
	s8 =	sld [smem:$0x3FAD]  }
0x2e: {  	s3 =	simm.s32 @!p0 $0x1082;
	s9 =	sld [smem:$0x3FAE]  }
0x2f: {  	lr =	sadd.s32 s0, s3;
	s0 =	sld [smem:$0x3FA5]  }
0x30: {  	s3 =	sld [smem:$0x3FA8]  }
0x31: {  	[smem:$0x3FB1] =	sst s10  }
0x32: {  	s10 =	sld [smem:$0x3FAF];
	_ =	sdelay $0x3  }
0x33: {  	p0 =	seq.s32 s10, $0x1;
	s10 =	sld [smem:$0x3FB1];
	_ =	sdelay $0x3  }
0x34: {  	[smem:$0x3FB1] =	sst s10  }
0x35: {  	s10 =	sld [smem:$0x3FB0];
	_ =	sdelay $0x3  }
0x36: {  	p1 =	seq.s32 s10, $0x1;
	s10 =	sld [smem:$0x3FB1];
	_ =	sdelay $0x3  }
0x37: {  	[smem:$0x3FB1] =	sst s10  }
0x38: {  	s10 =	sld [smem:$0x3FB2]  }
0x39: {  	_ = 	snop;
	(pc) =	sbr.ind lr, $3  }
0x3a: {  	_ = 	snop  }
0x3b: {  	_ = 	snop  }
0x3c: {  	p2 =	seq.s32 s10, $0x1;
	s10 =	sld [smem:$0x3FB1]  }
0x3d: {  	_ =	shalt  }
0x3e: {  	_ =	shalt  }
0x3f: {  	_ =	shalt  }
0x40: {  	_ =	shalt  }
0x41: {  	_ =	shalt  }
0x42: {  	_ =	shalt  }
0x43: {  	_ =	shalt  }
0x44: {  	_ =	shalt  }
0x45: {  	_ =	shalt  }
0x46: {  	_ =	shalt  }
0x47: {  	_ =	shalt  }
0x48: {  	_ =	shalt  }
0x49: {  	_ =	shalt  }
0x4a: {  	_ =	shalt  }
0x4b: {  	_ =	shalt  }
0x4c: {  	_ =	shalt  }
0x4d: {  	_ =	shalt  }
0x4e: {  	_ =	shalt  }
0x4f: {  	_ =	shalt  }
0x50: {  	_ =	shalt  }
0x51: {  	_ =	shalt  }
0x52: {  	_ =	shalt  }
0x53: {  	_ =	shalt  }
0x54: {  	_ =	shalt  }
0x55: {  	_ =	shalt  }
0x56: {  	_ =	shalt  }
0x57: {  	_ =	shalt  }
0x58: {  	_ =	shalt  }
0x59: {  	_ =	shalt  }
0x5a: {  	_ =	shalt  }
0x5b: {  	_ =	shalt  }
0x5c: {  	_ =	shalt  }
0x5d: {  	_ =	shalt  }
0x5e: {  	_ =	shalt  }
0x5f: {  	_ =	shalt  }
0x60: {  	_ =	shalt  }
0x61: {  	_ =	shalt  }
0x62: {  	_ =	shalt  }
0x63: {  	_ =	shalt  }
0x64: {  	_ =	shalt  }
0x65: {  	_ =	shalt  }
0x66: {  	_ =	shalt  }
0x67: {  	_ =	shalt  }
0x68: {  	_ =	shalt  }
0x69: {  	_ =	shalt  }
0x6a: {  	_ =	shalt  }
0x6b: {  	_ =	shalt  }
0x6c: {  	_ =	shalt  }
0x6d: {  	_ =	shalt  }
0x6e: {  	_ =	shalt  }
0x6f: {  	_ =	shalt  }
0x70: {  	_ =	shalt  }
0x71: {  	_ =	shalt  }
0x72: {  	_ =	shalt  }
0x73: {  	_ =	shalt  }
0x74: {  	_ =	shalt  }
0x75: {  	_ =	shalt  }
0x76: {  	_ =	shalt  }
0x77: {  	_ =	shalt  }
0x78: {  	_ =	shalt  }
0x79: {  	_ =	shalt  }
0x7a: {  	_ =	shalt  }
0x7b: {  	_ =	shalt  }
0x7c: {  	_ =	shalt  }
0x7d: {  	_ =	shalt  }
0x7e: {  	_ =	shalt  }
0x7f: {  	_ =	shalt  }
0x80: {  	_ =	shalt  }
0x81: {  	_ =	shalt  }
0x82: {  	_ =	shalt  }
0x83: {  	_ =	shalt  }
0x84: {  	_ =	shalt  }
0x85: {  	_ =	shalt  }
0x86: {  	_ =	shalt  }
0x87: {  	_ =	shalt  }
.Lfunc_end0:
.L_simem_size_0:
called_computation_lowered:
.L_overlay_start_0:
0x88: {  	s2 =	sld [smem:$0x3FD9]  }
0x89: {  	s3 =	sld [smem:$0x3FFE];
	_ =	sdelay $0x1  }
0x8a: {  	s1 =	srdreg.scid  }
0x8b: {  	s0 =	sand.u32 $0x1, s1  }
0x8c: {  	s14 =	sshll.u32 s0, $0xA;
	s2 =	sadd.s32 s3, s2  }
0x8d: {  	s2 =	sadd.s32 s2, s14  }
0x8e: {  	[smem:$0x3FBD] =	sst s2  }
0x8f: {  	_ = 	snop  }
0x90: {  	s2 =	sld [smem:$0x3FD0];
	_ =	sdelay $0x2  }
0x91: {  	s15 =	simm.s32 $0xB;
	s4 =	simm.s32 $0x10  }
0x92: {  	[smem:s4], [sflag:s15] =	dma.local [hbm:s2], $0x1  }
0x93: {  	_ =	swait.eq [sflag:s15], $0x1  }
0x94: {  	[sflag:s15] =	ssyncset.done $0x0  }
0x95: {  	s16 =	sld [smem:$0x10];
	[sflag:s15] =	ssyncadd.s32 $0xFFFFFFFF  }
0x96: {  	s17 =	sld [smem:$0x11];
	(tm) =	ssettm $0x1  }
0x97: {  	s18 =	sld [smem:$0x3FFB];
	_ =	sdelay $0x3  }
0x98: {  	_ =	strace s18  }
0x99: {  	s4 =	sld [smem:$0x3FFC];
	_ =	sdelay $0x3  }
0x9a: {  	_ =	strace s4  }
0x9b: {  	s4 =	sld [smem:$0x3FFD];
	_ =	sdelay $0x3  }
0x9c: {  	_ =	strace s4  }
0x9d: {  	_ =	strace $0x8FFFFFFF  }
0x9e: {  	s19 =	sld [smem:$0x3FDB];
	_ =	sdelay $0x1  }
0x9f: {  	s5 =	simm.s32 $_scs_section_size  }
0xa0: {  	s6 =	simm.s32 $_size__tile_overlayer_lowered;
	s7 =	simm.s32 $_tile_overlayer_lowered  }
0xa1: {  	s22 =	simm.s32 $0x1BFF;
	s21 =	sshll.u32 s7, $0x1;
	s4 =	sadd.s32 s5, s19  }
0xa2: {  	s8 =	simm.s32 $0x0;
	s20 =	sshll.u32 s6, $0x1;
	s6 =	sadd.s32 s21, s4  }
0xa3: {  	[timem:s8], [sflag:s22] =	dma.local [hbm:s6], s20  }
0xa4: {  	_ =	swait.ge [sflag:s22], s20  }
0xa5: {  	s5 =	ssub.s32 $0x0, s20;
	[sflag:s22] =	ssyncset.done $0x0  }
0xa6: {  	[sflag:s22] =	ssyncadd.s32 s5;
	_ =	sdelay $0x1  }
0xa7: {  	s23 =	simm.s32 $0x1B8B  }
0xa8: {  	_ =	swait.ge [sflag:s23], $0x1  }
0xa9: {  	[sflag:s23] =	ssyncset.done $0x0  }
0xaa: {  	s25 =	simm.s32 $0x1B8E;
	s24 =	sld [smem:$0x3FFE];
	[sflag:s23] =	ssyncadd.s32 $0xFFFFFFFF  }
0xab: {  	s26 =	simm.s32 $execute0_lowered;
	[smem:$0x3FD2] =	sst s25  }
0xac: {  	s6 =	sshll.u32 s26, $0x1;
	_ =	strace $0x80000046;
	[dreg:$0x1] =	wrdreg $0xFFFFFFFF  }
0xad: {  	s28 =	simm.s32 $_size_execute0_lowered;
	s4 =	sadd.s32 s4, s6;
	[dreg:$0x0] =	wrdreg $0x0  }
0xae: {  	s6 =	sshll.u32 s28, $0x1;
	[dreg:$0x2] =	wrdreg s4  }
0xaf: {  	[dreg:$0x3] =	wrdreg s6  }
0xb0: {  	[dreg:$0x4] =	wrdreg $0xC0  }
0xb1: {  	_ =	task [dreg:s8], $0x5FFFF  }
0xb2: {  	[dreg:$0x1] =	wrdreg $0xFFFFFFFF  }
0xb3: {  	[dreg:$0x0] =	wrdreg $0x60  }
0xb4: {  	[dreg:$0x2] =	wrdreg s16  }
0xb5: {  	[dreg:$0x3] =	wrdreg s17  }
0xb6: {  	[dreg:$0x4] =	wrdreg s24  }
0xb7: {  	[dreg:$0x5] =	wrdreg $0x9  }
0xb8: {  	_ =	task.clear_ibuf [dreg:s8], $0x6FFFF;
	_ =	strace $0x90000046  }
0xb9: {  	s29 =	simm.s32 $0x9;
	_ =	strace $0x80000048  }
0xba: {  	_ =	swait.ge [sflag:s29], $0x1  }
0xbb: {  	[sflag:s29] =	ssyncadd.s32 $0xFFFFFFFF  }
0xbc: {  	_ =	strace $0x90000048  }
0xbd: {  	_ =	sfence  }
0xbe: {  	s30 =	sld [smem:$0x0];
	_ =	sdelay $0x2  }
0xbf: {  	s31 =	sshll.u32 s1, $0xD;
	s1 =	sshrl.u32 s1, $0x2  }
0xc0: {  	s3 =	sand.u32 $0x4000, s31;
	s1 =	sadd.s32 s1, s30  }
0xc1: {  	s0 =	sor.u32 s3, s0;
	s1 =	sshll.u32 s1, $0x11  }
0xc2: {  	s0 =	sor.u32 s1, s0  }
0xc3: {  	s0 =	sadd.s32 $0x8F2B, s0  }
0xc4: {  	[sflag:s0] =	ssyncadd.remote.s32 $0x1  }
0xc5: {  	_ =	sfence.sel $0xFFFF  }
0xc6: {  	[dreg:$0x0] =	wrdreg $0xFFFFFFFF;
	(pc) =	sbr.abs _section_cstart, $3  }
0xc7: {  	[dreg:$0x1] =	wrdreg $0xFFFFFFFF  }
0xc8: {  	_ =	task.clear_ibuf [dreg:s8], $0x2FFFF;
	_ =	strace $0x9FFFFFFF  }
0xc9: {  	(tm) =	ssettm $0x7FFFFFFF  }
tec
execute0_lowered:
.L_overlay_start_1:
0x0: {  	(tag) =	ssettag $0x1  }
0x1: {  	s1 =	rddreg [dreg:$0x0]  }
0x2: {  	s2 =	rddreg [dreg:$0x1]  }
0x3: {  	s5 =	rddreg [dreg:$0x2];
	s4 =	simm.s32 $0x0;
	s0 =	stileid.u32  }
0x4: {  	s7 =	srdreg.scid;
	s16 =	simm.s32 $0x180;
	s17 =	simm.s32 $0x5200  }
0x5: {  	s18 =	simm.s32 $0x7A00;
	s19 =	simm.s32 $0x1;
	s20 =	simm.s32 $0x2  }
0x6: {  	s21 =	simm.s32 $0x3;
	s22 =	simm.s32 $0x4;
	s6 =	smul.u32 $0x28000, s0  }
0x7: {  	[smem:$0x7FF] =	sst s4;
	s7 =	sand.u32 $0x1, s7;
	s9 =	smul.u32 $0x2800, s0  }
0x8: {  	s8 =	sshll.u32 s0, $0x1;
	s11 =	sadd.s32 $0x4200, s5;
	s10 =	smul.u32 $0x1400, s7  }
0x9: {  	s12 =	sadd.s32 $0x9200, s5;
	s8 =	sor.u32 s7, s8;
	s15 =	smul.u32 $0x14000, s7  }
0xa: {  	_ =	strace $0x80000047;
	s23 =	ssub.s32 $0x2, s7;
	s8 =	smul.u32 $0x1400, s8  }
0xb: {  	s13 =	sadd.s32 s6, s5;
	s24 =	sshrl.u32 s23, $0x1;
	s9 =	sadd.s32 s10, s9  }
0xc: {  	s14 =	ssub.s32 s23, s24;
	s29 =	sadd.s32 s15, s13;
	s13 =	simm.s32 $0x200  }
0xd: {  	s15 =	simm.s32 $0x100;
	s23 =	simm.s32 $0x0;
	s8 =	sshrl.u32 s8, $0x3  }
0xe: {  	s10 =	sor.u32 $0xA0, s9;
	s7 =	smax.u32 s14, $0x1;
	s26 =	sor.u32 $0x50, s9  }
0xf: {  	s9 =	sadd.s32 $0x28E700, s29;
	s14 =	simm.s32 $0x2A00;
	s10 =	sshrl.u32 s10, $0x3  }
0x10: {  	s5 =	sadd.s32 s11, s8;
	s6 =	sadd.s32 s12, s8;
	s25 =	sadd.s32 s10, s12  }
0x11: {  	s30 =	sshrl.u32 s26, $0x3;
	s28 =	sadd.s32 s10, s11;
	[dreg:$0x4] =	wrdreg s25  }
0x12: {  	s8 =	sadd.s32 $0xE700, s29;
	s12 =	sadd.s32 s30, s12;
	[dreg:$0x5] =	wrdreg s28  }
0x13: {  	s31 =	sadd.s32 s30, s11;
	s10 =	simm.s32 $0x5;
	[dreg:$0x6] =	wrdreg s12  }
0x14: {  	s11 =	simm.s32 $0x80;
	[dreg:$0x7] =	wrdreg s31;
	s12 =	simm.s32 $0x50  }
.LBB2_1:
0x15: {  	[tilespmem:s4], [sflag:$0x5] =	stream.linear.gather [hbm4b:s5+s4], $0x50, $0x38;
	[tilespmem:$0xA200] =	vst v63  }
0x16: {  	_ =	swait.ge [sflag:s10], $0x50  }
0x17: {  	[sflag:s10] =	ssyncset.done $0x0  }
0x18: {  	[sflag:s10] =	ssyncadd.s32 $0xFFFFFFB0  }
0x19: {  	[tilespmem:s11], [sflag:$0x5] =	stream.linear.gather [hbm4b:s6+s4], $0x50, $0x38;
	[tilespmem:$0xA200] =	vst v63  }
0x1a: {  	_ =	swait.ge [sflag:s10], $0x50  }
0x1b: {  	[sflag:s10] =	ssyncset.done $0x0  }
0x1c: {  	[sflag:s10] =	ssyncadd.s32 $0xFFFFFFB0  }
0x1d: {  	[tilespmem:s13], [sflag:$0x1] =	stream.indirect.gather [hbm4b:s1+s12], $0x80, s4, s12, $0xb8;
	[tilespmem:$0xA200] =	vst v63  }
0x1e: {  	s24 =	rddreg [dreg:$0x7]  }
0x1f: {  	[tilespmem:s14], [sflag:$0x2] =	stream.indirect.gather [hbm4b:s2+s12], $0x80, s11, s12, $0xb8;
	[tilespmem:$0xA200] =	vst v63  }
0x20: {  	s24 =	sadd.s32 $0x0, s24  }
0x21: {  	[tilespmem:s15], [sflag:$0x5] =	stream.linear.gather [hbm4b:s24+s4], $0x50, $0x38;
	[tilespmem:$0xA200] =	vst v63  }
0x22: {  	_ =	swait.ge [sflag:s10], $0x50  }
0x23: {  	s29 =	rddreg [dreg:$0x6];
	[sflag:s10] =	ssyncset.done $0x0  }
0x24: {  	[sflag:s10] =	ssyncadd.s32 $0xFFFFFFB0;
	s24 =	sadd.s32 $0x0, s29  }
0x25: {  	[tilespmem:s16], [sflag:$0x5] =	stream.linear.gather [hbm4b:s24+s4], $0x50, $0x38;
	[tilespmem:$0xA200] =	vst v63  }
0x26: {  	_ =	swait.ge [sflag:s10], $0x50  }
0x27: {  	[sflag:s10] =	ssyncset.done $0x0  }
0x28: {  	[sflag:s10] =	ssyncadd.s32 $0xFFFFFFB0  }
0x29: {  	[tilespmem:s17], [sflag:$0x3] =	stream.indirect.gather [hbm4b:s1+s12], $0x80, s15, s12, $0xb8;
	[tilespmem:$0xA200] =	vst v63  }
0x2a: {  	_ = 	snop  }
0x2b: {  	[tilespmem:s18], [sflag:$0x4] =	stream.indirect.gather [hbm4b:s2+s12], $0x80, s16, s12, $0xb8;
	[tilespmem:$0xA200] =	vst v63  }
0x2c: {  	_ =	swait.ge [sflag:s19], $0x2800  }
0x2d: {  	[sflag:s19] =	ssyncset.done $0x0  }
0x2e: {  	[sflag:s19] =	ssyncadd.s32 $0xFFFFD800  }
0x2f: {  	_ =	swait.ge [sflag:s20], $0x2800  }
0x30: {  	[sflag:s20] =	ssyncset.done $0x0  }
0x31: {  	s30 =	sadd.s32 $0xFFFFFB00, s8;
	[sflag:s20] =	ssyncadd.s32 $0xFFFFD800  }
0x32: {  	[hbm4b:s30+s4] =	stream.linear.scatter [tilespmem:s13], [sflag:$0x5], $0x2800, $0x38;
	[tilespmem:$0xA200] =	vst v63  }
0x33: {  	_ =	swait.ge [sflag:s10], $0x2800  }
0x34: {  	[sflag:s10] =	ssyncset.done $0x0  }
0x35: {  	s31 =	sadd.s32 $0xFFFFFB00, s9;
	[sflag:s10] =	ssyncadd.s32 $0xFFFFD800  }
0x36: {  	[hbm4b:s31+s4] =	stream.linear.scatter [tilespmem:s14], [sflag:$0x5], $0x2800, $0x38;
	[tilespmem:$0xA200] =	vst v63  }
0x37: {  	p0 =	por $0x0, $0x0;
	_ =	swait.ge [sflag:s10], $0x2800  }
0x38: {  	s25 =	simm.s32 @!p0 $0x0;
	s24 =	rddreg [dreg:$0x5];
	[sflag:s10] =	ssyncset.done $0x0  }
0x39: {  	s26 =	simm.s32 @!p0 $0x5;
	[sflag:s10] =	ssyncadd.s32 $0xFFFFD800;
	s24 =	sadd.s32 @!p0 $0x0, s24  }
0x3a: {  	[tilespmem:s25], [sflag:$0x5] =	stream.linear.gather @!p0 [hbm4b:s24+s25], $0x50, $0x38;
	[tilespmem:$0xA200] =	vst v63  }
0x3b: {  	_ =	swait.ge @!p0 [sflag:s26], $0x50  }
0x3c: {  	s24 =	rddreg [dreg:$0x4];
	[sflag:s26] =	ssyncset.done @!p0 $0x0  }
0x3d: {  	s28 =	simm.s32 @!p0 $0x80;
	[sflag:s26] =	ssyncadd.s32 @!p0 $0xFFFFFFB0;
	s24 =	sadd.s32 @!p0 $0x0, s24  }
0x3e: {  	[tilespmem:s28], [sflag:$0x5] =	stream.linear.gather @!p0 [hbm4b:s24+s25], $0x50, $0x38;
	[tilespmem:$0xA200] =	vst v63  }
0x3f: {  	_ =	swait.ge @!p0 [sflag:s26], $0x50  }
0x40: {  	[sflag:s26] =	ssyncset.done @!p0 $0x0  }
0x41: {  	s24 =	simm.s32 @!p0 $0x50;
	[sflag:s26] =	ssyncadd.s32 @!p0 $0xFFFFFFB0;
	s26 =	simm.s32 @!p0 $0x200  }
0x42: {  	[tilespmem:s26], [sflag:$0x1] =	stream.indirect.gather @!p0 [hbm4b:s1+s24], $0x80, s25, s24, $0xb8;
	[tilespmem:$0xA200] =	vst v63  }
0x43: {  	s25 =	simm.s32 @!p0 $0x2A00  }
0x44: {  	[tilespmem:s25], [sflag:$0x2] =	stream.indirect.gather @!p0 [hbm4b:s2+s24], $0x80, s28, s24, $0xb8;
	[tilespmem:$0xA200] =	vst v63  }
0x45: {  	_ =	swait.ge [sflag:s21], $0x2800  }
0x46: {  	[sflag:s21] =	ssyncset.done $0x0  }
0x47: {  	[sflag:s21] =	ssyncadd.s32 $0xFFFFD800  }
0x48: {  	_ =	swait.ge [sflag:s22], $0x2800  }
0x49: {  	[sflag:s22] =	ssyncset.done $0x0  }
0x4a: {  	[sflag:s22] =	ssyncadd.s32 $0xFFFFD800  }
0x4b: {  	[hbm4b:s8+s4] =	stream.linear.scatter [tilespmem:s17], [sflag:$0x5], $0x2800, $0x38;
	[tilespmem:$0xA200] =	vst v63  }
0x4c: {  	_ =	swait.ge [sflag:s10], $0x2800  }
0x4d: {  	[sflag:s10] =	ssyncset.done $0x0  }
0x4e: {  	s26 =	simm.s32 $0x14;
	s28 =	simm.s32 $0x28;
	[sflag:s10] =	ssyncadd.s32 $0xFFFFD800  }
0x4f: {  	[hbm4b:s9+s4] =	stream.linear.scatter [tilespmem:s18], [sflag:$0x5], $0x2800, $0x38;
	[tilespmem:$0xA200] =	vst v63  }
0x50: {  	s25 =	sadd.s32 $0xA00, s8;
	s24 =	sadd.s32 $0xA00, s9;
	_ =	swait.ge [sflag:s10], $0x2800  }
.LBB2_2:
0x51: {  	s30 =	rddreg [dreg:$0x7];
	[sflag:s10] =	ssyncset.done $0x0  }
0x52: {  	[sflag:s10] =	ssyncadd.s32 $0xFFFFD800;
	s30 =	sadd.s32 s26, s30  }
0x53: {  	[tilespmem:s15], [sflag:$0x5] =	stream.linear.gather [hbm4b:s30+s4], $0x50, $0x38;
	[tilespmem:$0xA200] =	vst v63  }
0x54: {  	_ =	swait.ge [sflag:s10], $0x50  }
0x55: {  	s0 =	rddreg [dreg:$0x6];
	[sflag:s10] =	ssyncset.done $0x0  }
0x56: {  	[sflag:s10] =	ssyncadd.s32 $0xFFFFFFB0;
	s30 =	sadd.s32 s26, s0  }
0x57: {  	[tilespmem:s16], [sflag:$0x5] =	stream.linear.gather [hbm4b:s30+s4], $0x50, $0x38;
	[tilespmem:$0xA200] =	vst v63  }
0x58: {  	_ =	swait.ge [sflag:s10], $0x50  }
0x59: {  	[sflag:s10] =	ssyncset.done $0x0  }
0x5a: {  	[sflag:s10] =	ssyncadd.s32 $0xFFFFFFB0  }
0x5b: {  	[tilespmem:s17], [sflag:$0x3] =	stream.indirect.gather [hbm4b:s1+s12], $0x80, s15, s12, $0xb8;
	[tilespmem:$0xA200] =	vst v63  }
0x5c: {  	_ = 	snop  }
0x5d: {  	[tilespmem:s18], [sflag:$0x4] =	stream.indirect.gather [hbm4b:s2+s12], $0x80, s16, s12, $0xb8;
	[tilespmem:$0xA200] =	vst v63  }
0x5e: {  	_ =	swait.ge [sflag:s19], $0x2800  }
0x5f: {  	[sflag:s19] =	ssyncset.done $0x0  }
0x60: {  	[sflag:s19] =	ssyncadd.s32 $0xFFFFD800  }
0x61: {  	_ =	swait.ge [sflag:s20], $0x2800  }
0x62: {  	[sflag:s20] =	ssyncset.done $0x0  }
0x63: {  	s3 =	sadd.s32 $0xFFFFFB00, s25;
	[sflag:s20] =	ssyncadd.s32 $0xFFFFD800  }
0x64: {  	[hbm4b:s3+s4] =	stream.linear.scatter [tilespmem:s13], [sflag:$0x5], $0x2800, $0x38;
	[tilespmem:$0xA200] =	vst v63  }
0x65: {  	_ =	swait.ge [sflag:s10], $0x2800  }
0x66: {  	[sflag:s10] =	ssyncset.done $0x0  }
0x67: {  	s31 =	sadd.s32 $0xFFFFFB00, s24;
	[sflag:s10] =	ssyncadd.s32 $0xFFFFD800  }
0x68: {  	[hbm4b:s31+s4] =	stream.linear.scatter [tilespmem:s14], [sflag:$0x5], $0x2800, $0x38;
	[tilespmem:$0xA200] =	vst v63  }
0x69: {  	p1 =	seq.s32 s26, $0x26C;
	_ =	swait.ge [sflag:s10], $0x2800  }
0x6a: {  	s0 =	simm.s32 @!p1 $0x5;
	s30 =	rddreg [dreg:$0x5];
	[sflag:s10] =	ssyncset.done $0x0  }
0x6b: {  	s31 =	simm.s32 @!p1 $0x0;
	[sflag:s10] =	ssyncadd.s32 $0xFFFFD800;
	s30 =	sadd.s32 @!p1 s26, s30  }
0x6c: {  	[tilespmem:s31], [sflag:$0x5] =	stream.linear.gather @!p1 [hbm4b:s30+s31], $0x50, $0x38;
	[tilespmem:$0xA200] =	vst v63  }
0x6d: {  	_ =	swait.ge @!p1 [sflag:s0], $0x50  }
0x6e: {  	[sflag:s0] =	ssyncset.done @!p1 $0x0;
	s30 =	rddreg [dreg:$0x4]  }
0x6f: {  	s3 =	simm.s32 @!p1 $0x80;
	[sflag:s0] =	ssyncadd.s32 @!p1 $0xFFFFFFB0;
	s30 =	sadd.s32 @!p1 s26, s30  }
0x70: {  	[tilespmem:s3], [sflag:$0x5] =	stream.linear.gather @!p1 [hbm4b:s30+s31], $0x50, $0x38;
	[tilespmem:$0xA200] =	vst v63  }
0x71: {  	s29 =	smov.u32 s28;
	_ =	swait.ge @!p1 [sflag:s0], $0x50  }
0x72: {  	s26 =	smov.u32 s29;
	[sflag:s0] =	ssyncset.done @!p1 $0x0  }
0x73: {  	s29 =	simm.s32 @!p1 $0x50;
	s30 =	simm.s32 @!p1 $0x200;
	[sflag:s0] =	ssyncadd.s32 @!p1 $0xFFFFFFB0  }
0x74: {  	[tilespmem:s30], [sflag:$0x1] =	stream.indirect.gather @!p1 [hbm4b:s1+s29], $0x80, s31, s29, $0xb8;
	[tilespmem:$0xA200] =	vst v63  }
0x75: {  	s0 =	simm.s32 @!p1 $0x2A00  }
0x76: {  	[tilespmem:s0], [sflag:$0x2] =	stream.indirect.gather @!p1 [hbm4b:s2+s29], $0x80, s3, s29, $0xb8;
	[tilespmem:$0xA200] =	vst v63  }
0x77: {  	_ =	swait.ge [sflag:s21], $0x2800  }
0x78: {  	[sflag:s21] =	ssyncset.done $0x0  }
0x79: {  	[sflag:s21] =	ssyncadd.s32 $0xFFFFD800  }
0x7a: {  	_ =	swait.ge [sflag:s22], $0x2800  }
0x7b: {  	s28 =	sadd.s32 $0x14, s28;
	[sflag:s22] =	ssyncset.done $0x0  }
0x7c: {  	p0 =	sne.s32 s28, $0x280;
	[sflag:s22] =	ssyncadd.s32 $0xFFFFD800  }
0x7d: {  	[hbm4b:s25+s4] =	stream.linear.scatter [tilespmem:s17], [sflag:$0x5], $0x2800, $0x38;
	[tilespmem:$0xA200] =	vst v63  }
.Ltmp0:
0x7e: {  	_ =	swait.ge [sflag:s10], $0x2800;
	(pc) =	sbr.rel @p0 .LBB2_2-.Ltmp0, $4  }
0x7f: {  	[sflag:s10] =	ssyncset.done $0x0  }
0x80: {  	[sflag:s10] =	ssyncadd.s32 $0xFFFFD800  }
0x81: {  	[hbm4b:s24+s4] =	stream.linear.scatter [tilespmem:s18], [sflag:$0x5], $0x2800, $0x38;
	[tilespmem:$0xA200] =	vst v63  }
0x82: {  	s25 =	sadd.s32 $0xA00, s25;
	s24 =	sadd.s32 $0xA00, s24;
	_ =	swait.ge [sflag:s10], $0x2800  }
0x83: {  	s0 =	rddreg [dreg:$0x7];
	[sflag:s10] =	ssyncset.done $0x0  }
0x84: {  	[sflag:s10] =	ssyncadd.s32 $0xFFFFD800;
	s0 =	sadd.s32 s26, s0  }
0x85: {  	[tilespmem:s15], [sflag:$0x5] =	stream.linear.gather [hbm4b:s0+s4], $0x50, $0x38;
	[tilespmem:$0xA200] =	vst v63  }
0x86: {  	_ =	swait.ge [sflag:s10], $0x50  }
0x87: {  	s29 =	rddreg [dreg:$0x6];
	[sflag:s10] =	ssyncset.done $0x0  }
0x88: {  	[sflag:s10] =	ssyncadd.s32 $0xFFFFFFB0;
	s0 =	sadd.s32 s26, s29  }
0x89: {  	[tilespmem:s16], [sflag:$0x5] =	stream.linear.gather [hbm4b:s0+s4], $0x50, $0x38;
	[tilespmem:$0xA200] =	vst v63  }
0x8a: {  	_ =	swait.ge [sflag:s10], $0x50  }
0x8b: {  	[sflag:s10] =	ssyncset.done $0x0  }
0x8c: {  	[sflag:s10] =	ssyncadd.s32 $0xFFFFFFB0  }
0x8d: {  	[tilespmem:s17], [sflag:$0x3] =	stream.indirect.gather [hbm4b:s1+s12], $0x80, s15, s12, $0xb8;
	[tilespmem:$0xA200] =	vst v63  }
0x8e: {  	_ = 	snop  }
0x8f: {  	[tilespmem:s18], [sflag:$0x4] =	stream.indirect.gather [hbm4b:s2+s12], $0x80, s16, s12, $0xb8;
	[tilespmem:$0xA200] =	vst v63  }
0x90: {  	_ =	swait.ge [sflag:s19], $0x2800  }
0x91: {  	[sflag:s19] =	ssyncset.done $0x0  }
0x92: {  	[sflag:s19] =	ssyncadd.s32 $0xFFFFD800  }
0x93: {  	_ =	swait.ge [sflag:s20], $0x2800  }
0x94: {  	[sflag:s20] =	ssyncset.done $0x0  }
0x95: {  	s30 =	sadd.s32 $0xFFFFFB00, s25;
	[sflag:s20] =	ssyncadd.s32 $0xFFFFD800  }
0x96: {  	[hbm4b:s30+s4] =	stream.linear.scatter [tilespmem:s13], [sflag:$0x5], $0x2800, $0x38;
	[tilespmem:$0xA200] =	vst v63  }
0x97: {  	_ =	swait.ge [sflag:s10], $0x2800  }
0x98: {  	[sflag:s10] =	ssyncset.done $0x0  }
0x99: {  	s31 =	sadd.s32 $0xFFFFFB00, s24;
	[sflag:s10] =	ssyncadd.s32 $0xFFFFD800  }
0x9a: {  	[hbm4b:s31+s4] =	stream.linear.scatter [tilespmem:s14], [sflag:$0x5], $0x2800, $0x38;
	[tilespmem:$0xA200] =	vst v63  }
0x9b: {  	p0 =	seq.s32 s26, $0x26C;
	_ =	swait.ge [sflag:s10], $0x2800  }
0x9c: {  	s3 =	simm.s32 @!p0 $0x0;
	s0 =	rddreg [dreg:$0x5];
	[sflag:s10] =	ssyncset.done $0x0  }
0x9d: {  	s28 =	simm.s32 @!p0 $0x5;
	[sflag:s10] =	ssyncadd.s32 $0xFFFFD800;
	s0 =	sadd.s32 @!p0 s26, s0  }
0x9e: {  	[tilespmem:s3], [sflag:$0x5] =	stream.linear.gather @!p0 [hbm4b:s0+s3], $0x50, $0x38;
	[tilespmem:$0xA200] =	vst v63  }
0x9f: {  	_ =	swait.ge @!p0 [sflag:s28], $0x50  }
0xa0: {  	s0 =	rddreg [dreg:$0x4];
	[sflag:s28] =	ssyncset.done @!p0 $0x0  }
0xa1: {  	s29 =	simm.s32 @!p0 $0x80;
	[sflag:s28] =	ssyncadd.s32 @!p0 $0xFFFFFFB0;
	s0 =	sadd.s32 @!p0 s26, s0  }
0xa2: {  	[tilespmem:s29], [sflag:$0x5] =	stream.linear.gather @!p0 [hbm4b:s0+s3], $0x50, $0x38;
	[tilespmem:$0xA200] =	vst v63  }
0xa3: {  	_ =	swait.ge @!p0 [sflag:s28], $0x50  }
0xa4: {  	[sflag:s28] =	ssyncset.done @!p0 $0x0  }
0xa5: {  	s26 =	simm.s32 @!p0 $0x200;
	s0 =	simm.s32 @!p0 $0x50;
	[sflag:s28] =	ssyncadd.s32 @!p0 $0xFFFFFFB0  }
0xa6: {  	[tilespmem:s26], [sflag:$0x1] =	stream.indirect.gather @!p0 [hbm4b:s1+s0], $0x80, s3, s0, $0xb8;
	[tilespmem:$0xA200] =	vst v63  }
0xa7: {  	s3 =	simm.s32 @!p0 $0x2A00  }
0xa8: {  	[tilespmem:s3], [sflag:$0x2] =	stream.indirect.gather @!p0 [hbm4b:s2+s0], $0x80, s29, s0, $0xb8;
	[tilespmem:$0xA200] =	vst v63  }
0xa9: {  	_ =	swait.ge [sflag:s21], $0x2800  }
0xaa: {  	[sflag:s21] =	ssyncset.done $0x0  }
0xab: {  	[sflag:s21] =	ssyncadd.s32 $0xFFFFD800  }
0xac: {  	_ =	swait.ge [sflag:s22], $0x2800  }
0xad: {  	[sflag:s22] =	ssyncset.done $0x0  }
0xae: {  	[sflag:s22] =	ssyncadd.s32 $0xFFFFD800  }
0xaf: {  	[hbm4b:s25+s4] =	stream.linear.scatter [tilespmem:s17], [sflag:$0x5], $0x2800, $0x38;
	[tilespmem:$0xA200] =	vst v63  }
0xb0: {  	s23 =	sadd.s32 $0x1, s23;
	_ =	swait.ge [sflag:s10], $0x2800  }
0xb1: {  	p0 =	sne.s32 s23, s7;
	[sflag:s10] =	ssyncset.done $0x0  }
.Ltmp1:
0xb2: {  	[sflag:s10] =	ssyncadd.s32 $0xFFFFD800;
	(pc) =	sbr.rel @p0 .LBB2_1-.Ltmp1, $4  }
0xb3: {  	[hbm4b:s24+s4] =	stream.linear.scatter [tilespmem:s18], [sflag:$0x5], $0x2800, $0x38;
	[tilespmem:$0xA200] =	vst v63  }
0xb4: {  	_ =	swait.ge [sflag:s10], $0x2800  }
0xb5: {  	[sflag:s10] =	ssyncset.done $0x0  }
0xb6: {  	[sflag:s10] =	ssyncadd.s32 $0xFFFFD800  }
0xb7: {  	_ =	sfence.sel $0x180000  }
0xb8: {  	[bflag:$0x0] =	sbarrier.arrive $0xFFFF  }
0xb9: {  	_ =	strace $0x90000047  }
0xba: {  	s0 =	stileid.u32;
	[bflag:$0x2] =	sbarrier.arrive $0xFFFF  }
0xbb: {  	p0 =	sne.s32 s0, $0x0;
	s0 =	rddreg [dreg:$0x3]  }
0xbc: {  	s0 =	sadd.s32 @!p0 $0x100000, s0  }
0xbd: {  	[sflag:s0] =	ssyncadd.tile.s32 @!p0 $0x1;
	_ =	shalt  }
.Lfunc_end2:
_tile_overlayer_lowered:
.L_overlay_start_2:
0xbe: {  	(tag) =	ssettag $0x2  }
0xbf: {  	s0 =	rddreg [dreg:$0x0];
	s2 =	stileid.u32  }
0xc0: {  	s1 =	rddreg [dreg:$0x1];
	p0 =	sne.s32 s2, $0x0  }
0xc1: {  	s3 =	rddreg [dreg:$0x2];
	[bflag:$0x3] =	sbarrier.arrive $0xFFFF;
	s2 =	simm.s32 @!p0 $0x1C05  }
0xc2: {  	[timem:s3], [sflag:s2] =	dma.local @!p0 [hbm:s0], s1  }
0xc3: {  	s0 =	simm.s32 @!p0 $0x5  }
0xc4: {  	_ =	swait.ge @!p0 [sflag:s0], s1  }
0xc5: {  	s1 =	ssub.s32 @!p0 $0x0, s1;
	[sflag:s0] =	ssyncset.done @!p0 $0x0  }
0xc6: {  	[sflag:s0] =	ssyncadd.s32 @!p0 s1  }
0xc7: {  	[bflag:$0x3] =	sbarrier.arrive $0xFFFF  }
0xc8: {  	_ =	shalt  }

// kernel: kernel.13.cloned.1.call-start
scs
__scs_entry_jumppad:
0x0: {  	(pc) =	sbr.rel $0x88, $3  }
0x1: {  	(tag) =	ssettag $0x0;
	lr =	simm.s32 $0x1  }
0x2: {  	[smem:$0x3F96] =	sst lr;
	_ =	strace $0xD0000000  }
0x3: {  	_ = 	snop  }
0x4: {  	_ = 	snop  }
0x5: {  	_ = 	snop  }
0x6: {  	_ = 	snop  }
0x7: {  	_ = 	snop  }
__scs_overlays_trampoline_lowered:
0x8: {  	[smem:$0x3FA5] =	sst s0  }
0x9: {  	[smem:$0x3FA6] =	sst s1  }
0xa: {  	[smem:$0x3FA7] =	sst s2  }
0xb: {  	[smem:$0x3FA8] =	sst s3  }
0xc: {  	[smem:$0x3FA9] =	sst s4  }
0xd: {  	[smem:$0x3FAA] =	sst s5  }
0xe: {  	[smem:$0x3FAB] =	sst s6  }
0xf: {  	[smem:$0x3FAC] =	sst s7  }
0x10: {  	[smem:$0x3FAD] =	sst s8  }
0x11: {  	[smem:$0x3FAE] =	sst s9;
	s0 =	simm.s32 @!p0 $0x0  }
0x12: {  	s1 =	sld [smem:$0x3F94];
	s0 =	simm.s32 @p0 $0x1  }
0x13: {  	[smem:$0x3FAF] =	sst s0;
	s0 =	simm.s32 @!p1 $0x0  }
0x14: {  	s2 =	sld [smem:$0x3F93];
	s0 =	simm.s32 @p1 $0x1  }
0x15: {  	[smem:$0x3FB0] =	sst s0;
	s0 =	simm.s32 @!p2 $0x0  }
0x16: {  	s3 =	sld [smem:$0x3FDB];
	s0 =	simm.s32 @p2 $0x1  }
0x17: {  	s4 =	simm.s32 $0x1BF5;
	[smem:$0x3FB2] =	sst s0  }
0x18: {  	s0 =	sld [smem:$0x3F95];
	_ =	swait.ge [sflag:s4], $0x0  }
0x19: {  	s7 =	sld [smem:$0x3F96]  }
0x1a: {  	s8 =	sadd.s32 $0xFFFFE003, lr  }
0x1b: {  	s9 =	sadd.s32 $0xFFFFFEF7, lr;
	s5 =	simm.s32 $0xFFFFFFFF;
	p2 =	slt.u32 s8, $0xFFFFF086  }
0x1c: {  	p1 =	slt.u32 s9, $0xF7A;
	s5 =	simm.s32 @!p2 $0x0  }
0x1d: {  	s5 =	simm.s32 @p1 $0x1;
	p0 =	seq.s32 s7, s2  }
0x1e: {  	s7 =	smul.u32 @!p0 $0xF7A, s2;
	p2 =	seq.s32 @!p0 s5, $0x0  }
0x1f: {  	s9 =	smul.u32 $0xF7A, s1;
	s8 =	simm.s32 @!p0 $0x1BF5;
	p2 =	por !p2, p0  }
0x20: {  	[sflag:s8] =	ssyncset.s32 @!p0 $0xFFFFF086;
	s6 =	sadd.s32 @!p0 s3, s7;
	s7 =	simm.s32 @!p0 $0x108  }
0x21: {  	s3 =	sadd.s32 s3, s9;
	s6 =	sadd.s32 @!p0 $0x88, s6;
	s7 =	simm.s32 @p2 $0x1082  }
0x22: {  	[simem:s7], [sflag:s8] =	dma.local @!p0 [hbm:s6], $0xF7A  }
0x23: {  	s9 =	sor.u32 $0xD0000000, s2;
	s6 =	simm.s32 $0x108;
	_ =	swait.ge @!p0 [sflag:s8], $0x0  }
0x24: {  	s3 =	sadd.s32 $0x88, s3;
	s6 =	simm.s32 @!p1 $0x1082;
	[sflag:s4] =	ssyncset.s32 $0xFFFFF086  }
0x25: {  	[simem:s6], [sflag:s4] =	dma.local [hbm:s3], $0xF7A  }
0x26: {  	[smem:$0x3F96] =	sst s1;
	(tag) =	ssettag s2;
	_ =	strace s9  }
0x27: {  	s1 =	sld [smem:$0x3FA6]  }
0x28: {  	s2 =	sld [smem:$0x3FA7]  }
0x29: {  	s4 =	sld [smem:$0x3FA9]  }
0x2a: {  	p0 =	seq.s32 s5, $0x0;
	s5 =	sld [smem:$0x3FAA]  }
0x2b: {  	s6 =	sld [smem:$0x3FAB]  }
0x2c: {  	s7 =	sld [smem:$0x3FAC]  }
0x2d: {  	s3 =	simm.s32 $0x108;
	s8 =	sld [smem:$0x3FAD]  }
0x2e: {  	s3 =	simm.s32 @!p0 $0x1082;
	s9 =	sld [smem:$0x3FAE]  }
0x2f: {  	lr =	sadd.s32 s0, s3;
	s0 =	sld [smem:$0x3FA5]  }
0x30: {  	s3 =	sld [smem:$0x3FA8]  }
0x31: {  	[smem:$0x3FB1] =	sst s10  }
0x32: {  	s10 =	sld [smem:$0x3FAF];
	_ =	sdelay $0x3  }
0x33: {  	p0 =	seq.s32 s10, $0x1;
	s10 =	sld [smem:$0x3FB1];
	_ =	sdelay $0x3  }
0x34: {  	[smem:$0x3FB1] =	sst s10  }
0x35: {  	s10 =	sld [smem:$0x3FB0];
	_ =	sdelay $0x3  }
0x36: {  	p1 =	seq.s32 s10, $0x1;
	s10 =	sld [smem:$0x3FB1];
	_ =	sdelay $0x3  }
0x37: {  	[smem:$0x3FB1] =	sst s10  }
0x38: {  	s10 =	sld [smem:$0x3FB2]  }
0x39: {  	_ = 	snop;
	(pc) =	sbr.ind lr, $3  }
0x3a: {  	_ = 	snop  }
0x3b: {  	_ = 	snop  }
0x3c: {  	p2 =	seq.s32 s10, $0x1;
	s10 =	sld [smem:$0x3FB1]  }
0x3d: {  	_ =	shalt  }
0x3e: {  	_ =	shalt  }
0x3f: {  	_ =	shalt  }
0x40: {  	_ =	shalt  }
0x41: {  	_ =	shalt  }
0x42: {  	_ =	shalt  }
0x43: {  	_ =	shalt  }
0x44: {  	_ =	shalt  }
0x45: {  	_ =	shalt  }
0x46: {  	_ =	shalt  }
0x47: {  	_ =	shalt  }
0x48: {  	_ =	shalt  }
0x49: {  	_ =	shalt  }
0x4a: {  	_ =	shalt  }
0x4b: {  	_ =	shalt  }
0x4c: {  	_ =	shalt  }
0x4d: {  	_ =	shalt  }
0x4e: {  	_ =	shalt  }
0x4f: {  	_ =	shalt  }
0x50: {  	_ =	shalt  }
0x51: {  	_ =	shalt  }
0x52: {  	_ =	shalt  }
0x53: {  	_ =	shalt  }
0x54: {  	_ =	shalt  }
0x55: {  	_ =	shalt  }
0x56: {  	_ =	shalt  }
0x57: {  	_ =	shalt  }
0x58: {  	_ =	shalt  }
0x59: {  	_ =	shalt  }
0x5a: {  	_ =	shalt  }
0x5b: {  	_ =	shalt  }
0x5c: {  	_ =	shalt  }
0x5d: {  	_ =	shalt  }
0x5e: {  	_ =	shalt  }
0x5f: {  	_ =	shalt  }
0x60: {  	_ =	shalt  }
0x61: {  	_ =	shalt  }
0x62: {  	_ =	shalt  }
0x63: {  	_ =	shalt  }
0x64: {  	_ =	shalt  }
0x65: {  	_ =	shalt  }
0x66: {  	_ =	shalt  }
0x67: {  	_ =	shalt  }
0x68: {  	_ =	shalt  }
0x69: {  	_ =	shalt  }
0x6a: {  	_ =	shalt  }
0x6b: {  	_ =	shalt  }
0x6c: {  	_ =	shalt  }
0x6d: {  	_ =	shalt  }
0x6e: {  	_ =	shalt  }
0x6f: {  	_ =	shalt  }
0x70: {  	_ =	shalt  }
0x71: {  	_ =	shalt  }
0x72: {  	_ =	shalt  }
0x73: {  	_ =	shalt  }
0x74: {  	_ =	shalt  }
0x75: {  	_ =	shalt  }
0x76: {  	_ =	shalt  }
0x77: {  	_ =	shalt  }
0x78: {  	_ =	shalt  }
0x79: {  	_ =	shalt  }
0x7a: {  	_ =	shalt  }
0x7b: {  	_ =	shalt  }
0x7c: {  	_ =	shalt  }
0x7d: {  	_ =	shalt  }
0x7e: {  	_ =	shalt  }
0x7f: {  	_ =	shalt  }
0x80: {  	_ =	shalt  }
0x81: {  	_ =	shalt  }
0x82: {  	_ =	shalt  }
0x83: {  	_ =	shalt  }
0x84: {  	_ =	shalt  }
0x85: {  	_ =	shalt  }
0x86: {  	_ =	shalt  }
0x87: {  	_ =	shalt  }
.Lfunc_end0:
.L_simem_size_0:
called_computation.1_lowered:
.L_overlay_start_0:
0x88: {  	s2 =	sld [smem:$0x3FD9]  }
0x89: {  	s3 =	sld [smem:$0x3FFE];
	_ =	sdelay $0x1  }
0x8a: {  	s1 =	srdreg.scid  }
0x8b: {  	s0 =	sand.u32 $0x1, s1  }
0x8c: {  	s17 =	sshll.u32 s0, $0xA;
	s2 =	sadd.s32 s3, s2  }
0x8d: {  	s2 =	sadd.s32 s2, s17  }
0x8e: {  	[smem:$0x3FBD] =	sst s2  }
0x8f: {  	_ = 	snop  }
0x90: {  	(tm) =	ssettm $0x1  }
0x91: {  	s18 =	sld [smem:$0x3FFB];
	_ =	sdelay $0x3  }
0x92: {  	_ =	strace s18  }
0x93: {  	s2 =	sld [smem:$0x3FFC];
	_ =	sdelay $0x3  }
0x94: {  	_ =	strace s2  }
0x95: {  	s2 =	sld [smem:$0x3FFD];
	_ =	sdelay $0x3  }
0x96: {  	_ =	strace s2  }
0x97: {  	_ =	strace $0x8FFFFFFF  }
0x98: {  	s19 =	sld [smem:$0x3FDB];
	_ =	sdelay $0x1  }
0x99: {  	s20 =	simm.s32 $_scs_section_size  }
0x9a: {  	s4 =	simm.s32 $_size__tile_overlayer_lowered;
	s5 =	simm.s32 $_tile_overlayer_lowered  }
0x9b: {  	s6 =	simm.s32 $0x1BFF;
	s21 =	sshll.u32 s5, $0x1;
	s3 =	sadd.s32 s20, s19  }
0x9c: {  	s22 =	simm.s32 $0x0;
	s4 =	sshll.u32 s4, $0x1;
	s5 =	sadd.s32 s21, s3  }
0x9d: {  	[timem:s22], [sflag:s6] =	dma.local [hbm:s5], s4  }
0x9e: {  	_ =	swait.ge [sflag:s6], s4  }
0x9f: {  	s4 =	ssub.s32 $0x0, s4;
	[sflag:s6] =	ssyncset.done $0x0  }
0xa0: {  	[sflag:s6] =	ssyncadd.s32 s4;
	_ =	sdelay $0x1  }
0xa1: {  	s23 =	simm.s32 $0x1B8B  }
0xa2: {  	_ =	swait.ge [sflag:s23], $0x1  }
0xa3: {  	[sflag:s23] =	ssyncset.done $0x0  }
0xa4: {  	[sflag:s23] =	ssyncadd.s32 $0xFFFFFFFF  }
0xa5: {  	s4 =	sld [smem:$0x0]  }
0xa6: {  	s5 =	sand.u32 $0xFFFFFFFE, s1  }
0xa7: {  	p0 =	sne.s32 s1, s5  }
0xa8: {  	s5 =	sshll.u32 @p0 s5, $0xE  }
0xa9: {  	s5 =	sadd.s32 @p0 $0x11B8D, s5;
	s6 =	sshll.u32 @p0 s4, $0x11  }
0xaa: {  	s5 =	sor.u32 @p0 s6, s5  }
0xab: {  	[sflag:s5] =	ssyncadd.remote.s32 @p0 $0x1;
	_ =	sdelay $0x1  }
0xac: {  	s5 =	simm.s32 @p0 $0x1B8D  }
0xad: {  	_ =	swait.eq @p0 [sflag:s5], $0x1  }
0xae: {  	[sflag:s5] =	ssyncadd.s32 @p0 $0xFFFFFFFF  }
0xaf: {  	s6 =	sshll.u32 @!p0 s1, $0xE  }
0xb0: {  	s6 =	sor.u32 @!p0 $0x4000, s6;
	s5 =	simm.s32 @!p0 $0x1B8D  }
0xb1: {  	s4 =	sshll.u32 @!p0 s4, $0x11;
	s6 =	sadd.s32 @!p0 $0x11B8D, s6;
	_ =	swait.eq @!p0 [sflag:s5], $0x1  }
0xb2: {  	s4 =	sor.u32 @!p0 s4, s6;
	[sflag:s5] =	ssyncadd.s32 @!p0 $0xFFFFFFFF  }
0xb3: {  	s25 =	simm.s32 $0x1B8E;
	s24 =	sld [smem:$0x3FFE];
	[sflag:s4] =	ssyncadd.remote.s32 @!p0 $0x1  }
0xb4: {  	s26 =	simm.s32 $execute0_lowered;
	[smem:$0x3FD2] =	sst s25  }
0xb5: {  	s5 =	sshll.u32 s26, $0x1;
	_ =	strace $0x8000004C;
	[dreg:$0x1] =	wrdreg $0xFFFFFFFF  }
0xb6: {  	s28 =	simm.s32 $_size_execute0_lowered;
	s3 =	sadd.s32 s3, s5;
	[dreg:$0x0] =	wrdreg $0x0  }
0xb7: {  	s5 =	sshll.u32 s28, $0x1;
	[dreg:$0x2] =	wrdreg s3  }
0xb8: {  	[dreg:$0x3] =	wrdreg s5  }
0xb9: {  	[dreg:$0x4] =	wrdreg $0xC0  }
0xba: {  	_ =	task [dreg:s22], $0x5FFFF  }
0xbb: {  	[dreg:$0x1] =	wrdreg $0xFFFFFFFF  }
0xbc: {  	[dreg:$0x0] =	wrdreg $0x60  }
0xbd: {  	[dreg:$0x2] =	wrdreg s24  }
0xbe: {  	[dreg:$0x3] =	wrdreg $0x51000  }
0xbf: {  	[dreg:$0x4] =	wrdreg $0x9  }
0xc0: {  	_ =	task.clear_ibuf [dreg:s22], $0x5FFFF;
	_ =	strace $0x9000004C  }
0xc1: {  	s29 =	simm.s32 $0x9;
	_ =	strace $0x8000004E  }
0xc2: {  	_ =	swait.ge [sflag:s29], $0x1  }
0xc3: {  	[sflag:s29] =	ssyncadd.s32 $0xFFFFFFFF  }
0xc4: {  	_ =	strace $0x9000004E  }
0xc5: {  	_ =	sfence  }
0xc6: {  	s30 =	sld [smem:$0x0];
	_ =	sdelay $0x2  }
0xc7: {  	s31 =	sshll.u32 s1, $0xD;
	s1 =	sshrl.u32 s1, $0x2  }
0xc8: {  	s4 =	sand.u32 $0x4000, s31;
	s1 =	sadd.s32 s1, s30  }
0xc9: {  	s0 =	sor.u32 s4, s0;
	s1 =	sshll.u32 s1, $0x11  }
0xca: {  	s0 =	sor.u32 s1, s0  }
0xcb: {  	s0 =	sadd.s32 $0x8F2B, s0  }
0xcc: {  	[sflag:s0] =	ssyncadd.remote.s32 $0x1  }
0xcd: {  	_ =	sfence.sel $0xFFFF  }
0xce: {  	[dreg:$0x0] =	wrdreg $0xFFFFFFFF;
	(pc) =	sbr.abs _section_cstart, $3  }
0xcf: {  	[dreg:$0x1] =	wrdreg $0xFFFFFFFF  }
0xd0: {  	_ =	task.clear_ibuf [dreg:s22], $0x2FFFF;
	_ =	strace $0x9FFFFFFF  }
0xd1: {  	(tm) =	ssettm $0x7FFFFFFF  }
tec
execute0_lowered:
.L_overlay_start_1:
0x0: {  	(tag) =	ssettag $0x1  }
0x1: {  	s4 =	rddreg [dreg:$0x0]  }
0x2: {  	s2 =	rddreg [dreg:$0x1]  }
0x3: {  	s1 =	stileid.u32;
	s3 =	simm.s32 $0x0;
	s6 =	srdreg.scid  }
0x4: {  	s20 =	simm.s32 $0x1;
	s21 =	simm.s32 $0x2;
	s5 =	smul.u32 $0x14000, s1  }
0x5: {  	s22 =	simm.s32 $0x50;
	s23 =	simm.s32 $0x3;
	s8 =	smul.u32 $0x50000, s1  }
0x6: {  	[smem:$0x7FF] =	sst s3;
	s11 =	sand.u32 $0x1, s6;
	s17 =	smul.u32 $0x2800, s1  }
0x7: {  	s12 =	sadd.s32 $0xEDBE00, s4;
	s14 =	sadd.s32 $0x9200, s4;
	s18 =	smul.u32 $0x28000, s1  }
0x8: {  	s25 =	sshll.u32 s1, $0x1;
	s26 =	sshll.u32 s1, $0x6;
	s7 =	smul.u32 $0x140000, s11  }
0x9: {  	_ =	strace $0x8000004D;
	s9 =	ssub.s32 $0x2, s11;
	s30 =	smul.u32 $0x1400, s11  }
0xa: {  	s19 =	smul.u32 $0x14000, s11;
	s24 =	sshrl.u32 s5, $0x3;
	s10 =	sshrl.u32 s9, $0x1  }
0xb: {  	s8 =	sshrl.u32 s8, $0x2;
	s6 =	sadd.s32 s24, s4;
	s5 =	sadd.s32 s5, s7  }
0xc: {  	s7 =	sor.u32 s11, s25;
	s9 =	ssub.s32 s9, s10;
	s16 =	sadd.s32 s8, s2  }
0xd: {  	s24 =	simm.s32 $0x4;
	s25 =	simm.s32 $0x0;
	s13 =	smul.u32 $0x1400, s7  }
0xe: {  	s5 =	sshrl.u32 s5, $0x3;
	s7 =	smul.u32 $0x14000, s7;
	s9 =	smax.u32 s9, $0x1  }
0xf: {  	s15 =	sadd.s32 s5, s4;
	s4 =	sadd.s32 $0x9DBE00, s6;
	s5 =	sor.u32 $0x1C05, s26  }
0x10: {  	s28 =	sshrl.u32 s13, $0x3;
	s7 =	sadd.s32 s12, s7;
	s13 =	sadd.s32 $0x13B0, s13  }
0x11: {  	s8 =	sadd.s32 $0xA03E00, s15;
	s15 =	sadd.s32 s30, s17;
	s17 =	simm.s32 $0x100  }
0x12: {  	s6 =	sadd.s32 s14, s28;
	s29 =	sshrl.u32 s13, $0x3;
	s13 =	sshll.u32 s13, $0x4  }
0x13: {  	s31 =	sor.u32 $0xA0, s15;
	s15 =	sor.u32 $0x50, s15;
	s10 =	sadd.s32 s14, s29  }
0x14: {  	s11 =	sadd.s32 s12, s13;
	s12 =	sadd.s32 s18, s12;
	s13 =	sshrl.u32 s31, $0x3  }
0x15: {  	s15 =	sshrl.u32 s15, $0x3;
	s18 =	simm.s32 $0x80;
	s12 =	sadd.s32 s19, s12  }
0x16: {  	s13 =	sadd.s32 s13, s14;
	s14 =	sadd.s32 s15, s14;
	s15 =	sshrl.u32 s16, $0x3  }
0x17: {  	s16 =	simm.s32 $0x5;
	s19 =	simm.s32 $0x2900;
	s12 =	sadd.s32 $0xA00, s12  }
.LBB2_1:
0x18: {  	[spmem:s15], [sflag:s5] =	dma.local [hbm:s4], $0x2800  }
0x19: {  	_ =	swait.ge [sflag:s16], $0x2800  }
0x1a: {  	[sflag:s16] =	ssyncset.done $0x0  }
0x1b: {  	[sflag:s16] =	ssyncadd.s32 $0xFFFFD800  }
0x1c: {  	[bflag:$0x0] =	sbarrier.arrive $0xFFFF  }
0x1d: {  	[tilespmem:s3], [sflag:$0x1] =	stream.linear.gather [hbm4b:s6+s3], $0x50, $0x38;
	[tilespmem:$0x19100] =	vst v63  }
0x1e: {  	_ = 	snop  }
0x1f: {  	[tilespmem:s17], [sflag:$0x2] =	stream.linear.gather [hbm4b:s7+s3], $0x2800, $0x38;
	[tilespmem:$0x19100] =	vst v63  }
0x20: {  	s26 =	sadd.s32 $0x0, s14  }
0x21: {  	[tilespmem:s18], [sflag:$0x3] =	stream.linear.gather [hbm4b:s26+s3], $0x50, $0x38;
	[tilespmem:$0x19100] =	vst v63  }
0x22: {  	s30 =	sadd.s32 $0xFFFFFB00, s12  }
0x23: {  	[tilespmem:s19], [sflag:$0x4] =	stream.linear.gather [hbm4b:s30+s3], $0x2800, $0x38;
	[tilespmem:$0x19100] =	vst v63  }
0x24: {  	_ =	swait.ge [sflag:s20], $0x50  }
0x25: {  	[sflag:s20] =	ssyncset.done $0x0  }
0x26: {  	[sflag:s20] =	ssyncadd.s32 $0xFFFFFFB0  }
0x27: {  	_ =	swait.ge [sflag:s21], $0x2800  }
0x28: {  	[sflag:s21] =	ssyncset.done $0x0  }
0x29: {  	[sflag:s21] =	ssyncadd.s32 $0xFFFFD800  }
0x2a: {  	[spmem:s2] =	stream.indirect.scatter.add.f32 [tilespmem:s17], [sflag:$0x5], $0x80, s3, s22, $0xb8;
	[tilespmem:$0x19100] =	vst v63  }
0x2b: {  	_ =	swait.ge [sflag:s16], $0x2800  }
0x2c: {  	[sflag:s16] =	ssyncset.done $0x0  }
0x2d: {  	s31 =	sadd.s32 $0x0, s13;
	[sflag:s16] =	ssyncadd.s32 $0xFFFFD800  }
0x2e: {  	[tilespmem:s3], [sflag:$0x1] =	stream.linear.gather [hbm4b:s31+s3], $0x50, $0x38;
	[tilespmem:$0x19100] =	vst v63  }
0x2f: {  	_ = 	snop  }
0x30: {  	[tilespmem:s17], [sflag:$0x2] =	stream.linear.gather [hbm4b:s12+s3], $0x2800, $0x38;
	[tilespmem:$0x19100] =	vst v63  }
0x31: {  	_ =	swait.ge [sflag:s23], $0x50  }
0x32: {  	[sflag:s23] =	ssyncset.done $0x0  }
0x33: {  	[sflag:s23] =	ssyncadd.s32 $0xFFFFFFB0  }
0x34: {  	_ =	swait.ge [sflag:s24], $0x2800  }
0x35: {  	[sflag:s24] =	ssyncset.done $0x0  }
0x36: {  	[sflag:s24] =	ssyncadd.s32 $0xFFFFD800  }
0x37: {  	[spmem:s2] =	stream.indirect.scatter.add.f32 [tilespmem:s19], [sflag:$0x5], $0x80, s18, s22, $0xb8;
	[tilespmem:$0x19100] =	vst v63  }
0x38: {  	s29 =	simm.s32 $0x28;
	_ =	swait.ge [sflag:s16], $0x2800  }
0x39: {  	s28 =	sadd.s32 $0xA00, s12;
	s26 =	simm.s32 $0x14;
	[sflag:s16] =	ssyncset.done $0x0  }
.LBB2_2:
0x3a: {  	s30 =	sadd.s32 s26, s14  }
0x3b: {  	[sflag:s16] =	ssyncadd.s32 $0xFFFFD800;
	s31 =	smov.u32 s29;
	s0 =	sadd.s32 $0x14, s29  }
0x3c: {  	[tilespmem:s18], [sflag:$0x3] =	stream.linear.gather [hbm4b:s30+s3], $0x50, $0x38;
	[tilespmem:$0x19100] =	vst v63  }
0x3d: {  	p0 =	sne.s32 s29, $0x258;
	s29 =	sadd.s32 $0xFFFFFB00, s28  }
0x3e: {  	[tilespmem:s19], [sflag:$0x4] =	stream.linear.gather [hbm4b:s29+s3], $0x2800, $0x38;
	[tilespmem:$0x19100] =	vst v63  }
0x3f: {  	_ =	swait.ge [sflag:s20], $0x50  }
0x40: {  	[sflag:s20] =	ssyncset.done $0x0  }
0x41: {  	[sflag:s20] =	ssyncadd.s32 $0xFFFFFFB0  }
0x42: {  	_ =	swait.ge [sflag:s21], $0x2800  }
0x43: {  	[sflag:s21] =	ssyncset.done $0x0  }
0x44: {  	[sflag:s21] =	ssyncadd.s32 $0xFFFFD800  }
0x45: {  	[spmem:s2] =	stream.indirect.scatter.add.f32 [tilespmem:s17], [sflag:$0x5], $0x80, s3, s22, $0xb8;
	[tilespmem:$0x19100] =	vst v63  }
0x46: {  	_ =	swait.ge [sflag:s16], $0x2800  }
0x47: {  	[sflag:s16] =	ssyncset.done $0x0  }
0x48: {  	s29 =	sadd.s32 s26, s13;
	s26 =	smov.u32 s31;
	[sflag:s16] =	ssyncadd.s32 $0xFFFFD800  }
0x49: {  	[tilespmem:s3], [sflag:$0x1] =	stream.linear.gather [hbm4b:s29+s3], $0x50, $0x38;
	[tilespmem:$0x19100] =	vst v63  }
0x4a: {  	_ = 	snop  }
0x4b: {  	[tilespmem:s17], [sflag:$0x2] =	stream.linear.gather [hbm4b:s28+s3], $0x2800, $0x38;
	[tilespmem:$0x19100] =	vst v63  }
0x4c: {  	_ =	swait.ge [sflag:s23], $0x50  }
0x4d: {  	[sflag:s23] =	ssyncset.done $0x0  }
0x4e: {  	[sflag:s23] =	ssyncadd.s32 $0xFFFFFFB0  }
0x4f: {  	_ =	swait.ge [sflag:s24], $0x2800  }
.Ltmp0:
0x50: {  	[sflag:s24] =	ssyncset.done $0x0;
	(pc) =	sbr.rel @p0 .LBB2_2-.Ltmp0, $4  }
0x51: {  	[sflag:s24] =	ssyncadd.s32 $0xFFFFD800  }
0x52: {  	[spmem:s2] =	stream.indirect.scatter.add.f32 [tilespmem:s19], [sflag:$0x5], $0x80, s18, s22, $0xb8;
	[tilespmem:$0x19100] =	vst v63  }
0x53: {  	_ =	swait.ge [sflag:s16], $0x2800  }
0x54: {  	s29 =	smov.u32 s0;
	s28 =	sadd.s32 $0xA00, s28;
	[sflag:s16] =	ssyncset.done $0x0  }
0x55: {  	s0 =	sadd.s32 s26, s14;
	[sflag:s16] =	ssyncadd.s32 $0xFFFFD800  }
0x56: {  	[tilespmem:s18], [sflag:$0x3] =	stream.linear.gather [hbm4b:s0+s3], $0x50, $0x38;
	[tilespmem:$0x19100] =	vst v63  }
0x57: {  	s30 =	sadd.s32 $0xFFFFFB00, s28  }
0x58: {  	[tilespmem:s19], [sflag:$0x4] =	stream.linear.gather [hbm4b:s30+s3], $0x2800, $0x38;
	[tilespmem:$0x19100] =	vst v63  }
0x59: {  	_ =	swait.ge [sflag:s20], $0x50  }
0x5a: {  	[sflag:s20] =	ssyncset.done $0x0  }
0x5b: {  	[sflag:s20] =	ssyncadd.s32 $0xFFFFFFB0  }
0x5c: {  	_ =	swait.ge [sflag:s21], $0x2800  }
0x5d: {  	[sflag:s21] =	ssyncset.done $0x0  }
0x5e: {  	[sflag:s21] =	ssyncadd.s32 $0xFFFFD800  }
0x5f: {  	[spmem:s2] =	stream.indirect.scatter.add.f32 [tilespmem:s17], [sflag:$0x5], $0x80, s3, s22, $0xb8;
	[tilespmem:$0x19100] =	vst v63  }
0x60: {  	_ =	swait.ge [sflag:s16], $0x2800  }
0x61: {  	[sflag:s16] =	ssyncset.done $0x0  }
0x62: {  	s31 =	sadd.s32 s26, s13;
	[sflag:s16] =	ssyncadd.s32 $0xFFFFD800  }
0x63: {  	[tilespmem:s3], [sflag:$0x1] =	stream.linear.gather [hbm4b:s31+s3], $0x50, $0x38;
	[tilespmem:$0x19100] =	vst v63  }
0x64: {  	_ = 	snop  }
0x65: {  	[tilespmem:s17], [sflag:$0x2] =	stream.linear.gather [hbm4b:s28+s3], $0x2800, $0x38;
	[tilespmem:$0x19100] =	vst v63  }
0x66: {  	_ =	swait.ge [sflag:s23], $0x50  }
0x67: {  	[sflag:s23] =	ssyncset.done $0x0  }
0x68: {  	[sflag:s23] =	ssyncadd.s32 $0xFFFFFFB0  }
0x69: {  	_ =	swait.ge [sflag:s24], $0x2800  }
0x6a: {  	[sflag:s24] =	ssyncset.done $0x0  }
0x6b: {  	[sflag:s24] =	ssyncadd.s32 $0xFFFFD800  }
0x6c: {  	[spmem:s2] =	stream.indirect.scatter.add.f32 [tilespmem:s19], [sflag:$0x5], $0x80, s18, s22, $0xb8;
	[tilespmem:$0x19100] =	vst v63  }
0x6d: {  	_ =	swait.ge [sflag:s16], $0x2800  }
0x6e: {  	[sflag:s16] =	ssyncset.done $0x0  }
0x6f: {  	[sflag:s16] =	ssyncadd.s32 $0xFFFFD800  }
0x70: {  	[tilespmem:s18], [sflag:$0x3] =	stream.linear.gather [hbm4b:s10+s3], $0x50, $0x38;
	[tilespmem:$0x19100] =	vst v63  }
0x71: {  	_ = 	snop  }
0x72: {  	[tilespmem:s19], [sflag:$0x4] =	stream.linear.gather [hbm4b:s11+s3], $0x2800, $0x38;
	[tilespmem:$0x19100] =	vst v63  }
0x73: {  	_ =	swait.ge [sflag:s20], $0x50  }
0x74: {  	[sflag:s20] =	ssyncset.done $0x0  }
0x75: {  	[sflag:s20] =	ssyncadd.s32 $0xFFFFFFB0  }
0x76: {  	_ =	swait.ge [sflag:s21], $0x2800  }
0x77: {  	[sflag:s21] =	ssyncset.done $0x0  }
0x78: {  	[sflag:s21] =	ssyncadd.s32 $0xFFFFD800  }
0x79: {  	[spmem:s2] =	stream.indirect.scatter.add.f32 [tilespmem:s17], [sflag:$0x5], $0x80, s3, s22, $0xb8;
	[tilespmem:$0x19100] =	vst v63  }
0x7a: {  	_ =	swait.ge [sflag:s16], $0x2800  }
0x7b: {  	[sflag:s16] =	ssyncset.done $0x0  }
0x7c: {  	[sflag:s16] =	ssyncadd.s32 $0xFFFFD800  }
0x7d: {  	_ =	swait.ge [sflag:s23], $0x50  }
0x7e: {  	[sflag:s23] =	ssyncset.done $0x0  }
0x7f: {  	[sflag:s23] =	ssyncadd.s32 $0xFFFFFFB0  }
0x80: {  	_ =	swait.ge [sflag:s24], $0x2800  }
0x81: {  	[sflag:s24] =	ssyncset.done $0x0  }
0x82: {  	[sflag:s24] =	ssyncadd.s32 $0xFFFFD800  }
0x83: {  	[spmem:s2] =	stream.indirect.scatter.add.f32 [tilespmem:s19], [sflag:$0x5], $0x80, s18, s22, $0xb8;
	[tilespmem:$0x19100] =	vst v63  }
0x84: {  	_ =	swait.ge [sflag:s16], $0x2800  }
0x85: {  	s25 =	sadd.s32 $0x1, s25;
	[sflag:s16] =	ssyncset.done $0x0  }
0x86: {  	p0 =	sne.s32 s25, s9;
	[sflag:s16] =	ssyncadd.s32 $0xFFFFD800  }
.Ltmp1:
0x87: {  	[bflag:$0x0] =	sbarrier.arrive $0xFFFF;
	(pc) =	sbr.rel @p0 .LBB2_1-.Ltmp1, $4  }
0x88: {  	[hbm:s8], [sflag:s5] =	dma.local [spmem:s15], $0x2800  }
0x89: {  	_ =	swait.ge [sflag:s16], $0x2800  }
0x8a: {  	[sflag:s16] =	ssyncset.done $0x0  }
0x8b: {  	[sflag:s16] =	ssyncadd.s32 $0xFFFFD800  }
0x8c: {  	_ =	sfence.sel $0x180000  }
0x8d: {  	[bflag:$0x0] =	sbarrier.arrive $0xFFFF  }
0x8e: {  	_ =	strace $0x9000004D  }
0x8f: {  	[bflag:$0x2] =	sbarrier.arrive $0xFFFF  }
0x90: {  	p0 =	sne.s32 s1, $0x0;
	s0 =	rddreg [dreg:$0x2]  }
0x91: {  	s0 =	sadd.s32 @!p0 $0x100000, s0  }
0x92: {  	[sflag:s0] =	ssyncadd.tile.s32 @!p0 $0x1;
	_ =	shalt  }
.Lfunc_end2:
_tile_overlayer_lowered:
.L_overlay_start_2:
0x93: {  	(tag) =	ssettag $0x2  }
0x94: {  	s0 =	rddreg [dreg:$0x0];
	s2 =	stileid.u32  }
0x95: {  	s1 =	rddreg [dreg:$0x1];
	p0 =	sne.s32 s2, $0x0  }
0x96: {  	s3 =	rddreg [dreg:$0x2];
	[bflag:$0x3] =	sbarrier.arrive $0xFFFF;
	s2 =	simm.s32 @!p0 $0x1C05  }
0x97: {  	[timem:s3], [sflag:s2] =	dma.local @!p0 [hbm:s0], s1  }
0x98: {  	s0 =	simm.s32 @!p0 $0x5  }
0x99: {  	_ =	swait.ge @!p0 [sflag:s0], s1  }
0x9a: {  	s1 =	ssub.s32 @!p0 $0x0, s1;
	[sflag:s0] =	ssyncset.done @!p0 $0x0  }
0x9b: {  	[sflag:s0] =	ssyncadd.s32 @!p0 s1  }
0x9c: {  	[bflag:$0x3] =	sbarrier.arrive $0xFFFF  }
0x9d: {  	_ =	shalt  }

// kernel: kernel.16.cloned.1.call-start
scs
__scs_entry_jumppad:
0x0: {  	(pc) =	sbr.rel $0x88, $3  }
0x1: {  	(tag) =	ssettag $0x0;
	lr =	simm.s32 $0x1  }
0x2: {  	[smem:$0x3F96] =	sst lr;
	_ =	strace $0xD0000000  }
0x3: {  	_ = 	snop  }
0x4: {  	_ = 	snop  }
0x5: {  	_ = 	snop  }
0x6: {  	_ = 	snop  }
0x7: {  	_ = 	snop  }
__scs_overlays_trampoline_lowered:
0x8: {  	[smem:$0x3FA5] =	sst s0  }
0x9: {  	[smem:$0x3FA6] =	sst s1  }
0xa: {  	[smem:$0x3FA7] =	sst s2  }
0xb: {  	[smem:$0x3FA8] =	sst s3  }
0xc: {  	[smem:$0x3FA9] =	sst s4  }
0xd: {  	[smem:$0x3FAA] =	sst s5  }
0xe: {  	[smem:$0x3FAB] =	sst s6  }
0xf: {  	[smem:$0x3FAC] =	sst s7  }
0x10: {  	[smem:$0x3FAD] =	sst s8  }
0x11: {  	[smem:$0x3FAE] =	sst s9;
	s0 =	simm.s32 @!p0 $0x0  }
0x12: {  	s1 =	sld [smem:$0x3F94];
	s0 =	simm.s32 @p0 $0x1  }
0x13: {  	[smem:$0x3FAF] =	sst s0;
	s0 =	simm.s32 @!p1 $0x0  }
0x14: {  	s2 =	sld [smem:$0x3F93];
	s0 =	simm.s32 @p1 $0x1  }
0x15: {  	[smem:$0x3FB0] =	sst s0;
	s0 =	simm.s32 @!p2 $0x0  }
0x16: {  	s3 =	sld [smem:$0x3FDB];
	s0 =	simm.s32 @p2 $0x1  }
0x17: {  	s4 =	simm.s32 $0x1BF5;
	[smem:$0x3FB2] =	sst s0  }
0x18: {  	s0 =	sld [smem:$0x3F95];
	_ =	swait.ge [sflag:s4], $0x0  }
0x19: {  	s7 =	sld [smem:$0x3F96]  }
0x1a: {  	s8 =	sadd.s32 $0xFFFFE003, lr  }
0x1b: {  	s9 =	sadd.s32 $0xFFFFFEF7, lr;
	s5 =	simm.s32 $0xFFFFFFFF;
	p2 =	slt.u32 s8, $0xFFFFF086  }
0x1c: {  	p1 =	slt.u32 s9, $0xF7A;
	s5 =	simm.s32 @!p2 $0x0  }
0x1d: {  	s5 =	simm.s32 @p1 $0x1;
	p0 =	seq.s32 s7, s2  }
0x1e: {  	s7 =	smul.u32 @!p0 $0xF7A, s2;
	p2 =	seq.s32 @!p0 s5, $0x0  }
0x1f: {  	s9 =	smul.u32 $0xF7A, s1;
	s8 =	simm.s32 @!p0 $0x1BF5;
	p2 =	por !p2, p0  }
0x20: {  	[sflag:s8] =	ssyncset.s32 @!p0 $0xFFFFF086;
	s6 =	sadd.s32 @!p0 s3, s7;
	s7 =	simm.s32 @!p0 $0x108  }
0x21: {  	s3 =	sadd.s32 s3, s9;
	s6 =	sadd.s32 @!p0 $0x88, s6;
	s7 =	simm.s32 @p2 $0x1082  }
0x22: {  	[simem:s7], [sflag:s8] =	dma.local @!p0 [hbm:s6], $0xF7A  }
0x23: {  	s9 =	sor.u32 $0xD0000000, s2;
	s6 =	simm.s32 $0x108;
	_ =	swait.ge @!p0 [sflag:s8], $0x0  }
0x24: {  	s3 =	sadd.s32 $0x88, s3;
	s6 =	simm.s32 @!p1 $0x1082;
	[sflag:s4] =	ssyncset.s32 $0xFFFFF086  }
0x25: {  	[simem:s6], [sflag:s4] =	dma.local [hbm:s3], $0xF7A  }
0x26: {  	[smem:$0x3F96] =	sst s1;
	(tag) =	ssettag s2;
	_ =	strace s9  }
0x27: {  	s1 =	sld [smem:$0x3FA6]  }
0x28: {  	s2 =	sld [smem:$0x3FA7]  }
0x29: {  	s4 =	sld [smem:$0x3FA9]  }
0x2a: {  	p0 =	seq.s32 s5, $0x0;
	s5 =	sld [smem:$0x3FAA]  }
0x2b: {  	s6 =	sld [smem:$0x3FAB]  }
0x2c: {  	s7 =	sld [smem:$0x3FAC]  }
0x2d: {  	s3 =	simm.s32 $0x108;
	s8 =	sld [smem:$0x3FAD]  }
0x2e: {  	s3 =	simm.s32 @!p0 $0x1082;
	s9 =	sld [smem:$0x3FAE]  }
0x2f: {  	lr =	sadd.s32 s0, s3;
	s0 =	sld [smem:$0x3FA5]  }
0x30: {  	s3 =	sld [smem:$0x3FA8]  }
0x31: {  	[smem:$0x3FB1] =	sst s10  }
0x32: {  	s10 =	sld [smem:$0x3FAF];
	_ =	sdelay $0x3  }
0x33: {  	p0 =	seq.s32 s10, $0x1;
	s10 =	sld [smem:$0x3FB1];
	_ =	sdelay $0x3  }
0x34: {  	[smem:$0x3FB1] =	sst s10  }
0x35: {  	s10 =	sld [smem:$0x3FB0];
	_ =	sdelay $0x3  }
0x36: {  	p1 =	seq.s32 s10, $0x1;
	s10 =	sld [smem:$0x3FB1];
	_ =	sdelay $0x3  }
0x37: {  	[smem:$0x3FB1] =	sst s10  }
0x38: {  	s10 =	sld [smem:$0x3FB2]  }
0x39: {  	_ = 	snop;
	(pc) =	sbr.ind lr, $3  }
0x3a: {  	_ = 	snop  }
0x3b: {  	_ = 	snop  }
0x3c: {  	p2 =	seq.s32 s10, $0x1;
	s10 =	sld [smem:$0x3FB1]  }
0x3d: {  	_ =	shalt  }
0x3e: {  	_ =	shalt  }
0x3f: {  	_ =	shalt  }
0x40: {  	_ =	shalt  }
0x41: {  	_ =	shalt  }
0x42: {  	_ =	shalt  }
0x43: {  	_ =	shalt  }
0x44: {  	_ =	shalt  }
0x45: {  	_ =	shalt  }
0x46: {  	_ =	shalt  }
0x47: {  	_ =	shalt  }
0x48: {  	_ =	shalt  }
0x49: {  	_ =	shalt  }
0x4a: {  	_ =	shalt  }
0x4b: {  	_ =	shalt  }
0x4c: {  	_ =	shalt  }
0x4d: {  	_ =	shalt  }
0x4e: {  	_ =	shalt  }
0x4f: {  	_ =	shalt  }
0x50: {  	_ =	shalt  }
0x51: {  	_ =	shalt  }
0x52: {  	_ =	shalt  }
0x53: {  	_ =	shalt  }
0x54: {  	_ =	shalt  }
0x55: {  	_ =	shalt  }
0x56: {  	_ =	shalt  }
0x57: {  	_ =	shalt  }
0x58: {  	_ =	shalt  }
0x59: {  	_ =	shalt  }
0x5a: {  	_ =	shalt  }
0x5b: {  	_ =	shalt  }
0x5c: {  	_ =	shalt  }
0x5d: {  	_ =	shalt  }
0x5e: {  	_ =	shalt  }
0x5f: {  	_ =	shalt  }
0x60: {  	_ =	shalt  }
0x61: {  	_ =	shalt  }
0x62: {  	_ =	shalt  }
0x63: {  	_ =	shalt  }
0x64: {  	_ =	shalt  }
0x65: {  	_ =	shalt  }
0x66: {  	_ =	shalt  }
0x67: {  	_ =	shalt  }
0x68: {  	_ =	shalt  }
0x69: {  	_ =	shalt  }
0x6a: {  	_ =	shalt  }
0x6b: {  	_ =	shalt  }
0x6c: {  	_ =	shalt  }
0x6d: {  	_ =	shalt  }
0x6e: {  	_ =	shalt  }
0x6f: {  	_ =	shalt  }
0x70: {  	_ =	shalt  }
0x71: {  	_ =	shalt  }
0x72: {  	_ =	shalt  }
0x73: {  	_ =	shalt  }
0x74: {  	_ =	shalt  }
0x75: {  	_ =	shalt  }
0x76: {  	_ =	shalt  }
0x77: {  	_ =	shalt  }
0x78: {  	_ =	shalt  }
0x79: {  	_ =	shalt  }
0x7a: {  	_ =	shalt  }
0x7b: {  	_ =	shalt  }
0x7c: {  	_ =	shalt  }
0x7d: {  	_ =	shalt  }
0x7e: {  	_ =	shalt  }
0x7f: {  	_ =	shalt  }
0x80: {  	_ =	shalt  }
0x81: {  	_ =	shalt  }
0x82: {  	_ =	shalt  }
0x83: {  	_ =	shalt  }
0x84: {  	_ =	shalt  }
0x85: {  	_ =	shalt  }
0x86: {  	_ =	shalt  }
0x87: {  	_ =	shalt  }
.Lfunc_end0:
.L_simem_size_0:
called_computation.2_lowered:
.L_overlay_start_0:
0x88: {  	s2 =	sld [smem:$0x3FD9]  }
0x89: {  	s3 =	sld [smem:$0x3FFE];
	_ =	sdelay $0x1  }
0x8a: {  	s1 =	srdreg.scid  }
0x8b: {  	s0 =	sand.u32 $0x1, s1  }
0x8c: {  	s15 =	sshll.u32 s0, $0xA;
	s2 =	sadd.s32 s3, s2  }
0x8d: {  	s2 =	sadd.s32 s2, s15  }
0x8e: {  	[smem:$0x3FBD] =	sst s2  }
0x8f: {  	_ = 	snop  }
0x90: {  	s2 =	sld [smem:$0x3FD0];
	_ =	sdelay $0x2  }
0x91: {  	s4 =	simm.s32 $0xB;
	s16 =	simm.s32 $0x10  }
0x92: {  	[smem:s16], [sflag:s4] =	dma.local [hbm:s2], $0x1  }
0x93: {  	_ =	swait.eq [sflag:s4], $0x1  }
0x94: {  	[sflag:s4] =	ssyncset.done $0x0  }
0x95: {  	s17 =	sld [smem:$0x10];
	[sflag:s4] =	ssyncadd.s32 $0xFFFFFFFF  }
0x96: {  	s18 =	sld [smem:$0x11];
	(tm) =	ssettm $0x1  }
0x97: {  	s19 =	sld [smem:$0x3FFB];
	_ =	sdelay $0x3  }
0x98: {  	_ =	strace s19  }
0x99: {  	s2 =	sld [smem:$0x3FFC];
	_ =	sdelay $0x3  }
0x9a: {  	_ =	strace s2  }
0x9b: {  	s2 =	sld [smem:$0x3FFD];
	_ =	sdelay $0x3  }
0x9c: {  	_ =	strace s2  }
0x9d: {  	_ =	strace $0x8FFFFFFF  }
0x9e: {  	s20 =	sld [smem:$0x3FDB];
	_ =	sdelay $0x1  }
0x9f: {  	s5 =	simm.s32 $_scs_section_size  }
0xa0: {  	s6 =	simm.s32 $_size__tile_overlayer_lowered;
	s7 =	simm.s32 $_tile_overlayer_lowered  }
0xa1: {  	s8 =	simm.s32 $0x1BFF;
	s21 =	sshll.u32 s7, $0x1;
	s5 =	sadd.s32 s5, s20  }
0xa2: {  	s22 =	simm.s32 $0x0;
	s6 =	sshll.u32 s6, $0x1;
	s7 =	sadd.s32 s21, s5  }
0xa3: {  	[timem:s22], [sflag:s8] =	dma.local [hbm:s7], s6  }
0xa4: {  	_ =	swait.ge [sflag:s8], s6  }
0xa5: {  	s6 =	ssub.s32 $0x0, s6;
	[sflag:s8] =	ssyncset.done $0x0  }
0xa6: {  	[sflag:s8] =	ssyncadd.s32 s6;
	_ =	sdelay $0x1  }
0xa7: {  	s23 =	simm.s32 $0x1B8B  }
0xa8: {  	_ =	swait.ge [sflag:s23], $0x1  }
0xa9: {  	[sflag:s23] =	ssyncset.done $0x0  }
0xaa: {  	[sflag:s23] =	ssyncadd.s32 $0xFFFFFFFF  }
0xab: {  	s6 =	sld [smem:$0x0]  }
0xac: {  	s7 =	sand.u32 $0xFFFFFFFE, s1  }
0xad: {  	p0 =	sne.s32 s1, s7  }
0xae: {  	s7 =	sshll.u32 @p0 s7, $0xE  }
0xaf: {  	s7 =	sadd.s32 @p0 $0x11B8D, s7;
	s8 =	sshll.u32 @p0 s6, $0x11  }
0xb0: {  	s7 =	sor.u32 @p0 s8, s7  }
0xb1: {  	[sflag:s7] =	ssyncadd.remote.s32 @p0 $0x1;
	_ =	sdelay $0x1  }
0xb2: {  	s7 =	simm.s32 @p0 $0x1B8D  }
0xb3: {  	_ =	swait.eq @p0 [sflag:s7], $0x1  }
0xb4: {  	[sflag:s7] =	ssyncadd.s32 @p0 $0xFFFFFFFF  }
0xb5: {  	s8 =	sshll.u32 @!p0 s1, $0xE  }
0xb6: {  	s8 =	sor.u32 @!p0 $0x4000, s8;
	s7 =	simm.s32 @!p0 $0x1B8D  }
0xb7: {  	s6 =	sshll.u32 @!p0 s6, $0x11;
	s8 =	sadd.s32 @!p0 $0x11B8D, s8;
	_ =	swait.eq @!p0 [sflag:s7], $0x1  }
0xb8: {  	s6 =	sor.u32 @!p0 s6, s8;
	[sflag:s7] =	ssyncadd.s32 @!p0 $0xFFFFFFFF  }
0xb9: {  	s25 =	simm.s32 $0x1B8E;
	s24 =	sld [smem:$0x3FFE];
	[sflag:s6] =	ssyncadd.remote.s32 @!p0 $0x1  }
0xba: {  	s26 =	simm.s32 $execute0_lowered;
	[smem:$0x3FD2] =	sst s25  }
0xbb: {  	s7 =	sshll.u32 s26, $0x1;
	_ =	strace $0x80000049;
	[dreg:$0x1] =	wrdreg $0xFFFFFFFF  }
0xbc: {  	s28 =	simm.s32 $_size_execute0_lowered;
	s5 =	sadd.s32 s5, s7;
	[dreg:$0x0] =	wrdreg $0x0  }
0xbd: {  	s7 =	sshll.u32 s28, $0x1;
	[dreg:$0x2] =	wrdreg s5  }
0xbe: {  	[dreg:$0x3] =	wrdreg s7  }
0xbf: {  	[dreg:$0x4] =	wrdreg $0xC0  }
0xc0: {  	_ =	task [dreg:s22], $0x5FFFF  }
0xc1: {  	[dreg:$0x1] =	wrdreg $0xFFFFFFFF  }
0xc2: {  	[dreg:$0x0] =	wrdreg $0x60  }
0xc3: {  	[dreg:$0x2] =	wrdreg s17  }
0xc4: {  	[dreg:$0x3] =	wrdreg s18  }
0xc5: {  	[dreg:$0x4] =	wrdreg s24  }
0xc6: {  	[dreg:$0x5] =	wrdreg $0xA  }
0xc7: {  	_ =	task.clear_ibuf [dreg:s22], $0x6FFFF;
	_ =	strace $0x90000049  }
0xc8: {  	s29 =	simm.s32 $0xA;
	_ =	strace $0x8000004B  }
0xc9: {  	_ =	swait.ge [sflag:s29], $0x1  }
0xca: {  	[sflag:s29] =	ssyncadd.s32 $0xFFFFFFFF  }
0xcb: {  	_ =	strace $0x9000004B  }
0xcc: {  	_ =	sfence  }
0xcd: {  	s30 =	sld [smem:$0x0];
	_ =	sdelay $0x2  }
0xce: {  	s31 =	sshll.u32 s1, $0xD;
	s1 =	sshrl.u32 s1, $0x2  }
0xcf: {  	s4 =	sand.u32 $0x4000, s31;
	s1 =	sadd.s32 s1, s30  }
0xd0: {  	s0 =	sor.u32 s4, s0;
	s1 =	sshll.u32 s1, $0x11  }
0xd1: {  	s0 =	sor.u32 s1, s0  }
0xd2: {  	s0 =	sadd.s32 $0x8F2B, s0  }
0xd3: {  	[sflag:s0] =	ssyncadd.remote.s32 $0x1  }
0xd4: {  	_ =	sfence.sel $0xFFFF  }
0xd5: {  	[dreg:$0x0] =	wrdreg $0xFFFFFFFF;
	(pc) =	sbr.abs _section_cstart, $3  }
0xd6: {  	[dreg:$0x1] =	wrdreg $0xFFFFFFFF  }
0xd7: {  	_ =	task.clear_ibuf [dreg:s22], $0x2FFFF;
	_ =	strace $0x9FFFFFFF  }
0xd8: {  	(tm) =	ssettm $0x7FFFFFFF  }
0xd9: {  	_ =	shalt  }
tec
execute0_lowered:
.L_overlay_start_1:
0x0: {  	(tag) =	ssettag $0x1  }
0x1: {  	s1 =	rddreg [dreg:$0x0]  }
0x2: {  	s2 =	rddreg [dreg:$0x1]  }
0x3: {  	s0 =	rddreg [dreg:$0x2];
	s4 =	simm.s32 $0x0;
	s3 =	srdreg.scid  }
0x4: {  	s16 =	stileid.u32;
	s17 =	simm.s32 $0x50;
	s18 =	simm.s32 $0x200  }
0x5: {  	s19 =	simm.s32 $0x2A00;
	s28 =	simm.s32 $0x4;
	s29 =	simm.s32 $0x0  }
0x6: {  	[smem:$0x7FF] =	sst s4;
	s3 =	sand.u32 $0x1, s3;
	s14 =	smul.u32 $0x2620, s16  }
0x7: {  	s7 =	sshll.u32 s16, $0x1;
	s5 =	sadd.s32 $0x50E200, s0;
	s16 =	smul.u32 $0x26200, s16  }
0x8: {  	s6 =	sadd.s32 $0x513000, s0;
	s12 =	sadd.s32 $0x517E00, s0;
	s15 =	smul.u32 $0x1310, s3  }
0x9: {  	s7 =	sor.u32 s3, s7;
	s8 =	ssub.s32 $0x2, s3;
	s3 =	smul.u32 $0x13100, s3  }
0xa: {  	s0 =	sadd.s32 $0x779E00, s0;
	s9 =	smul.u32 $0x1310, s7;
	s10 =	sshrl.u32 s8, $0x1  }
0xb: {  	_ =	strace $0x8000004A;
	s11 =	smul.u32 $0x98800, s7;
	s13 =	ssub.s32 s8, s10  }
0xc: {  	s30 =	sadd.s32 s15, s14;
	s15 =	simm.s32 $0x5;
	s20 =	sshrl.u32 s9, $0x3  }
0xd: {  	s22 =	sshrl.u32 s11, $0x3;
	s11 =	smax.u32 s13, $0x1;
	s14 =	sadd.s32 $0x50, s30  }
0xe: {  	s21 =	sadd.s32 s5, s20;
	s23 =	sadd.s32 s6, s20;
	s24 =	sadd.s32 $0x12C00, s22  }
0xf: {  	s31 =	sshrl.u32 s14, $0x3;
	s20 =	simm.s32 $0x100;
	[dreg:$0x6] =	wrdreg s21  }
0x10: {  	s22 =	simm.s32 $0x5200;
	[dreg:$0x7] =	wrdreg s23;
	s25 =	sadd.s32 s12, s24  }
0x11: {  	s26 =	sadd.s32 s0, s24;
	s12 =	sadd.s32 s16, s12;
	s0 =	sadd.s32 s16, s0  }
0x12: {  	s14 =	sadd.s32 s31, s5;
	s16 =	simm.s32 $0x80;
	s21 =	simm.s32 $0x180  }
0x13: {  	s23 =	simm.s32 $0x7A00;
	s24 =	simm.s32 $0x1;
	[dreg:$0x8] =	wrdreg s25  }
0x14: {  	[dreg:$0x9] =	wrdreg s26;
	s12 =	sadd.s32 s3, s12;
	s3 =	sadd.s32 s3, s0  }
0x15: {  	s0 =	sadd.s32 $0xA0, s30;
	s25 =	simm.s32 $0x2;
	[dreg:$0x4] =	wrdreg s12  }
0x16: {  	s26 =	simm.s32 $0x3;
	[dreg:$0x5] =	wrdreg s3;
	s3 =	sadd.s32 s31, s6  }
.LBB2_1:
0x17: {  	s7 =	rddreg [dreg:$0x6]  }
0x18: {  	[tilespmem:s4], [sflag:$0x5] =	stream.linear.gather [hbm4b:s7+s4], $0x50, $0x38;
	[tilespmem:$0xA200] =	vst v63  }
0x19: {  	_ =	swait.ge [sflag:s15], $0x50  }
0x1a: {  	[sflag:s15] =	ssyncset.done $0x0  }
0x1b: {  	s12 =	rddreg [dreg:$0x7];
	[sflag:s15] =	ssyncadd.s32 $0xFFFFFFB0  }
0x1c: {  	[tilespmem:s16], [sflag:$0x5] =	stream.linear.gather [hbm4b:s12+s4], $0x50, $0x38;
	[tilespmem:$0xA200] =	vst v63  }
0x1d: {  	_ =	swait.ge [sflag:s15], $0x50  }
0x1e: {  	[sflag:s15] =	ssyncset.done $0x0  }
0x1f: {  	[sflag:s15] =	ssyncadd.s32 $0xFFFFFFB0  }
0x20: {  	[tilespmem:s18], [sflag:$0x1] =	stream.indirect.gather [hbm4b:s1+s17], $0x80, s4, s17, $0xb8;
	[tilespmem:$0xA200] =	vst v63  }
0x21: {  	_ = 	snop  }
0x22: {  	[tilespmem:s19], [sflag:$0x2] =	stream.indirect.gather [hbm4b:s2+s17], $0x80, s16, s17, $0xb8;
	[tilespmem:$0xA200] =	vst v63  }
0x23: {  	_ = 	snop  }
0x24: {  	[tilespmem:s20], [sflag:$0x5] =	stream.linear.gather [hbm4b:s14+s4], $0x50, $0x38;
	[tilespmem:$0xA200] =	vst v63  }
0x25: {  	_ =	swait.ge [sflag:s15], $0x50  }
0x26: {  	[sflag:s15] =	ssyncset.done $0x0  }
0x27: {  	[sflag:s15] =	ssyncadd.s32 $0xFFFFFFB0  }
0x28: {  	[tilespmem:s21], [sflag:$0x5] =	stream.linear.gather [hbm4b:s3+s4], $0x50, $0x38;
	[tilespmem:$0xA200] =	vst v63  }
0x29: {  	_ =	swait.ge [sflag:s15], $0x50  }
0x2a: {  	[sflag:s15] =	ssyncset.done $0x0  }
0x2b: {  	[sflag:s15] =	ssyncadd.s32 $0xFFFFFFB0  }
0x2c: {  	[tilespmem:s22], [sflag:$0x3] =	stream.indirect.gather [hbm4b:s1+s17], $0x80, s20, s17, $0xb8;
	[tilespmem:$0xA200] =	vst v63  }
0x2d: {  	_ = 	snop  }
0x2e: {  	[tilespmem:s23], [sflag:$0x4] =	stream.indirect.gather [hbm4b:s2+s17], $0x80, s21, s17, $0xb8;
	[tilespmem:$0xA200] =	vst v63  }
0x2f: {  	_ =	swait.ge [sflag:s24], $0x2800  }
0x30: {  	[sflag:s24] =	ssyncset.done $0x0  }
0x31: {  	[sflag:s24] =	ssyncadd.s32 $0xFFFFD800  }
0x32: {  	_ =	swait.ge [sflag:s25], $0x2800  }
0x33: {  	s12 =	rddreg [dreg:$0x4];
	[sflag:s25] =	ssyncset.done $0x0  }
0x34: {  	[sflag:s25] =	ssyncadd.s32 $0xFFFFD800;
	s12 =	sadd.s32 $0x0, s12  }
0x35: {  	[hbm4b:s12+s4] =	stream.linear.scatter [tilespmem:s18], [sflag:$0x5], $0x2800, $0x38;
	[tilespmem:$0xA200] =	vst v63  }
0x36: {  	_ =	swait.ge [sflag:s15], $0x2800  }
0x37: {  	s13 =	rddreg [dreg:$0x5];
	[sflag:s15] =	ssyncset.done $0x0  }
0x38: {  	[sflag:s15] =	ssyncadd.s32 $0xFFFFD800;
	s13 =	sadd.s32 $0x0, s13  }
0x39: {  	[hbm4b:s13+s4] =	stream.linear.scatter [tilespmem:s19], [sflag:$0x5], $0x2800, $0x38;
	[tilespmem:$0xA200] =	vst v63  }
0x3a: {  	_ =	swait.ge [sflag:s15], $0x2800  }
0x3b: {  	s30 =	sshrl.u32 s0, $0x3;
	[sflag:s15] =	ssyncset.done $0x0  }
0x3c: {  	s31 =	sadd.s32 s5, s30;
	[sflag:s15] =	ssyncadd.s32 $0xFFFFD800  }
0x3d: {  	[tilespmem:s4], [sflag:$0x5] =	stream.linear.gather [hbm4b:s31+s4], $0x50, $0x38;
	[tilespmem:$0xA200] =	vst v63  }
0x3e: {  	_ =	swait.ge [sflag:s15], $0x50  }
0x3f: {  	[sflag:s15] =	ssyncset.done $0x0  }
0x40: {  	s30 =	sadd.s32 s6, s30;
	[sflag:s15] =	ssyncadd.s32 $0xFFFFFFB0  }
0x41: {  	[tilespmem:s16], [sflag:$0x5] =	stream.linear.gather [hbm4b:s30+s4], $0x50, $0x38;
	[tilespmem:$0xA200] =	vst v63  }
0x42: {  	_ =	swait.ge [sflag:s15], $0x50  }
0x43: {  	[sflag:s15] =	ssyncset.done $0x0  }
0x44: {  	[sflag:s15] =	ssyncadd.s32 $0xFFFFFFB0  }
0x45: {  	[tilespmem:s18], [sflag:$0x1] =	stream.indirect.gather [hbm4b:s1+s17], $0x80, s4, s17, $0xb8;
	[tilespmem:$0xA200] =	vst v63  }
0x46: {  	_ = 	snop  }
0x47: {  	[tilespmem:s19], [sflag:$0x2] =	stream.indirect.gather [hbm4b:s2+s17], $0x80, s16, s17, $0xb8;
	[tilespmem:$0xA200] =	vst v63  }
0x48: {  	_ =	swait.ge [sflag:s26], $0x2800  }
0x49: {  	[sflag:s26] =	ssyncset.done $0x0  }
0x4a: {  	[sflag:s26] =	ssyncadd.s32 $0xFFFFD800  }
0x4b: {  	_ =	swait.ge [sflag:s28], $0x2800  }
0x4c: {  	[sflag:s28] =	ssyncset.done $0x0  }
0x4d: {  	s12 =	sadd.s32 $0x500, s12;
	[sflag:s28] =	ssyncadd.s32 $0xFFFFD800  }
0x4e: {  	[hbm4b:s12+s4] =	stream.linear.scatter [tilespmem:s22], [sflag:$0x5], $0x2800, $0x38;
	[tilespmem:$0xA200] =	vst v63  }
0x4f: {  	_ =	swait.ge [sflag:s15], $0x2800  }
0x50: {  	[sflag:s15] =	ssyncset.done $0x0  }
0x51: {  	s13 =	sadd.s32 $0x500, s13;
	[sflag:s15] =	ssyncadd.s32 $0xFFFFD800  }
0x52: {  	[hbm4b:s13+s4] =	stream.linear.scatter [tilespmem:s23], [sflag:$0x5], $0x2800, $0x38;
	[tilespmem:$0xA200] =	vst v63  }
0x53: {  	s31 =	sadd.s32 $0x14, s14;
	s30 =	simm.s32 $0xA00;
	_ =	swait.ge [sflag:s15], $0x2800  }
0x54: {  	s12 =	smov.u32 s0;
	s13 =	smov.u32 s3;
	[sflag:s15] =	ssyncset.done $0x0  }
.LBB2_2:
0x55: {  	[sflag:s15] =	ssyncadd.s32 $0xFFFFD800  }
0x56: {  	[tilespmem:s20], [sflag:$0x5] =	stream.linear.gather [hbm4b:s31+s4], $0x50, $0x38;
	[tilespmem:$0xA200] =	vst v63  }
0x57: {  	_ =	swait.ge [sflag:s15], $0x50  }
0x58: {  	[sflag:s15] =	ssyncset.done $0x0  }
0x59: {  	s13 =	sadd.s32 $0x14, s13;
	[sflag:s15] =	ssyncadd.s32 $0xFFFFFFB0  }
0x5a: {  	[tilespmem:s21], [sflag:$0x5] =	stream.linear.gather [hbm4b:s13+s4], $0x50, $0x38;
	[tilespmem:$0xA200] =	vst v63  }
0x5b: {  	_ =	swait.ge [sflag:s15], $0x50  }
0x5c: {  	[sflag:s15] =	ssyncset.done $0x0  }
0x5d: {  	[sflag:s15] =	ssyncadd.s32 $0xFFFFFFB0  }
0x5e: {  	[tilespmem:s22], [sflag:$0x3] =	stream.indirect.gather [hbm4b:s1+s17], $0x80, s20, s17, $0xb8;
	[tilespmem:$0xA200] =	vst v63  }
0x5f: {  	_ = 	snop  }
0x60: {  	[tilespmem:s23], [sflag:$0x4] =	stream.indirect.gather [hbm4b:s2+s17], $0x80, s21, s17, $0xb8;
	[tilespmem:$0xA200] =	vst v63  }
0x61: {  	_ =	swait.ge [sflag:s24], $0x2800  }
0x62: {  	[sflag:s24] =	ssyncset.done $0x0  }
0x63: {  	[sflag:s24] =	ssyncadd.s32 $0xFFFFD800  }
0x64: {  	_ =	swait.ge [sflag:s25], $0x2800  }
0x65: {  	s7 =	smov.u32 s30;
	s8 =	rddreg [dreg:$0x4];
	[sflag:s25] =	ssyncset.done $0x0  }
0x66: {  	[sflag:s25] =	ssyncadd.s32 $0xFFFFD800;
	s8 =	sadd.s32 s7, s8  }
0x67: {  	[hbm4b:s8+s4] =	stream.linear.scatter [tilespmem:s18], [sflag:$0x5], $0x2800, $0x38;
	[tilespmem:$0xA200] =	vst v63  }
0x68: {  	_ =	swait.ge [sflag:s15], $0x2800  }
0x69: {  	s9 =	rddreg [dreg:$0x5];
	[sflag:s15] =	ssyncset.done $0x0  }
0x6a: {  	[sflag:s15] =	ssyncadd.s32 $0xFFFFD800;
	s7 =	sadd.s32 s7, s9  }
0x6b: {  	[hbm4b:s7+s4] =	stream.linear.scatter [tilespmem:s19], [sflag:$0x5], $0x2800, $0x38;
	[tilespmem:$0xA200] =	vst v63  }
0x6c: {  	s12 =	sadd.s32 $0xA0, s12;
	_ =	swait.ge [sflag:s15], $0x2800  }
0x6d: {  	s9 =	sshrl.u32 s12, $0x3;
	[sflag:s15] =	ssyncset.done $0x0  }
0x6e: {  	s10 =	sadd.s32 s5, s9;
	[sflag:s15] =	ssyncadd.s32 $0xFFFFD800  }
0x6f: {  	[tilespmem:s4], [sflag:$0x5] =	stream.linear.gather [hbm4b:s10+s4], $0x50, $0x38;
	[tilespmem:$0xA200] =	vst v63  }
0x70: {  	_ =	swait.ge [sflag:s15], $0x50  }
0x71: {  	[sflag:s15] =	ssyncset.done $0x0  }
0x72: {  	s9 =	sadd.s32 s6, s9;
	[sflag:s15] =	ssyncadd.s32 $0xFFFFFFB0  }
0x73: {  	[tilespmem:s16], [sflag:$0x5] =	stream.linear.gather [hbm4b:s9+s4], $0x50, $0x38;
	[tilespmem:$0xA200] =	vst v63  }
0x74: {  	_ =	swait.ge [sflag:s15], $0x50  }
0x75: {  	[sflag:s15] =	ssyncset.done $0x0  }
0x76: {  	[sflag:s15] =	ssyncadd.s32 $0xFFFFFFB0  }
0x77: {  	[tilespmem:s18], [sflag:$0x1] =	stream.indirect.gather [hbm4b:s1+s17], $0x80, s4, s17, $0xb8;
	[tilespmem:$0xA200] =	vst v63  }
0x78: {  	_ = 	snop  }
0x79: {  	[tilespmem:s19], [sflag:$0x2] =	stream.indirect.gather [hbm4b:s2+s17], $0x80, s16, s17, $0xb8;
	[tilespmem:$0xA200] =	vst v63  }
0x7a: {  	_ =	swait.ge [sflag:s26], $0x2800  }
0x7b: {  	[sflag:s26] =	ssyncset.done $0x0  }
0x7c: {  	[sflag:s26] =	ssyncadd.s32 $0xFFFFD800  }
0x7d: {  	_ =	swait.ge [sflag:s28], $0x2800  }
0x7e: {  	[sflag:s28] =	ssyncset.done $0x0  }
0x7f: {  	s8 =	sadd.s32 $0x500, s8;
	[sflag:s28] =	ssyncadd.s32 $0xFFFFD800  }
0x80: {  	[hbm4b:s8+s4] =	stream.linear.scatter [tilespmem:s22], [sflag:$0x5], $0x2800, $0x38;
	[tilespmem:$0xA200] =	vst v63  }
0x81: {  	p0 =	sne.s32 s30, $0x12200;
	_ =	swait.ge [sflag:s15], $0x2800  }
.Ltmp0:
0x82: {  	[sflag:s15] =	ssyncset.done $0x0;
	(pc) =	sbr.rel @p0 .LBB2_2-.Ltmp0, $4  }
0x83: {  	s7 =	sadd.s32 $0x500, s7;
	[sflag:s15] =	ssyncadd.s32 $0xFFFFD800  }
0x84: {  	[hbm4b:s7+s4] =	stream.linear.scatter [tilespmem:s23], [sflag:$0x5], $0x2800, $0x38;
	[tilespmem:$0xA200] =	vst v63  }
0x85: {  	_ =	swait.ge [sflag:s15], $0x2800  }
0x86: {  	s30 =	sadd.s32 $0xA00, s30;
	s31 =	sadd.s32 $0x14, s31;
	[sflag:s15] =	ssyncset.done $0x0  }
0x87: {  	[sflag:s15] =	ssyncadd.s32 $0xFFFFD800  }
0x88: {  	_ =	swait.ge [sflag:s24], $0x2800  }
0x89: {  	[sflag:s24] =	ssyncset.done $0x0  }
0x8a: {  	[sflag:s24] =	ssyncadd.s32 $0xFFFFD800  }
0x8b: {  	_ =	swait.ge [sflag:s25], $0x2800  }
0x8c: {  	[sflag:s25] =	ssyncset.done $0x0  }
0x8d: {  	s7 =	rddreg [dreg:$0x8];
	[sflag:s25] =	ssyncadd.s32 $0xFFFFD800  }
0x8e: {  	[hbm4b:s7+s4] =	stream.linear.scatter [tilespmem:s18], [sflag:$0x5], $0x2800, $0x38;
	[tilespmem:$0xA200] =	vst v63  }
0x8f: {  	s29 =	sadd.s32 $0x1, s29;
	_ =	swait.ge [sflag:s15], $0x2800  }
0x90: {  	p0 =	sne.s32 s29, s11;
	[sflag:s15] =	ssyncset.done $0x0  }
.Ltmp1:
0x91: {  	s31 =	rddreg [dreg:$0x9];
	[sflag:s15] =	ssyncadd.s32 $0xFFFFD800;
	(pc) =	sbr.rel @p0 .LBB2_1-.Ltmp1, $4  }
0x92: {  	[hbm4b:s31+s4] =	stream.linear.scatter [tilespmem:s19], [sflag:$0x5], $0x2800, $0x38;
	[tilespmem:$0xA200] =	vst v63  }
0x93: {  	_ =	swait.ge [sflag:s15], $0x2800  }
0x94: {  	[sflag:s15] =	ssyncset.done $0x0  }
0x95: {  	[sflag:s15] =	ssyncadd.s32 $0xFFFFD800  }
0x96: {  	_ =	sfence.sel $0x180000  }
0x97: {  	[bflag:$0x0] =	sbarrier.arrive $0xFFFF  }
0x98: {  	_ =	strace $0x9000004A  }
0x99: {  	s0 =	stileid.u32;
	[bflag:$0x2] =	sbarrier.arrive $0xFFFF  }
0x9a: {  	p0 =	sne.s32 s0, $0x0;
	s0 =	rddreg [dreg:$0x3]  }
0x9b: {  	s0 =	sadd.s32 @!p0 $0x100000, s0  }
0x9c: {  	[sflag:s0] =	ssyncadd.tile.s32 @!p0 $0x1;
	_ =	shalt  }
.Lfunc_end2:
_tile_overlayer_lowered:
.L_overlay_start_2:
0x9d: {  	(tag) =	ssettag $0x2  }
0x9e: {  	s0 =	rddreg [dreg:$0x0];
	s2 =	stileid.u32  }
0x9f: {  	s1 =	rddreg [dreg:$0x1];
	p0 =	sne.s32 s2, $0x0  }
0xa0: {  	s3 =	rddreg [dreg:$0x2];
	[bflag:$0x3] =	sbarrier.arrive $0xFFFF;
	s2 =	simm.s32 @!p0 $0x1C05  }
0xa1: {  	[timem:s3], [sflag:s2] =	dma.local @!p0 [hbm:s0], s1  }
0xa2: {  	s0 =	simm.s32 @!p0 $0x5  }
0xa3: {  	_ =	swait.ge @!p0 [sflag:s0], s1  }
0xa4: {  	s1 =	ssub.s32 @!p0 $0x0, s1;
	[sflag:s0] =	ssyncset.done @!p0 $0x0  }
0xa5: {  	[sflag:s0] =	ssyncadd.s32 @!p0 s1  }
0xa6: {  	[bflag:$0x3] =	sbarrier.arrive $0xFFFF  }
0xa7: {  	_ =	shalt  }

// kernel: kernel.19.cloned.1.call-start
scs
__scs_entry_jumppad:
0x0: {  	(pc) =	sbr.rel $0x88, $3  }
0x1: {  	(tag) =	ssettag $0x0;
	lr =	simm.s32 $0x1  }
0x2: {  	[smem:$0x3F96] =	sst lr;
	_ =	strace $0xD0000000  }
0x3: {  	_ = 	snop  }
0x4: {  	_ = 	snop  }
0x5: {  	_ = 	snop  }
0x6: {  	_ = 	snop  }
0x7: {  	_ = 	snop  }
__scs_overlays_trampoline_lowered:
0x8: {  	[smem:$0x3FA5] =	sst s0  }
0x9: {  	[smem:$0x3FA6] =	sst s1  }
0xa: {  	[smem:$0x3FA7] =	sst s2  }
0xb: {  	[smem:$0x3FA8] =	sst s3  }
0xc: {  	[smem:$0x3FA9] =	sst s4  }
0xd: {  	[smem:$0x3FAA] =	sst s5  }
0xe: {  	[smem:$0x3FAB] =	sst s6  }
0xf: {  	[smem:$0x3FAC] =	sst s7  }
0x10: {  	[smem:$0x3FAD] =	sst s8  }
0x11: {  	[smem:$0x3FAE] =	sst s9;
	s0 =	simm.s32 @!p0 $0x0  }
0x12: {  	s1 =	sld [smem:$0x3F94];
	s0 =	simm.s32 @p0 $0x1  }
0x13: {  	[smem:$0x3FAF] =	sst s0;
	s0 =	simm.s32 @!p1 $0x0  }
0x14: {  	s2 =	sld [smem:$0x3F93];
	s0 =	simm.s32 @p1 $0x1  }
0x15: {  	[smem:$0x3FB0] =	sst s0;
	s0 =	simm.s32 @!p2 $0x0  }
0x16: {  	s3 =	sld [smem:$0x3FDB];
	s0 =	simm.s32 @p2 $0x1  }
0x17: {  	s4 =	simm.s32 $0x1BF5;
	[smem:$0x3FB2] =	sst s0  }
0x18: {  	s0 =	sld [smem:$0x3F95];
	_ =	swait.ge [sflag:s4], $0x0  }
0x19: {  	s7 =	sld [smem:$0x3F96]  }
0x1a: {  	s8 =	sadd.s32 $0xFFFFE003, lr  }
0x1b: {  	s9 =	sadd.s32 $0xFFFFFEF7, lr;
	s5 =	simm.s32 $0xFFFFFFFF;
	p2 =	slt.u32 s8, $0xFFFFF086  }
0x1c: {  	p1 =	slt.u32 s9, $0xF7A;
	s5 =	simm.s32 @!p2 $0x0  }
0x1d: {  	s5 =	simm.s32 @p1 $0x1;
	p0 =	seq.s32 s7, s2  }
0x1e: {  	s7 =	smul.u32 @!p0 $0xF7A, s2;
	p2 =	seq.s32 @!p0 s5, $0x0  }
0x1f: {  	s9 =	smul.u32 $0xF7A, s1;
	s8 =	simm.s32 @!p0 $0x1BF5;
	p2 =	por !p2, p0  }
0x20: {  	[sflag:s8] =	ssyncset.s32 @!p0 $0xFFFFF086;
	s6 =	sadd.s32 @!p0 s3, s7;
	s7 =	simm.s32 @!p0 $0x108  }
0x21: {  	s3 =	sadd.s32 s3, s9;
	s6 =	sadd.s32 @!p0 $0x88, s6;
	s7 =	simm.s32 @p2 $0x1082  }
0x22: {  	[simem:s7], [sflag:s8] =	dma.local @!p0 [hbm:s6], $0xF7A  }
0x23: {  	s9 =	sor.u32 $0xD0000000, s2;
	s6 =	simm.s32 $0x108;
	_ =	swait.ge @!p0 [sflag:s8], $0x0  }
0x24: {  	s3 =	sadd.s32 $0x88, s3;
	s6 =	simm.s32 @!p1 $0x1082;
	[sflag:s4] =	ssyncset.s32 $0xFFFFF086  }
0x25: {  	[simem:s6], [sflag:s4] =	dma.local [hbm:s3], $0xF7A  }
0x26: {  	[smem:$0x3F96] =	sst s1;
	(tag) =	ssettag s2;
	_ =	strace s9  }
0x27: {  	s1 =	sld [smem:$0x3FA6]  }
0x28: {  	s2 =	sld [smem:$0x3FA7]  }
0x29: {  	s4 =	sld [smem:$0x3FA9]  }
0x2a: {  	p0 =	seq.s32 s5, $0x0;
	s5 =	sld [smem:$0x3FAA]  }
0x2b: {  	s6 =	sld [smem:$0x3FAB]  }
0x2c: {  	s7 =	sld [smem:$0x3FAC]  }
0x2d: {  	s3 =	simm.s32 $0x108;
	s8 =	sld [smem:$0x3FAD]  }
0x2e: {  	s3 =	simm.s32 @!p0 $0x1082;
	s9 =	sld [smem:$0x3FAE]  }
0x2f: {  	lr =	sadd.s32 s0, s3;
	s0 =	sld [smem:$0x3FA5]  }
0x30: {  	s3 =	sld [smem:$0x3FA8]  }
0x31: {  	[smem:$0x3FB1] =	sst s10  }
0x32: {  	s10 =	sld [smem:$0x3FAF];
	_ =	sdelay $0x3  }
0x33: {  	p0 =	seq.s32 s10, $0x1;
	s10 =	sld [smem:$0x3FB1];
	_ =	sdelay $0x3  }
0x34: {  	[smem:$0x3FB1] =	sst s10  }
0x35: {  	s10 =	sld [smem:$0x3FB0];
	_ =	sdelay $0x3  }
0x36: {  	p1 =	seq.s32 s10, $0x1;
	s10 =	sld [smem:$0x3FB1];
	_ =	sdelay $0x3  }
0x37: {  	[smem:$0x3FB1] =	sst s10  }
0x38: {  	s10 =	sld [smem:$0x3FB2]  }
0x39: {  	_ = 	snop;
	(pc) =	sbr.ind lr, $3  }
0x3a: {  	_ = 	snop  }
0x3b: {  	_ = 	snop  }
0x3c: {  	p2 =	seq.s32 s10, $0x1;
	s10 =	sld [smem:$0x3FB1]  }
0x3d: {  	_ =	shalt  }
0x3e: {  	_ =	shalt  }
0x3f: {  	_ =	shalt  }
0x40: {  	_ =	shalt  }
0x41: {  	_ =	shalt  }
0x42: {  	_ =	shalt  }
0x43: {  	_ =	shalt  }
0x44: {  	_ =	shalt  }
0x45: {  	_ =	shalt  }
0x46: {  	_ =	shalt  }
0x47: {  	_ =	shalt  }
0x48: {  	_ =	shalt  }
0x49: {  	_ =	shalt  }
0x4a: {  	_ =	shalt  }
0x4b: {  	_ =	shalt  }
0x4c: {  	_ =	shalt  }
0x4d: {  	_ =	shalt  }
0x4e: {  	_ =	shalt  }
0x4f: {  	_ =	shalt  }
0x50: {  	_ =	shalt  }
0x51: {  	_ =	shalt  }
0x52: {  	_ =	shalt  }
0x53: {  	_ =	shalt  }
0x54: {  	_ =	shalt  }
0x55: {  	_ =	shalt  }
0x56: {  	_ =	shalt  }
0x57: {  	_ =	shalt  }
0x58: {  	_ =	shalt  }
0x59: {  	_ =	shalt  }
0x5a: {  	_ =	shalt  }
0x5b: {  	_ =	shalt  }
0x5c: {  	_ =	shalt  }
0x5d: {  	_ =	shalt  }
0x5e: {  	_ =	shalt  }
0x5f: {  	_ =	shalt  }
0x60: {  	_ =	shalt  }
0x61: {  	_ =	shalt  }
0x62: {  	_ =	shalt  }
0x63: {  	_ =	shalt  }
0x64: {  	_ =	shalt  }
0x65: {  	_ =	shalt  }
0x66: {  	_ =	shalt  }
0x67: {  	_ =	shalt  }
0x68: {  	_ =	shalt  }
0x69: {  	_ =	shalt  }
0x6a: {  	_ =	shalt  }
0x6b: {  	_ =	shalt  }
0x6c: {  	_ =	shalt  }
0x6d: {  	_ =	shalt  }
0x6e: {  	_ =	shalt  }
0x6f: {  	_ =	shalt  }
0x70: {  	_ =	shalt  }
0x71: {  	_ =	shalt  }
0x72: {  	_ =	shalt  }
0x73: {  	_ =	shalt  }
0x74: {  	_ =	shalt  }
0x75: {  	_ =	shalt  }
0x76: {  	_ =	shalt  }
0x77: {  	_ =	shalt  }
0x78: {  	_ =	shalt  }
0x79: {  	_ =	shalt  }
0x7a: {  	_ =	shalt  }
0x7b: {  	_ =	shalt  }
0x7c: {  	_ =	shalt  }
0x7d: {  	_ =	shalt  }
0x7e: {  	_ =	shalt  }
0x7f: {  	_ =	shalt  }
0x80: {  	_ =	shalt  }
0x81: {  	_ =	shalt  }
0x82: {  	_ =	shalt  }
0x83: {  	_ =	shalt  }
0x84: {  	_ =	shalt  }
0x85: {  	_ =	shalt  }
0x86: {  	_ =	shalt  }
0x87: {  	_ =	shalt  }
.Lfunc_end0:
.L_simem_size_0:
called_computation.3_lowered:
.L_overlay_start_0:
0x88: {  	s2 =	sld [smem:$0x3FD9]  }
0x89: {  	s3 =	sld [smem:$0x3FFE];
	_ =	sdelay $0x1  }
0x8a: {  	s1 =	srdreg.scid  }
0x8b: {  	s0 =	sand.u32 $0x1, s1  }
0x8c: {  	s17 =	sshll.u32 s0, $0xA;
	s2 =	sadd.s32 s3, s2  }
0x8d: {  	s2 =	sadd.s32 s2, s17  }
0x8e: {  	[smem:$0x3FBD] =	sst s2  }
0x8f: {  	_ = 	snop  }
0x90: {  	(tm) =	ssettm $0x1  }
0x91: {  	s18 =	sld [smem:$0x3FFB];
	_ =	sdelay $0x3  }
0x92: {  	_ =	strace s18  }
0x93: {  	s2 =	sld [smem:$0x3FFC];
	_ =	sdelay $0x3  }
0x94: {  	_ =	strace s2  }
0x95: {  	s2 =	sld [smem:$0x3FFD];
	_ =	sdelay $0x3  }
0x96: {  	_ =	strace s2  }
0x97: {  	_ =	strace $0x8FFFFFFF  }
0x98: {  	s19 =	sld [smem:$0x3FDB];
	_ =	sdelay $0x1  }
0x99: {  	s20 =	simm.s32 $_scs_section_size  }
0x9a: {  	s4 =	simm.s32 $_size__tile_overlayer_lowered;
	s5 =	simm.s32 $_tile_overlayer_lowered  }
0x9b: {  	s6 =	simm.s32 $0x1BFF;
	s21 =	sshll.u32 s5, $0x1;
	s3 =	sadd.s32 s20, s19  }
0x9c: {  	s22 =	simm.s32 $0x0;
	s4 =	sshll.u32 s4, $0x1;
	s5 =	sadd.s32 s21, s3  }
0x9d: {  	[timem:s22], [sflag:s6] =	dma.local [hbm:s5], s4  }
0x9e: {  	_ =	swait.ge [sflag:s6], s4  }
0x9f: {  	s4 =	ssub.s32 $0x0, s4;
	[sflag:s6] =	ssyncset.done $0x0  }
0xa0: {  	[sflag:s6] =	ssyncadd.s32 s4;
	_ =	sdelay $0x1  }
0xa1: {  	s23 =	simm.s32 $0x1B8B  }
0xa2: {  	_ =	swait.ge [sflag:s23], $0x1  }
0xa3: {  	[sflag:s23] =	ssyncset.done $0x0  }
0xa4: {  	[sflag:s23] =	ssyncadd.s32 $0xFFFFFFFF  }
0xa5: {  	s4 =	sld [smem:$0x0]  }
0xa6: {  	s5 =	sand.u32 $0xFFFFFFFE, s1  }
0xa7: {  	p0 =	sne.s32 s1, s5  }
0xa8: {  	s5 =	sshll.u32 @p0 s5, $0xE  }
0xa9: {  	s5 =	sadd.s32 @p0 $0x11B8D, s5;
	s6 =	sshll.u32 @p0 s4, $0x11  }
0xaa: {  	s5 =	sor.u32 @p0 s6, s5  }
0xab: {  	[sflag:s5] =	ssyncadd.remote.s32 @p0 $0x1;
	_ =	sdelay $0x1  }
0xac: {  	s5 =	simm.s32 @p0 $0x1B8D  }
0xad: {  	_ =	swait.eq @p0 [sflag:s5], $0x1  }
0xae: {  	[sflag:s5] =	ssyncadd.s32 @p0 $0xFFFFFFFF  }
0xaf: {  	s6 =	sshll.u32 @!p0 s1, $0xE  }
0xb0: {  	s6 =	sor.u32 @!p0 $0x4000, s6;
	s5 =	simm.s32 @!p0 $0x1B8D  }
0xb1: {  	s4 =	sshll.u32 @!p0 s4, $0x11;
	s6 =	sadd.s32 @!p0 $0x11B8D, s6;
	_ =	swait.eq @!p0 [sflag:s5], $0x1  }
0xb2: {  	s4 =	sor.u32 @!p0 s4, s6;
	[sflag:s5] =	ssyncadd.s32 @!p0 $0xFFFFFFFF  }
0xb3: {  	s25 =	simm.s32 $0x1B8E;
	s24 =	sld [smem:$0x3FFE];
	[sflag:s4] =	ssyncadd.remote.s32 @!p0 $0x1  }
0xb4: {  	s26 =	simm.s32 $execute0_lowered;
	[smem:$0x3FD2] =	sst s25  }
0xb5: {  	s5 =	sshll.u32 s26, $0x1;
	_ =	strace $0x8000004F;
	[dreg:$0x1] =	wrdreg $0xFFFFFFFF  }
0xb6: {  	s28 =	simm.s32 $_size_execute0_lowered;
	s3 =	sadd.s32 s3, s5;
	[dreg:$0x0] =	wrdreg $0x0  }
0xb7: {  	s5 =	sshll.u32 s28, $0x1;
	[dreg:$0x2] =	wrdreg s3  }
0xb8: {  	[dreg:$0x3] =	wrdreg s5  }
0xb9: {  	[dreg:$0x4] =	wrdreg $0xC0  }
0xba: {  	_ =	task [dreg:s22], $0x5FFFF  }
0xbb: {  	[dreg:$0x1] =	wrdreg $0xFFFFFFFF  }
0xbc: {  	[dreg:$0x0] =	wrdreg $0x60  }
0xbd: {  	[dreg:$0x2] =	wrdreg s24  }
0xbe: {  	[dreg:$0x3] =	wrdreg $0x51000  }
0xbf: {  	[dreg:$0x4] =	wrdreg $0xA  }
0xc0: {  	_ =	task.clear_ibuf [dreg:s22], $0x5FFFF;
	_ =	strace $0x9000004F  }
0xc1: {  	s29 =	simm.s32 $0xA;
	_ =	strace $0x80000051  }
0xc2: {  	_ =	swait.ge [sflag:s29], $0x1  }
0xc3: {  	[sflag:s29] =	ssyncadd.s32 $0xFFFFFFFF  }
0xc4: {  	_ =	strace $0x90000051  }
0xc5: {  	_ =	sfence  }
0xc6: {  	s30 =	sld [smem:$0x0];
	_ =	sdelay $0x2  }
0xc7: {  	s31 =	sshll.u32 s1, $0xD;
	s1 =	sshrl.u32 s1, $0x2  }
0xc8: {  	s4 =	sand.u32 $0x4000, s31;
	s1 =	sadd.s32 s1, s30  }
0xc9: {  	s0 =	sor.u32 s4, s0;
	s1 =	sshll.u32 s1, $0x11  }
0xca: {  	s0 =	sor.u32 s1, s0  }
0xcb: {  	s0 =	sadd.s32 $0x8F2B, s0  }
0xcc: {  	[sflag:s0] =	ssyncadd.remote.s32 $0x1  }
0xcd: {  	_ =	sfence.sel $0xFFFF  }
0xce: {  	[dreg:$0x0] =	wrdreg $0xFFFFFFFF;
	(pc) =	sbr.abs _section_cstart, $3  }
0xcf: {  	[dreg:$0x1] =	wrdreg $0xFFFFFFFF  }
0xd0: {  	_ =	task.clear_ibuf [dreg:s22], $0x2FFFF;
	_ =	strace $0x9FFFFFFF  }
0xd1: {  	(tm) =	ssettm $0x7FFFFFFF  }
tec
execute0_lowered:
.L_overlay_start_1:
0x0: {  	(tag) =	ssettag $0x1  }
0x1: {  	s5 =	rddreg [dreg:$0x0]  }
0x2: {  	s2 =	rddreg [dreg:$0x1]  }
0x3: {  	s0 =	rddreg [dreg:$0x2];
	s3 =	simm.s32 $0x0;
	s1 =	stileid.u32  }
0x4: {  	s4 =	srdreg.scid;
	s18 =	simm.s32 $0x2900;
	s6 =	smul.u32 $0x14000, s1  }
0x5: {  	s19 =	simm.s32 $0x1;
	s20 =	simm.s32 $0x2;
	s11 =	smul.u32 $0x50000, s1  }
0x6: {  	s21 =	simm.s32 $0x50;
	[smem:$0x7FF] =	sst s3;
	s25 =	smul.u32 $0x26200, s1  }
0x7: {  	s9 =	sand.u32 $0x1, s4;
	s10 =	sadd.s32 $0x115BE00, s5;
	s17 =	smul.u32 $0x2620, s1  }
0x8: {  	s4 =	sadd.s32 $0x513000, s5;
	s22 =	sshll.u32 s1, $0x1;
	s7 =	smul.u32 $0x140000, s9  }
0x9: {  	s26 =	sshll.u32 s1, $0x6;
	_ =	strace $0x80000050;
	s29 =	smul.u32 $0x1310, s9  }
0xa: {  	s23 =	ssub.s32 $0x2, s9;
	s30 =	smul.u32 $0x13100, s9;
	s8 =	sshrl.u32 s6, $0x3  }
0xb: {  	s24 =	sshrl.u32 s23, $0x1;
	s11 =	sshrl.u32 s11, $0x2;
	s8 =	sadd.s32 s8, s5  }
0xc: {  	s6 =	sadd.s32 s6, s7;
	s7 =	sor.u32 s9, s22;
	s15 =	ssub.s32 s23, s24  }
0xd: {  	s16 =	sadd.s32 s11, s2;
	s11 =	sadd.s32 s25, s10;
	s31 =	sadd.s32 s29, s17  }
0xe: {  	s17 =	simm.s32 $0x80;
	s22 =	simm.s32 $0x3;
	s23 =	simm.s32 $0x4  }
0xf: {  	s24 =	simm.s32 $0x0;
	s6 =	sshrl.u32 s6, $0x3;
	s13 =	smul.u32 $0x1310, s7  }
0x10: {  	s14 =	smul.u32 $0x13100, s7;
	s11 =	sadd.s32 s30, s11;
	s12 =	sadd.s32 s6, s5  }
0x11: {  	s5 =	sadd.s32 $0x9DBE00, s8;
	s6 =	sor.u32 $0x1C05, s26;
	s11 =	sadd.s32 $0xA00, s11  }
0x12: {  	s28 =	sshrl.u32 s13, $0x3;
	s8 =	sadd.s32 s10, s14;
	s9 =	sadd.s32 $0xA53E00, s12  }
0x13: {  	s10 =	smax.u32 s15, $0x1;
	s13 =	sadd.s32 $0x50, s31;
	s12 =	sadd.s32 $0xA0, s31  }
0x14: {  	s14 =	sshrl.u32 s16, $0x3;
	s15 =	simm.s32 $0x5;
	s13 =	sshrl.u32 s13, $0x3  }
0x15: {  	s16 =	simm.s32 $0x100;
	s7 =	sadd.s32 s4, s28;
	s13 =	sadd.s32 s13, s4  }
.LBB2_1:
0x16: {  	[spmem:s14], [sflag:s6] =	dma.local [hbm:s5], $0x2800  }
0x17: {  	_ =	swait.ge [sflag:s15], $0x2800  }
0x18: {  	[sflag:s15] =	ssyncset.done $0x0  }
0x19: {  	[sflag:s15] =	ssyncadd.s32 $0xFFFFD800  }
0x1a: {  	[bflag:$0x0] =	sbarrier.arrive $0xFFFF  }
0x1b: {  	[tilespmem:s3], [sflag:$0x1] =	stream.linear.gather [hbm4b:s7+s3], $0x50, $0x38;
	[tilespmem:$0x19100] =	vst v63  }
0x1c: {  	_ = 	snop  }
0x1d: {  	[tilespmem:s16], [sflag:$0x2] =	stream.linear.gather [hbm4b:s8+s3], $0x2800, $0x38;
	[tilespmem:$0x19100] =	vst v63  }
0x1e: {  	s25 =	sadd.s32 $0x0, s13  }
0x1f: {  	[tilespmem:s17], [sflag:$0x3] =	stream.linear.gather [hbm4b:s25+s3], $0x50, $0x38;
	[tilespmem:$0x19100] =	vst v63  }
0x20: {  	s30 =	sadd.s32 $0xFFFFFB00, s11  }
0x21: {  	[tilespmem:s18], [sflag:$0x4] =	stream.linear.gather [hbm4b:s30+s3], $0x2800, $0x38;
	[tilespmem:$0x19100] =	vst v63  }
0x22: {  	_ =	swait.ge [sflag:s19], $0x50  }
0x23: {  	[sflag:s19] =	ssyncset.done $0x0  }
0x24: {  	[sflag:s19] =	ssyncadd.s32 $0xFFFFFFB0  }
0x25: {  	_ =	swait.ge [sflag:s20], $0x2800  }
0x26: {  	[sflag:s20] =	ssyncset.done $0x0  }
0x27: {  	[sflag:s20] =	ssyncadd.s32 $0xFFFFD800  }
0x28: {  	[spmem:s2] =	stream.indirect.scatter.add.f32 [tilespmem:s16], [sflag:$0x5], $0x80, s3, s21, $0xb8;
	[tilespmem:$0x19100] =	vst v63  }
0x29: {  	_ =	swait.ge [sflag:s15], $0x2800  }
0x2a: {  	s31 =	sshrl.u32 s12, $0x3;
	[sflag:s15] =	ssyncset.done $0x0  }
0x2b: {  	s25 =	sadd.s32 s4, s31;
	[sflag:s15] =	ssyncadd.s32 $0xFFFFD800  }
0x2c: {  	[tilespmem:s3], [sflag:$0x1] =	stream.linear.gather [hbm4b:s25+s3], $0x50, $0x38;
	[tilespmem:$0x19100] =	vst v63  }
0x2d: {  	_ = 	snop  }
0x2e: {  	[tilespmem:s16], [sflag:$0x2] =	stream.linear.gather [hbm4b:s11+s3], $0x2800, $0x38;
	[tilespmem:$0x19100] =	vst v63  }
0x2f: {  	_ =	swait.ge [sflag:s22], $0x50  }
0x30: {  	[sflag:s22] =	ssyncset.done $0x0  }
0x31: {  	[sflag:s22] =	ssyncadd.s32 $0xFFFFFFB0  }
0x32: {  	_ =	swait.ge [sflag:s23], $0x2800  }
0x33: {  	[sflag:s23] =	ssyncset.done $0x0  }
0x34: {  	[sflag:s23] =	ssyncadd.s32 $0xFFFFD800  }
0x35: {  	[spmem:s2] =	stream.indirect.scatter.add.f32 [tilespmem:s18], [sflag:$0x5], $0x80, s17, s21, $0xb8;
	[tilespmem:$0x19100] =	vst v63  }
0x36: {  	s28 =	simm.s32 $0x14;
	s29 =	simm.s32 $0x28;
	_ =	swait.ge [sflag:s15], $0x2800  }
0x37: {  	s26 =	sadd.s32 $0xA0, s12;
	s25 =	sadd.s32 $0xA00, s11;
	[sflag:s15] =	ssyncset.done $0x0  }
.LBB2_2:
0x38: {  	s30 =	sadd.s32 s28, s13  }
0x39: {  	[sflag:s15] =	ssyncadd.s32 $0xFFFFD800;
	s28 =	smov.u32 s29;
	s31 =	sadd.s32 $0x14, s29  }
0x3a: {  	[tilespmem:s17], [sflag:$0x3] =	stream.linear.gather [hbm4b:s30+s3], $0x50, $0x38;
	[tilespmem:$0x19100] =	vst v63  }
0x3b: {  	p0 =	sne.s32 s29, $0x244;
	s29 =	sadd.s32 $0xFFFFFB00, s25  }
0x3c: {  	[tilespmem:s18], [sflag:$0x4] =	stream.linear.gather [hbm4b:s29+s3], $0x2800, $0x38;
	[tilespmem:$0x19100] =	vst v63  }
0x3d: {  	_ =	swait.ge [sflag:s19], $0x50  }
0x3e: {  	[sflag:s19] =	ssyncset.done $0x0  }
0x3f: {  	[sflag:s19] =	ssyncadd.s32 $0xFFFFFFB0  }
0x40: {  	_ =	swait.ge [sflag:s20], $0x2800  }
0x41: {  	[sflag:s20] =	ssyncset.done $0x0  }
0x42: {  	[sflag:s20] =	ssyncadd.s32 $0xFFFFD800  }
0x43: {  	[spmem:s2] =	stream.indirect.scatter.add.f32 [tilespmem:s16], [sflag:$0x5], $0x80, s3, s21, $0xb8;
	[tilespmem:$0x19100] =	vst v63  }
0x44: {  	_ =	swait.ge [sflag:s15], $0x2800  }
0x45: {  	s29 =	sshrl.u32 s26, $0x3;
	[sflag:s15] =	ssyncset.done $0x0  }
0x46: {  	s29 =	sadd.s32 s4, s29;
	[sflag:s15] =	ssyncadd.s32 $0xFFFFD800  }
0x47: {  	[tilespmem:s3], [sflag:$0x1] =	stream.linear.gather [hbm4b:s29+s3], $0x50, $0x38;
	[tilespmem:$0x19100] =	vst v63  }
0x48: {  	_ = 	snop  }
0x49: {  	[tilespmem:s16], [sflag:$0x2] =	stream.linear.gather [hbm4b:s25+s3], $0x2800, $0x38;
	[tilespmem:$0x19100] =	vst v63  }
0x4a: {  	_ =	swait.ge [sflag:s22], $0x50  }
0x4b: {  	[sflag:s22] =	ssyncset.done $0x0  }
0x4c: {  	[sflag:s22] =	ssyncadd.s32 $0xFFFFFFB0  }
0x4d: {  	_ =	swait.ge [sflag:s23], $0x2800  }
.Ltmp0:
0x4e: {  	[sflag:s23] =	ssyncset.done $0x0;
	(pc) =	sbr.rel @p0 .LBB2_2-.Ltmp0, $4  }
0x4f: {  	[sflag:s23] =	ssyncadd.s32 $0xFFFFD800  }
0x50: {  	[spmem:s2] =	stream.indirect.scatter.add.f32 [tilespmem:s18], [sflag:$0x5], $0x80, s17, s21, $0xb8;
	[tilespmem:$0x19100] =	vst v63  }
0x51: {  	s26 =	sadd.s32 $0xA0, s26;
	_ =	swait.ge [sflag:s15], $0x2800  }
0x52: {  	s29 =	smov.u32 s31;
	s25 =	sadd.s32 $0xA00, s25;
	[sflag:s15] =	ssyncset.done $0x0  }
0x53: {  	s28 =	sadd.s32 s28, s13;
	[sflag:s15] =	ssyncadd.s32 $0xFFFFD800  }
0x54: {  	[tilespmem:s17], [sflag:$0x3] =	stream.linear.gather [hbm4b:s28+s3], $0x50, $0x38;
	[tilespmem:$0x19100] =	vst v63  }
0x55: {  	s31 =	sadd.s32 $0xFFFFFB00, s25  }
0x56: {  	[tilespmem:s18], [sflag:$0x4] =	stream.linear.gather [hbm4b:s31+s3], $0x2800, $0x38;
	[tilespmem:$0x19100] =	vst v63  }
0x57: {  	_ =	swait.ge [sflag:s19], $0x50  }
0x58: {  	[sflag:s19] =	ssyncset.done $0x0  }
0x59: {  	[sflag:s19] =	ssyncadd.s32 $0xFFFFFFB0  }
0x5a: {  	_ =	swait.ge [sflag:s20], $0x2800  }
0x5b: {  	[sflag:s20] =	ssyncset.done $0x0  }
0x5c: {  	[sflag:s20] =	ssyncadd.s32 $0xFFFFD800  }
0x5d: {  	[spmem:s2] =	stream.indirect.scatter.add.f32 [tilespmem:s16], [sflag:$0x5], $0x80, s3, s21, $0xb8;
	[tilespmem:$0x19100] =	vst v63  }
0x5e: {  	_ =	swait.ge [sflag:s15], $0x2800  }
0x5f: {  	s26 =	sshrl.u32 s26, $0x3;
	[sflag:s15] =	ssyncset.done $0x0  }
0x60: {  	s26 =	sadd.s32 s4, s26;
	[sflag:s15] =	ssyncadd.s32 $0xFFFFD800  }
0x61: {  	[tilespmem:s3], [sflag:$0x1] =	stream.linear.gather [hbm4b:s26+s3], $0x50, $0x38;
	[tilespmem:$0x19100] =	vst v63  }
0x62: {  	_ = 	snop  }
0x63: {  	[tilespmem:s16], [sflag:$0x2] =	stream.linear.gather [hbm4b:s25+s3], $0x2800, $0x38;
	[tilespmem:$0x19100] =	vst v63  }
0x64: {  	_ =	swait.ge [sflag:s22], $0x50  }
0x65: {  	[sflag:s22] =	ssyncset.done $0x0  }
0x66: {  	[sflag:s22] =	ssyncadd.s32 $0xFFFFFFB0  }
0x67: {  	_ =	swait.ge [sflag:s23], $0x2800  }
0x68: {  	[sflag:s23] =	ssyncset.done $0x0  }
0x69: {  	[sflag:s23] =	ssyncadd.s32 $0xFFFFD800  }
0x6a: {  	[spmem:s2] =	stream.indirect.scatter.add.f32 [tilespmem:s18], [sflag:$0x5], $0x80, s17, s21, $0xb8;
	[tilespmem:$0x19100] =	vst v63  }
0x6b: {  	_ =	swait.ge [sflag:s15], $0x2800  }
0x6c: {  	[sflag:s15] =	ssyncset.done $0x0  }
0x6d: {  	[sflag:s15] =	ssyncadd.s32 $0xFFFFD800  }
0x6e: {  	_ =	swait.ge [sflag:s19], $0x50  }
0x6f: {  	[sflag:s19] =	ssyncset.done $0x0  }
0x70: {  	[sflag:s19] =	ssyncadd.s32 $0xFFFFFFB0  }
0x71: {  	_ =	swait.ge [sflag:s20], $0x2800  }
0x72: {  	[sflag:s20] =	ssyncset.done $0x0  }
0x73: {  	[sflag:s20] =	ssyncadd.s32 $0xFFFFD800  }
0x74: {  	[spmem:s2] =	stream.indirect.scatter.add.f32 [tilespmem:s16], [sflag:$0x5], $0x80, s3, s21, $0xb8;
	[tilespmem:$0x19100] =	vst v63  }
0x75: {  	_ =	swait.ge [sflag:s15], $0x2800  }
0x76: {  	s24 =	sadd.s32 $0x1, s24;
	[sflag:s15] =	ssyncset.done $0x0  }
0x77: {  	p0 =	sne.s32 s24, s10;
	[sflag:s15] =	ssyncadd.s32 $0xFFFFD800  }
.Ltmp1:
0x78: {  	[bflag:$0x0] =	sbarrier.arrive $0xFFFF;
	(pc) =	sbr.rel @p0 .LBB2_1-.Ltmp1, $4  }
0x79: {  	[hbm:s9], [sflag:s6] =	dma.local [spmem:s14], $0x2800  }
0x7a: {  	_ =	swait.ge [sflag:s15], $0x2800  }
0x7b: {  	[sflag:s15] =	ssyncset.done $0x0  }
0x7c: {  	[sflag:s15] =	ssyncadd.s32 $0xFFFFD800  }
0x7d: {  	_ =	sfence.sel $0x180000  }
0x7e: {  	[bflag:$0x0] =	sbarrier.arrive $0xFFFF  }
0x7f: {  	p0 =	sne.s32 s1, $0x0;
	_ =	strace $0x90000050  }
0x80: {  	s0 =	sadd.s32 @!p0 $0x100000, s0;
	[bflag:$0x2] =	sbarrier.arrive $0xFFFF  }
0x81: {  	[sflag:s0] =	ssyncadd.tile.s32 @!p0 $0x1;
	_ =	shalt  }
.Lfunc_end2:
_tile_overlayer_lowered:
.L_overlay_start_2:
0x82: {  	(tag) =	ssettag $0x2  }
0x83: {  	s0 =	rddreg [dreg:$0x0];
	s2 =	stileid.u32  }
0x84: {  	s1 =	rddreg [dreg:$0x1];
	p0 =	sne.s32 s2, $0x0  }
0x85: {  	s3 =	rddreg [dreg:$0x2];
	[bflag:$0x3] =	sbarrier.arrive $0xFFFF;
	s2 =	simm.s32 @!p0 $0x1C05  }
0x86: {  	[timem:s3], [sflag:s2] =	dma.local @!p0 [hbm:s0], s1  }
0x87: {  	s0 =	simm.s32 @!p0 $0x5  }
0x88: {  	_ =	swait.ge @!p0 [sflag:s0], s1  }
0x89: {  	s1 =	ssub.s32 @!p0 $0x0, s1;
	[sflag:s0] =	ssyncset.done @!p0 $0x0  }
0x8a: {  	[sflag:s0] =	ssyncadd.s32 @!p0 s1  }
0x8b: {  	[bflag:$0x3] =	sbarrier.arrive $0xFFFF  }
0x8c: {  	_ =	shalt  }

</sc_bundles>
